<compile_context>
chip_gen: v7x
topology: tpu7x:2x2x1
jax: 0.10.2.dev20260603
libtpu: 0.0.44.dev20260713+nightly
codegen_flags: <defaults>
</compile_context>

<pallas_src>
import functools

import jax
import jax.numpy as jnp
import numpy as np
from jax import lax
from jax.experimental import pallas as pl
from jax.experimental.pallas import tpu as pltpu
from jax.experimental.pallas import tpu_sc as plsc

_BSZ = 16
_NV = 8
_NB_NODE = 64
_NB_EDGE = 16
_BLK = 8192

_HIGH = jax.lax.Precision.HIGHEST

_LOG2E = float(np.log2(np.e))
_A16 = (_NB_EDGE / 30.0) ** 2 * _LOG2E
_A64 = (_NB_NODE / 20.0) ** 2 * _LOG2E
_tabc = np.zeros((128, 8), np.float32)
_tabc[:_NB_NODE, 0] = np.linspace(0.0, 20.0, _NB_NODE) * np.sqrt(_A64)
_off = -1.0 + (np.arange(128) // _NB_EDGE) * (2.0 / (_NV - 1))
_tabc[:, 1] = 2.0 * _off * _A16
_tabc[:, 2] = 3.0 * _off * _off * _A16
_tabc[:, 3] = (np.arange(128) % _NB_EDGE) * (30.0 / (_NB_EDGE - 1)) \
    * np.sqrt(_A16)
_tabc[:, 4] = -1.0 + (np.arange(128) % _NV) * (2.0 / (_NV - 1))


def _sc_partial_sums(coords4t, bids_i32):
    n = coords4t.shape[1]
    info = plsc.get_sparse_core_info()
    nw = info.num_cores * info.num_subcores
    per_w = n // nw
    nchunk = per_w // 16
    mesh = plsc.VectorSubcoreMesh(core_axis_name="c", subcore_axis_name="s")

    @functools.partial(
        pl.kernel, mesh=mesh,
        out_type=jax.ShapeDtypeStruct((nw, 4, _BSZ, 16), jnp.float32),
        scratch_types=[
            pltpu.VMEM((per_w,), jnp.float32),
            pltpu.VMEM((per_w,), jnp.float32),
            pltpu.VMEM((per_w,), jnp.float32),
            pltpu.VMEM((per_w,), jnp.int32),
            pltpu.VMEM((_BSZ, 16), jnp.float32),
            pltpu.VMEM((_BSZ, 16), jnp.float32),
            pltpu.VMEM((_BSZ, 16), jnp.float32),
            pltpu.VMEM((_BSZ, 16), jnp.float32),
        ],
    )
    def k(c4t_hbm, bids_hbm, out_hbm, xv, yv, zv, bv, xs, ys, zs, cs):
        wid = lax.axis_index("s") * info.num_cores + lax.axis_index("c")
        base = wid * per_w
        pltpu.sync_copy(c4t_hbm.at[0, pl.ds(base, per_w)], xv)
        pltpu.sync_copy(c4t_hbm.at[1, pl.ds(base, per_w)], yv)
        pltpu.sync_copy(c4t_hbm.at[2, pl.ds(base, per_w)], zv)
        pltpu.sync_copy(bids_hbm.at[pl.ds(base, per_w)], bv)
        zero = jnp.zeros((16,), jnp.float32)
        one = jnp.ones((16,), jnp.float32)
        for g in range(_BSZ):
            xs[g, :] = zero
            ys[g, :] = zero
            zs[g, :] = zero
            cs[g, :] = zero

        def body(j, carry):
            sl = pl.ds(j * 16, 16)
            idx = bv[sl]
            xc = xv[sl]
            yc = yv[sl]
            zc = zv[sl]
            for g in range(_BSZ):
                m = idx == g
                xs[g, :] = xs[g, :] + jnp.where(m, xc, zero)
                ys[g, :] = ys[g, :] + jnp.where(m, yc, zero)
                zs[g, :] = zs[g, :] + jnp.where(m, zc, zero)
                cs[g, :] = cs[g, :] + jnp.where(m, one, zero)
            return carry

        lax.fori_loop(0, nchunk, body, 0)
        pltpu.sync_copy(xs, out_hbm.at[wid, 0])
        pltpu.sync_copy(ys, out_hbm.at[wid, 1])
        pltpu.sync_copy(zs, out_hbm.at[wid, 2])
        pltpu.sync_copy(cs, out_hbm.at[wid, 3])

    return k(coords4t, bids_i32)


def _fused_kernel(tabc_ref, partials_ref, coords4_ref, bids_ref,
                  nf_ref, vpos_ref, edge_ref):
    i = pl.program_id(0)
    nblk = pl.num_programs(0)

    c4t = coords4_ref[:, pl.ds(i * _BLK, _BLK)]
    brow = bids_ref[:, pl.ds(i * _BLK, _BLK)]
    gcol = jax.lax.broadcasted_iota(
        jnp.int32, (_BSZ, _BLK), 0).astype(jnp.float32)
    onehot_t = (gcol == brow).astype(jnp.float32)

    bins = partials_ref[...]
    ones16 = jnp.ones((16, 16), jnp.float32)
    rowtot = jax.lax.dot_general(
        bins, ones16, (((1,), (0,)), ((), ())),
        preferred_element_type=jnp.float32, precision=_HIGH)
    gmask = (jax.lax.broadcasted_iota(jnp.int32, (2048, 16), 0) % 16
             == jax.lax.broadcasted_iota(jnp.int32, (2048, 16), 1)
             ).astype(jnp.float32)
    qsel = ((jax.lax.broadcasted_iota(jnp.int32, (4, 2048), 1) // 16) % 4
            == jax.lax.broadcasted_iota(jnp.int32, (4, 2048), 0)
            ).astype(jnp.float32)
    sums = jax.lax.dot_general(
        qsel, rowtot * gmask, (((1,), (0,)), ((), ())),
        preferred_element_type=jnp.float32, precision=_HIGH)

    counts = jnp.maximum(sums[3:4, :], 1.0)
    cents = sums[0:3, :] / counts

    c2g = jnp.sum(cents * cents, axis=0, keepdims=True)
    csg = jnp.sum(cents, axis=0, keepdims=True)
    gtab = jnp.concatenate([cents, c2g, csg], axis=0)
    pg = jax.lax.dot_general(
        gtab, onehot_t, (((1,), (0,)), ((), ())),
        preferred_element_type=jnp.float32, precision=_HIGH)

    x = c4t[0:1, :]
    y = c4t[1:2, :]
    z = c4t[2:3, :]
    d2 = (x * x + y * y + z * z
          - 2.0 * (x * pg[0:1, :] + y * pg[1:2, :] + z * pg[2:3, :])
          + pg[3:4, :])
    d2 = jnp.maximum(d2, 0.0)
    s = (x + y + z) - pg[4:5, :]

    d2c64 = jnp.sqrt(d2 * _A64)
    z64 = d2c64 - tabc_ref[0:_NB_NODE, 0:1]
    nft = jnp.exp2(z64 * (tabc_ref[0:_NB_NODE, 0:1] - d2c64))
    nf_ref[...] = jax.lax.transpose(nft, (1, 0))

    d2a = d2 * _A16
    dist2 = d2a - s * tabc_ref[:, 1:2] + tabc_ref[:, 2:3]
    dist = jnp.sqrt(jnp.maximum(dist2, 0.0))
    zz = dist - tabc_ref[:, 3:4]
    erbf = jnp.exp2(zz * (tabc_ref[:, 3:4] - dist))

    part = jax.lax.dot_general(
        erbf.astype(jnp.bfloat16), onehot_t.astype(jnp.bfloat16),
        (((1,), (1,)), ((), ())),
        preferred_element_type=jnp.float32)

    @pl.when(i == 0)
    def _():
        edge_ref[...] = jnp.zeros_like(edge_ref)
        lane = jax.lax.broadcasted_iota(jnp.int32, (_BSZ, 128), 1)
        gid = jax.lax.broadcasted_iota(jnp.int32, (_BSZ, 128), 0)
        rep_t = (lane // _NV == gid).astype(jnp.float32)
        vpt = jax.lax.dot_general(
            cents, rep_t, (((1,), (0,)), ((), ())),
            preferred_element_type=jnp.float32, precision=_HIGH)
        vpt = vpt + jax.lax.transpose(tabc_ref[:, 4:5], (1, 0))
        vpos_ref[...] = jax.lax.transpose(vpt, (1, 0))

    edge_ref[...] += part

    @pl.when(i == nblk - 1)
    def _():
        edge_ref[...] = edge_ref[...] / counts


def kernel(coords, batch_ids):
    n_real = coords.shape[0]
    nblk = n_real // _BLK
    tabc = jnp.asarray(_tabc)
    bids_row = batch_ids.astype(jnp.float32).reshape(1, n_real)
    coords4t = jnp.concatenate(
        [coords.T, jnp.ones((1, n_real), jnp.float32)], axis=0)

    partials = _sc_partial_sums(coords4t, batch_ids.astype(jnp.int32))
    partials2d = partials.reshape(32 * 4 * _BSZ, 16)

    node_feats, vpos, edge_t = pl.pallas_call(
        _fused_kernel,
        grid=(nblk,),
        in_specs=[
            pl.BlockSpec((128, 8), lambda i: (0, 0)),
            pl.BlockSpec((2048, 16), lambda i: (0, 0)),
            pl.BlockSpec((4, 16384), lambda i: (0, 0)),
            pl.BlockSpec((1, 16384), lambda i: (0, 0)),
        ],
        out_specs=[
            pl.BlockSpec((_BLK, _NB_NODE), lambda i: (i, 0)),
            pl.BlockSpec((_BSZ * _NV, 3), lambda i: (0, 0)),
            pl.BlockSpec((_NV * _NB_EDGE, _BSZ), lambda i: (0, 0)),
        ],
        out_shape=[
            jax.ShapeDtypeStruct((n_real, _NB_NODE), jnp.float32),
            jax.ShapeDtypeStruct((_BSZ * _NV, 3), jnp.float32),
            jax.ShapeDtypeStruct((_NV * _NB_EDGE, _BSZ), jnp.float32),
        ],
    )(tabc, partials2d, coords4t, bids_row)

    vbatch = jnp.repeat(jnp.arange(_BSZ), _NV)
    edge_agg = edge_t.reshape(_NV, _NB_EDGE, _BSZ).transpose(2, 0, 1) \
        .reshape(_BSZ * _NV, _NB_EDGE)
    return vbatch, vpos, node_feats, edge_agg

# --- scband reference (transcript-rebuilt; emitter-appended) ---
"""Pipeline reference for scband-virtual-protein-featuriser-2173253452381 (READ-ONLY COPY).

The authoritative reference and input builder live on the scoring server;
editing this copy changes nothing except your own understanding.
"""

import jax, jax.numpy as jnp
import numpy as np

BSZ = 16
N_VNODES = 8
RBF_NODE = 64
RBF_EDGE = 16


def _rbf(d, n_bases, d_max):
    centers = jnp.linspace(0.0, d_max, n_bases)
    width = d_max / n_bases
    return jnp.exp(-((d[..., None] - centers) / width) ** 2)


def setup_inputs(seed: int = 0) -> dict:
    key = jax.random.key(seed)
    k1, k2 = jax.random.split(key)
    coords = jax.random.normal(k1, (16384, 3), dtype=jnp.float32) * 10.0
    batch_ids = jnp.sort(jax.random.randint(k2, (16384,), 0, BSZ)).astype(jnp.int64)
    return {"coords": coords, "batch_ids": batch_ids}


def reference(coords, batch_ids):
    n_real = coords.shape[0]
    # ---- per-graph segment reduction: counts + centroids (scatter-add) ----
    ones = jnp.ones((n_real,), dtype=coords.dtype)
    counts = jax.ops.segment_sum(ones, batch_ids, num_segments=BSZ)
    centroids = jax.ops.segment_sum(coords, batch_ids, num_segments=BSZ) / jnp.maximum(counts, 1.0)[:, None]
    # ---- virtual node creation: batch['vcenter'].batch = repeat_interleave(arange(bsz), n_nodes) ----
    vbatch = jnp.repeat(jnp.arange(BSZ), N_VNODES)
    # ---- add_vnode_positions_batch('centroid', ...): place vnodes at graph centroid (+ deterministic spread) ----
    offsets = jnp.linspace(-1.0, 1.0, N_VNODES)
    vpos = centroids[vbatch] + offsets[jnp.arange(BSZ * N_VNODES) % N_VNODES][:, None]
    # ---- add_scalar_node_features('real'): RBF expansion of distance-to-centroid (gather centroids by segment id) ----
    d2c = jnp.linalg.norm(coords - centroids[batch_ids], axis=-1)
    node_feats = _rbf(d2c, RBF_NODE, 20.0)
    # ---- add_edge_batch('full', 'vcenter' -> 'real') + add_scalar_edge_features('rbf_16') ----
    # dense v2r distances masked to same-graph pairs, RBF edge features, mean-aggregated per virtual node
    dists = jnp.linalg.norm(vpos[:, None, :] - coords[None, :, :], axis=-1)
    mask = (vbatch[:, None] == batch_ids[None, :]).astype(coords.dtype)
    erbf = _rbf(dists, RBF_EDGE, 30.0)
    denom = jnp.maximum(mask.sum(axis=1), 1.0)[:, None]
    edge_agg = (erbf * mask[..., None]).sum(axis=1) / denom
    return vbatch, vpos, node_feats, edge_agg

if __name__ == "__main__":
    import jax
    _d = setup_inputs()
    print(jax.jit(kernel)(*tuple(_d.values())))

</pallas_src>

<mosaic_0001>
#map = affine_map<(d0, d1) -> (0, 0)>
#map1 = affine_map<(d0, d1) -> (0)>
#map2 = affine_map<(d0, d1) -> (0, 0, 0, 0)>
module attributes {stable_mosaic.version = 14 : i64} {
  func.func @k(%arg0: i32, %arg1: i32, %arg2: memref<4x16384xf32, #tpu.memory_space<hbm>>, %arg3: memref<16384xi32, #tpu.memory_space<hbm>>, %arg4: memref<32x4x16x16xf32, #tpu.memory_space<hbm>>, %arg5: memref<512xf32, #tpu.memory_space<vmem>>, %arg6: memref<512xf32, #tpu.memory_space<vmem>>, %arg7: memref<512xf32, #tpu.memory_space<vmem>>, %arg8: memref<512xi32, #tpu.memory_space<vmem>>, %arg9: memref<16x16xf32, #tpu.memory_space<vmem>>, %arg10: memref<16x16xf32, #tpu.memory_space<vmem>>, %arg11: memref<16x16xf32, #tpu.memory_space<vmem>>, %arg12: memref<16x16xf32, #tpu.memory_space<vmem>>) attributes {dimension_semantics = [#tpu.dimension_semantics<core_parallel>, #tpu.dimension_semantics<subcore_parallel>], iteration_bounds = array<i64: 2, 16>, scalar_prefetch = 0 : i64, scratch_operands = 8 : i64, tpu.core_type = #tpu.core_type<sc_vector_subcore>, window_params = [{transform_indices = #map}, {transform_indices = #map1}, {transform_indices = #map2}]} {
    %mul3A = arith.constant 2 : i32
    %mul3A_0 = arith.muli %arg1, %mul3A : i32
    %add3A = arith.addi %mul3A_0, %arg0 : i32
    %mul3A_1 = arith.constant 512 : i32
    %mul3A_2 = arith.muli %add3A, %mul3A_1 : i32
    %run_scoped3A = arith.constant 0 : i32
    "tpu.region"() ({
      %run_scoped3A_400 = tpu.sem_alloc : memref<!tpu.dma_semaphore, #tpu.memory_space<semaphore_mem>>
      %dma_start3A = tpu.memref_slice %arg2[%run_scoped3A, %mul3A_2] : memref<4x16384xf32, #tpu.memory_space<hbm>> -> memref<1x512xf32, #tpu.memory_space<hbm>>
      %dma_start3A_401 = tpu.memref_squeeze %dma_start3A : memref<1x512xf32, #tpu.memory_space<hbm>> -> memref<512xf32, #tpu.memory_space<hbm>>
      %dma_start3A_402 = tpu.memref_slice %arg2[%run_scoped3A, %mul3A_2] : memref<4x16384xf32, #tpu.memory_space<hbm>> -> memref<1x512xf32, #tpu.memory_space<hbm>>
      %dma_start3A_403 = tpu.memref_squeeze %dma_start3A_402 : memref<1x512xf32, #tpu.memory_space<hbm>> -> memref<512xf32, #tpu.memory_space<hbm>>
      tpu.enqueue_dma source(%dma_start3A_403 : memref<512xf32, #tpu.memory_space<hbm>>) target(%arg5 : memref<512xf32, #tpu.memory_space<vmem>>) target_semaphore(%run_scoped3A_400 : memref<!tpu.dma_semaphore, #tpu.memory_space<semaphore_mem>>)
      %dma_wait3A = tpu.memref_slice %arg2[%run_scoped3A, %mul3A_2] : memref<4x16384xf32, #tpu.memory_space<hbm>> -> memref<1x512xf32, #tpu.memory_space<hbm>>
      %dma_wait3A_404 = tpu.memref_squeeze %dma_wait3A : memref<1x512xf32, #tpu.memory_space<hbm>> -> memref<512xf32, #tpu.memory_space<hbm>>
      %dma_wait3A_405 = tpu.memref_slice %arg2[%run_scoped3A, %mul3A_2] : memref<4x16384xf32, #tpu.memory_space<hbm>> -> memref<1x512xf32, #tpu.memory_space<hbm>>
      %dma_wait3A_406 = tpu.memref_squeeze %dma_wait3A_405 : memref<1x512xf32, #tpu.memory_space<hbm>> -> memref<512xf32, #tpu.memory_space<hbm>>
      tpu.wait_dma2 semaphore(%run_scoped3A_400 : memref<!tpu.dma_semaphore, #tpu.memory_space<semaphore_mem>>) src(%dma_wait3A_406 : memref<512xf32, #tpu.memory_space<hbm>>) dst(%arg5 : memref<512xf32, #tpu.memory_space<vmem>>)
      tpu.yield
    }) : () -> ()
    %run_scoped3A_3 = arith.constant 1 : i32
    "tpu.region"() ({
      %run_scoped3A_400 = tpu.sem_alloc : memref<!tpu.dma_semaphore, #tpu.memory_space<semaphore_mem>>
      %dma_start3A = tpu.memref_slice %arg2[%run_scoped3A_3, %mul3A_2] : memref<4x16384xf32, #tpu.memory_space<hbm>> -> memref<1x512xf32, #tpu.memory_space<hbm>>
      %dma_start3A_401 = tpu.memref_squeeze %dma_start3A : memref<1x512xf32, #tpu.memory_space<hbm>> -> memref<512xf32, #tpu.memory_space<hbm>>
      %dma_start3A_402 = tpu.memref_slice %arg2[%run_scoped3A_3, %mul3A_2] : memref<4x16384xf32, #tpu.memory_space<hbm>> -> memref<1x512xf32, #tpu.memory_space<hbm>>
      %dma_start3A_403 = tpu.memref_squeeze %dma_start3A_402 : memref<1x512xf32, #tpu.memory_space<hbm>> -> memref<512xf32, #tpu.memory_space<hbm>>
      tpu.enqueue_dma source(%dma_start3A_403 : memref<512xf32, #tpu.memory_space<hbm>>) target(%arg6 : memref<512xf32, #tpu.memory_space<vmem>>) target_semaphore(%run_scoped3A_400 : memref<!tpu.dma_semaphore, #tpu.memory_space<semaphore_mem>>)
      %dma_wait3A = tpu.memref_slice %arg2[%run_scoped3A_3, %mul3A_2] : memref<4x16384xf32, #tpu.memory_space<hbm>> -> memref<1x512xf32, #tpu.memory_space<hbm>>
      %dma_wait3A_404 = tpu.memref_squeeze %dma_wait3A : memref<1x512xf32, #tpu.memory_space<hbm>> -> memref<512xf32, #tpu.memory_space<hbm>>
      %dma_wait3A_405 = tpu.memref_slice %arg2[%run_scoped3A_3, %mul3A_2] : memref<4x16384xf32, #tpu.memory_space<hbm>> -> memref<1x512xf32, #tpu.memory_space<hbm>>
      %dma_wait3A_406 = tpu.memref_squeeze %dma_wait3A_405 : memref<1x512xf32, #tpu.memory_space<hbm>> -> memref<512xf32, #tpu.memory_space<hbm>>
      tpu.wait_dma2 semaphore(%run_scoped3A_400 : memref<!tpu.dma_semaphore, #tpu.memory_space<semaphore_mem>>) src(%dma_wait3A_406 : memref<512xf32, #tpu.memory_space<hbm>>) dst(%arg6 : memref<512xf32, #tpu.memory_space<vmem>>)
      tpu.yield
    }) : () -> ()
    %run_scoped3A_4 = arith.constant 2 : i32
    "tpu.region"() ({
      %run_scoped3A_400 = tpu.sem_alloc : memref<!tpu.dma_semaphore, #tpu.memory_space<semaphore_mem>>
      %dma_start3A = tpu.memref_slice %arg2[%run_scoped3A_4, %mul3A_2] : memref<4x16384xf32, #tpu.memory_space<hbm>> -> memref<1x512xf32, #tpu.memory_space<hbm>>
      %dma_start3A_401 = tpu.memref_squeeze %dma_start3A : memref<1x512xf32, #tpu.memory_space<hbm>> -> memref<512xf32, #tpu.memory_space<hbm>>
      %dma_start3A_402 = tpu.memref_slice %arg2[%run_scoped3A_4, %mul3A_2] : memref<4x16384xf32, #tpu.memory_space<hbm>> -> memref<1x512xf32, #tpu.memory_space<hbm>>
      %dma_start3A_403 = tpu.memref_squeeze %dma_start3A_402 : memref<1x512xf32, #tpu.memory_space<hbm>> -> memref<512xf32, #tpu.memory_space<hbm>>
      tpu.enqueue_dma source(%dma_start3A_403 : memref<512xf32, #tpu.memory_space<hbm>>) target(%arg7 : memref<512xf32, #tpu.memory_space<vmem>>) target_semaphore(%run_scoped3A_400 : memref<!tpu.dma_semaphore, #tpu.memory_space<semaphore_mem>>)
      %dma_wait3A = tpu.memref_slice %arg2[%run_scoped3A_4, %mul3A_2] : memref<4x16384xf32, #tpu.memory_space<hbm>> -> memref<1x512xf32, #tpu.memory_space<hbm>>
      %dma_wait3A_404 = tpu.memref_squeeze %dma_wait3A : memref<1x512xf32, #tpu.memory_space<hbm>> -> memref<512xf32, #tpu.memory_space<hbm>>
      %dma_wait3A_405 = tpu.memref_slice %arg2[%run_scoped3A_4, %mul3A_2] : memref<4x16384xf32, #tpu.memory_space<hbm>> -> memref<1x512xf32, #tpu.memory_space<hbm>>
      %dma_wait3A_406 = tpu.memref_squeeze %dma_wait3A_405 : memref<1x512xf32, #tpu.memory_space<hbm>> -> memref<512xf32, #tpu.memory_space<hbm>>
      tpu.wait_dma2 semaphore(%run_scoped3A_400 : memref<!tpu.dma_semaphore, #tpu.memory_space<semaphore_mem>>) src(%dma_wait3A_406 : memref<512xf32, #tpu.memory_space<hbm>>) dst(%arg7 : memref<512xf32, #tpu.memory_space<vmem>>)
      tpu.yield
    }) : () -> ()
    "tpu.region"() ({
      %run_scoped3A_400 = tpu.sem_alloc : memref<!tpu.dma_semaphore, #tpu.memory_space<semaphore_mem>>
      %dma_start3A = tpu.memref_slice %arg3[%mul3A_2] : memref<16384xi32, #tpu.memory_space<hbm>> -> memref<512xi32, #tpu.memory_space<hbm>>
      %dma_start3A_401 = tpu.memref_slice %arg3[%mul3A_2] : memref<16384xi32, #tpu.memory_space<hbm>> -> memref<512xi32, #tpu.memory_space<hbm>>
      tpu.enqueue_dma source(%dma_start3A_401 : memref<512xi32, #tpu.memory_space<hbm>>) target(%arg8 : memref<512xi32, #tpu.memory_space<vmem>>) target_semaphore(%run_scoped3A_400 : memref<!tpu.dma_semaphore, #tpu.memory_space<semaphore_mem>>)
      %dma_wait3A = tpu.memref_slice %arg3[%mul3A_2] : memref<16384xi32, #tpu.memory_space<hbm>> -> memref<512xi32, #tpu.memory_space<hbm>>
      %dma_wait3A_402 = tpu.memref_slice %arg3[%mul3A_2] : memref<16384xi32, #tpu.memory_space<hbm>> -> memref<512xi32, #tpu.memory_space<hbm>>
      tpu.wait_dma2 semaphore(%run_scoped3A_400 : memref<!tpu.dma_semaphore, #tpu.memory_space<semaphore_mem>>) src(%dma_wait3A_402 : memref<512xi32, #tpu.memory_space<hbm>>) dst(%arg8 : memref<512xi32, #tpu.memory_space<vmem>>)
      tpu.yield
    }) : () -> ()
    %broadcast_in_dim3A = arith.constant 0.000000e+00 : f32
    %broadcast_in_dim3A_5 = vector.broadcast %broadcast_in_dim3A : f32 to vector<16xf32>
    %broadcast_in_dim3A_6 = arith.constant 1.000000e+00 : f32
    %broadcast_in_dim3A_7 = vector.broadcast %broadcast_in_dim3A_6 : f32 to vector<16xf32>
    %swap3A = arith.constant 0 : i32
    %swap3A_8 = arith.index_cast %swap3A : i32 to index
    %swap3A_9 = arith.constant 0 : index
    %swap3A_10 = tpu.vector_load %arg9[%swap3A_8, %swap3A_9] {strides = array<i32>} : memref<16x16xf32, #tpu.memory_space<vmem>>, vector<1x16xf32>,
    %swap3A_11 = vector.shape_cast %swap3A_10 : vector<1x16xf32> to vector<16xf32>
    %swap3A_12 = vector.shape_cast %broadcast_in_dim3A_5 : vector<16xf32> to vector<1x16xf32>
    tpu.vector_store %arg9[%swap3A_8, %swap3A_9], %swap3A_12 {strides = array<i32>} : memref<16x16xf32, #tpu.memory_space<vmem>>, vector<1x16xf32>,
    %swap3A_13 = arith.constant 0 : i32
    %swap3A_14 = arith.index_cast %swap3A_13 : i32 to index
    %swap3A_15 = arith.constant 0 : index
    %swap3A_16 = tpu.vector_load %arg10[%swap3A_14, %swap3A_15] {strides = array<i32>} : memref<16x16xf32, #tpu.memory_space<vmem>>, vector<1x16xf32>,
    %swap3A_17 = vector.shape_cast %swap3A_16 : vector<1x16xf32> to vector<16xf32>
    %swap3A_18 = vector.shape_cast %broadcast_in_dim3A_5 : vector<16xf32> to vector<1x16xf32>
    tpu.vector_store %arg10[%swap3A_14, %swap3A_15], %swap3A_18 {strides = array<i32>} : memref<16x16xf32, #tpu.memory_space<vmem>>, vector<1x16xf32>,
    %swap3A_19 = arith.constant 0 : i32
    %swap3A_20 = arith.index_cast %swap3A_19 : i32 to index
    %swap3A_21 = arith.constant 0 : index
    %swap3A_22 = tpu.vector_load %arg11[%swap3A_20, %swap3A_21] {strides = array<i32>} : memref<16x16xf32, #tpu.memory_space<vmem>>, vector<1x16xf32>,
    %swap3A_23 = vector.shape_cast %swap3A_22 : vector<1x16xf32> to vector<16xf32>
    %swap3A_24 = vector.shape_cast %broadcast_in_dim3A_5 : vector<16xf32> to vector<1x16xf32>
    tpu.vector_store %arg11[%swap3A_20, %swap3A_21], %swap3A_24 {strides = array<i32>} : memref<16x16xf32, #tpu.memory_space<vmem>>, vector<1x16xf32>,
    %swap3A_25 = arith.constant 0 : i32
    %swap3A_26 = arith.index_cast %swap3A_25 : i32 to index
    %swap3A_27 = arith.constant 0 : index
    %swap3A_28 = tpu.vector_load %arg12[%swap3A_26, %swap3A_27] {strides = array<i32>} : memref<16x16xf32, #tpu.memory_space<vmem>>, vector<1x16xf32>,
    %swap3A_29 = vector.shape_cast %swap3A_28 : vector<1x16xf32> to vector<16xf32>
    %swap3A_30 = vector.shape_cast %broadcast_in_dim3A_5 : vector<16xf32> to vector<1x16xf32>
    tpu.vector_store %arg12[%swap3A_26, %swap3A_27], %swap3A_30 {strides = array<i32>} : memref<16x16xf32, #tpu.memory_space<vmem>>, vector<1x16xf32>,
    %swap3A_31 = arith.constant 1 : i32
    %swap3A_32 = arith.index_cast %swap3A_31 : i32 to index
    %swap3A_33 = arith.constant 0 : index
    %swap3A_34 = tpu.vector_load %arg9[%swap3A_32, %swap3A_33] {strides = array<i32>} : memref<16x16xf32, #tpu.memory_space<vmem>>, vector<1x16xf32>,
    %swap3A_35 = vector.shape_cast %swap3A_34 : vector<1x16xf32> to vector<16xf32>
    %swap3A_36 = vector.shape_cast %broadcast_in_dim3A_5 : vector<16xf32> to vector<1x16xf32>
    tpu.vector_store %arg9[%swap3A_32, %swap3A_33], %swap3A_36 {strides = array<i32>} : memref<16x16xf32, #tpu.memory_space<vmem>>, vector<1x16xf32>,
    %swap3A_37 = arith.constant 1 : i32
    %swap3A_38 = arith.index_cast %swap3A_37 : i32 to index
    %swap3A_39 = arith.constant 0 : index
    %swap3A_40 = tpu.vector_load %arg10[%swap3A_38, %swap3A_39] {strides = array<i32>} : memref<16x16xf32, #tpu.memory_space<vmem>>, vector<1x16xf32>,
    %swap3A_41 = vector.shape_cast %swap3A_40 : vector<1x16xf32> to vector<16xf32>
    %swap3A_42 = vector.shape_cast %broadcast_in_dim3A_5 : vector<16xf32> to vector<1x16xf32>
    tpu.vector_store %arg10[%swap3A_38, %swap3A_39], %swap3A_42 {strides = array<i32>} : memref<16x16xf32, #tpu.memory_space<vmem>>, vector<1x16xf32>,
    %swap3A_43 = arith.constant 1 : i32
    %swap3A_44 = arith.index_cast %swap3A_43 : i32 to index
    %swap3A_45 = arith.constant 0 : index
    %swap3A_46 = tpu.vector_load %arg11[%swap3A_44, %swap3A_45] {strides = array<i32>} : memref<16x16xf32, #tpu.memory_space<vmem>>, vector<1x16xf32>,
    %swap3A_47 = vector.shape_cast %swap3A_46 : vector<1x16xf32> to vector<16xf32>
    %swap3A_48 = vector.shape_cast %broadcast_in_dim3A_5 : vector<16xf32> to vector<1x16xf32>
    tpu.vector_store %arg11[%swap3A_44, %swap3A_45], %swap3A_48 {strides = array<i32>} : memref<16x16xf32, #tpu.memory_space<vmem>>, vector<1x16xf32>,
    %swap3A_49 = arith.constant 1 : i32
    %swap3A_50 = arith.index_cast %swap3A_49 : i32 to index
    %swap3A_51 = arith.constant 0 : index
    %swap3A_52 = tpu.vector_load %arg12[%swap3A_50, %swap3A_51] {strides = array<i32>} : memref<16x16xf32, #tpu.memory_space<vmem>>, vector<1x16xf32>,
    %swap3A_53 = vector.shape_cast %swap3A_52 : vector<1x16xf32> to vector<16xf32>
    %swap3A_54 = vector.shape_cast %broadcast_in_dim3A_5 : vector<16xf32> to vector<1x16xf32>
    tpu.vector_store %arg12[%swap3A_50, %swap3A_51], %swap3A_54 {strides = array<i32>} : memref<16x16xf32, #tpu.memory_space<vmem>>, vector<1x16xf32>,
    %swap3A_55 = arith.constant 2 : i32
    %swap3A_56 = arith.index_cast %swap3A_55 : i32 to index
    %swap3A_57 = arith.constant 0 : index
    %swap3A_58 = tpu.vector_load %arg9[%swap3A_56, %swap3A_57] {strides = array<i32>} : memref<16x16xf32, #tpu.memory_space<vmem>>, vector<1x16xf32>,
    %swap3A_59 = vector.shape_cast %swap3A_58 : vector<1x16xf32> to vector<16xf32>
    %swap3A_60 = vector.shape_cast %broadcast_in_dim3A_5 : vector<16xf32> to vector<1x16xf32>
    tpu.vector_store %arg9[%swap3A_56, %swap3A_57], %swap3A_60 {strides = array<i32>} : memref<16x16xf32, #tpu.memory_space<vmem>>, vector<1x16xf32>,
    %swap3A_61 = arith.constant 2 : i32
    %swap3A_62 = arith.index_cast %swap3A_61 : i32 to index
    %swap3A_63 = arith.constant 0 : index
    %swap3A_64 = tpu.vector_load %arg10[%swap3A_62, %swap3A_63] {strides = array<i32>} : memref<16x16xf32, #tpu.memory_space<vmem>>, vector<1x16xf32>,
    %swap3A_65 = vector.shape_cast %swap3A_64 : vector<1x16xf32> to vector<16xf32>
    %swap3A_66 = vector.shape_cast %broadcast_in_dim3A_5 : vector<16xf32> to vector<1x16xf32>
    tpu.vector_store %arg10[%swap3A_62, %swap3A_63], %swap3A_66 {strides = array<i32>} : memref<16x16xf32, #tpu.memory_space<vmem>>, vector<1x16xf32>,
    %swap3A_67 = arith.constant 2 : i32
    %swap3A_68 = arith.index_cast %swap3A_67 : i32 to index
    %swap3A_69 = arith.constant 0 : index
    %swap3A_70 = tpu.vector_load %arg11[%swap3A_68, %swap3A_69] {strides = array<i32>} : memref<16x16xf32, #tpu.memory_space<vmem>>, vector<1x16xf32>,
    %swap3A_71 = vector.shape_cast %swap3A_70 : vector<1x16xf32> to vector<16xf32>
    %swap3A_72 = vector.shape_cast %broadcast_in_dim3A_5 : vector<16xf32> to vector<1x16xf32>
    tpu.vector_store %arg11[%swap3A_68, %swap3A_69], %swap3A_72 {strides = array<i32>} : memref<16x16xf32, #tpu.memory_space<vmem>>, vector<1x16xf32>,
    %swap3A_73 = arith.constant 2 : i32
    %swap3A_74 = arith.index_cast %swap3A_73 : i32 to index
    %swap3A_75 = arith.constant 0 : index
    %swap3A_76 = tpu.vector_load %arg12[%swap3A_74, %swap3A_75] {strides = array<i32>} : memref<16x16xf32, #tpu.memory_space<vmem>>, vector<1x16xf32>,
    %swap3A_77 = vector.shape_cast %swap3A_76 : vector<1x16xf32> to vector<16xf32>
    %swap3A_78 = vector.shape_cast %broadcast_in_dim3A_5 : vector<16xf32> to vector<1x16xf32>
    tpu.vector_store %arg12[%swap3A_74, %swap3A_75], %swap3A_78 {strides = array<i32>} : memref<16x16xf32, #tpu.memory_space<vmem>>, vector<1x16xf32>,
    %swap3A_79 = arith.constant 3 : i32
    %swap3A_80 = arith.index_cast %swap3A_79 : i32 to index
    %swap3A_81 = arith.constant 0 : index
    %swap3A_82 = tpu.vector_load %arg9[%swap3A_80, %swap3A_81] {strides = array<i32>} : memref<16x16xf32, #tpu.memory_space<vmem>>, vector<1x16xf32>,
    %swap3A_83 = vector.shape_cast %swap3A_82 : vector<1x16xf32> to vector<16xf32>
    %swap3A_84 = vector.shape_cast %broadcast_in_dim3A_5 : vector<16xf32> to vector<1x16xf32>
    tpu.vector_store %arg9[%swap3A_80, %swap3A_81], %swap3A_84 {strides = array<i32>} : memref<16x16xf32, #tpu.memory_space<vmem>>, vector<1x16xf32>,
    %swap3A_85 = arith.constant 3 : i32
    %swap3A_86 = arith.index_cast %swap3A_85 : i32 to index
    %swap3A_87 = arith.constant 0 : index
    %swap3A_88 = tpu.vector_load %arg10[%swap3A_86, %swap3A_87] {strides = array<i32>} : memref<16x16xf32, #tpu.memory_space<vmem>>, vector<1x16xf32>,
    %swap3A_89 = vector.shape_cast %swap3A_88 : vector<1x16xf32> to vector<16xf32>
    %swap3A_90 = vector.shape_cast %broadcast_in_dim3A_5 : vector<16xf32> to vector<1x16xf32>
    tpu.vector_store %arg10[%swap3A_86, %swap3A_87], %swap3A_90 {strides = array<i32>} : memref<16x16xf32, #tpu.memory_space<vmem>>, vector<1x16xf32>,
    %swap3A_91 = arith.constant 3 : i32
    %swap3A_92 = arith.index_cast %swap3A_91 : i32 to index
    %swap3A_93 = arith.constant 0 : index
    %swap3A_94 = tpu.vector_load %arg11[%swap3A_92, %swap3A_93] {strides = array<i32>} : memref<16x16xf32, #tpu.memory_space<vmem>>, vector<1x16xf32>,
    %swap3A_95 = vector.shape_cast %swap3A_94 : vector<1x16xf32> to vector<16xf32>
    %swap3A_96 = vector.shape_cast %broadcast_in_dim3A_5 : vector<16xf32> to vector<1x16xf32>
    tpu.vector_store %arg11[%swap3A_92, %swap3A_93], %swap3A_96 {strides = array<i32>} : memref<16x16xf32, #tpu.memory_space<vmem>>, vector<1x16xf32>,
    %swap3A_97 = arith.constant 3 : i32
    %swap3A_98 = arith.index_cast %swap3A_97 : i32 to index
    %swap3A_99 = arith.constant 0 : index
    %swap3A_100 = tpu.vector_load %arg12[%swap3A_98, %swap3A_99] {strides = array<i32>} : memref<16x16xf32, #tpu.memory_space<vmem>>, vector<1x16xf32>,
    %swap3A_101 = vector.shape_cast %swap3A_100 : vector<1x16xf32> to vector<16xf32>
    %swap3A_102 = vector.shape_cast %broadcast_in_dim3A_5 : vector<16xf32> to vector<1x16xf32>
    tpu.vector_store %arg12[%swap3A_98, %swap3A_99], %swap3A_102 {strides = array<i32>} : memref<16x16xf32, #tpu.memory_space<vmem>>, vector<1x16xf32>,
    %swap3A_103 = arith.constant 4 : i32
    %swap3A_104 = arith.index_cast %swap3A_103 : i32 to index
    %swap3A_105 = arith.constant 0 : index
    %swap3A_106 = tpu.vector_load %arg9[%swap3A_104, %swap3A_105] {strides = array<i32>} : memref<16x16xf32, #tpu.memory_space<vmem>>, vector<1x16xf32>,
    %swap3A_107 = vector.shape_cast %swap3A_106 : vector<1x16xf32> to vector<16xf32>
    %swap3A_108 = vector.shape_cast %broadcast_in_dim3A_5 : vector<16xf32> to vector<1x16xf32>
    tpu.vector_store %arg9[%swap3A_104, %swap3A_105], %swap3A_108 {strides = array<i32>} : memref<16x16xf32, #tpu.memory_space<vmem>>, vector<1x16xf32>,
    %swap3A_109 = arith.constant 4 : i32
    %swap3A_110 = arith.index_cast %swap3A_109 : i32 to index
    %swap3A_111 = arith.constant 0 : index
    %swap3A_112 = tpu.vector_load %arg10[%swap3A_110, %swap3A_111] {strides = array<i32>} : memref<16x16xf32, #tpu.memory_space<vmem>>, vector<1x16xf32>,
    %swap3A_113 = vector.shape_cast %swap3A_112 : vector<1x16xf32> to vector<16xf32>
    %swap3A_114 = vector.shape_cast %broadcast_in_dim3A_5 : vector<16xf32> to vector<1x16xf32>
    tpu.vector_store %arg10[%swap3A_110, %swap3A_111], %swap3A_114 {strides = array<i32>} : memref<16x16xf32, #tpu.memory_space<vmem>>, vector<1x16xf32>,
    %swap3A_115 = arith.constant 4 : i32
    %swap3A_116 = arith.index_cast %swap3A_115 : i32 to index
    %swap3A_117 = arith.constant 0 : index
    %swap3A_118 = tpu.vector_load %arg11[%swap3A_116, %swap3A_117] {strides = array<i32>} : memref<16x16xf32, #tpu.memory_space<vmem>>, vector<1x16xf32>,
    %swap3A_119 = vector.shape_cast %swap3A_118 : vector<1x16xf32> to vector<16xf32>
    %swap3A_120 = vector.shape_cast %broadcast_in_dim3A_5 : vector<16xf32> to vector<1x16xf32>
    tpu.vector_store %arg11[%swap3A_116, %swap3A_117], %swap3A_120 {strides = array<i32>} : memref<16x16xf32, #tpu.memory_space<vmem>>, vector<1x16xf32>,
    %swap3A_121 = arith.constant 4 : i32
    %swap3A_122 = arith.index_cast %swap3A_121 : i32 to index
    %swap3A_123 = arith.constant 0 : index
    %swap3A_124 = tpu.vector_load %arg12[%swap3A_122, %swap3A_123] {strides = array<i32>} : memref<16x16xf32, #tpu.memory_space<vmem>>, vector<1x16xf32>,
    %swap3A_125 = vector.shape_cast %swap3A_124 : vector<1x16xf32> to vector<16xf32>
    %swap3A_126 = vector.shape_cast %broadcast_in_dim3A_5 : vector<16xf32> to vector<1x16xf32>
    tpu.vector_store %arg12[%swap3A_122, %swap3A_123], %swap3A_126 {strides = array<i32>} : memref<16x16xf32, #tpu.memory_space<vmem>>, vector<1x16xf32>,
    %swap3A_127 = arith.constant 5 : i32
    %swap3A_128 = arith.index_cast %swap3A_127 : i32 to index
    %swap3A_129 = arith.constant 0 : index
    %swap3A_130 = tpu.vector_load %arg9[%swap3A_128, %swap3A_129] {strides = array<i32>} : memref<16x16xf32, #tpu.memory_space<vmem>>, vector<1x16xf32>,
    %swap3A_131 = vector.shape_cast %swap3A_130 : vector<1x16xf32> to vector<16xf32>
    %swap3A_132 = vector.shape_cast %broadcast_in_dim3A_5 : vector<16xf32> to vector<1x16xf32>
    tpu.vector_store %arg9[%swap3A_128, %swap3A_129], %swap3A_132 {strides = array<i32>} : memref<16x16xf32, #tpu.memory_space<vmem>>, vector<1x16xf32>,
    %swap3A_133 = arith.constant 5 : i32
    %swap3A_134 = arith.index_cast %swap3A_133 : i32 to index
    %swap3A_135 = arith.constant 0 : index
    %swap3A_136 = tpu.vector_load %arg10[%swap3A_134, %swap3A_135] {strides = array<i32>} : memref<16x16xf32, #tpu.memory_space<vmem>>, vector<1x16xf32>,
    %swap3A_137 = vector.shape_cast %swap3A_136 : vector<1x16xf32> to vector<16xf32>
    %swap3A_138 = vector.shape_cast %broadcast_in_dim3A_5 : vector<16xf32> to vector<1x16xf32>
    tpu.vector_store %arg10[%swap3A_134, %swap3A_135], %swap3A_138 {strides = array<i32>} : memref<16x16xf32, #tpu.memory_space<vmem>>, vector<1x16xf32>,
    %swap3A_139 = arith.constant 5 : i32
    %swap3A_140 = arith.index_cast %swap3A_139 : i32 to index
    %swap3A_141 = arith.constant 0 : index
    %swap3A_142 = tpu.vector_load %arg11[%swap3A_140, %swap3A_141] {strides = array<i32>} : memref<16x16xf32, #tpu.memory_space<vmem>>, vector<1x16xf32>,
    %swap3A_143 = vector.shape_cast %swap3A_142 : vector<1x16xf32> to vector<16xf32>
    %swap3A_144 = vector.shape_cast %broadcast_in_dim3A_5 : vector<16xf32> to vector<1x16xf32>
    tpu.vector_store %arg11[%swap3A_140, %swap3A_141], %swap3A_144 {strides = array<i32>} : memref<16x16xf32, #tpu.memory_space<vmem>>, vector<1x16xf32>,
    %swap3A_145 = arith.constant 5 : i32
    %swap3A_146 = arith.index_cast %swap3A_145 : i32 to index
    %swap3A_147 = arith.constant 0 : index
    %swap3A_148 = tpu.vector_load %arg12[%swap3A_146, %swap3A_147] {strides = array<i32>} : memref<16x16xf32, #tpu.memory_space<vmem>>, vector<1x16xf32>,
    %swap3A_149 = vector.shape_cast %swap3A_148 : vector<1x16xf32> to vector<16xf32>
    %swap3A_150 = vector.shape_cast %broadcast_in_dim3A_5 : vector<16xf32> to vector<1x16xf32>
    tpu.vector_store %arg12[%swap3A_146, %swap3A_147], %swap3A_150 {strides = array<i32>} : memref<16x16xf32, #tpu.memory_space<vmem>>, vector<1x16xf32>,
    %swap3A_151 = arith.constant 6 : i32
    %swap3A_152 = arith.index_cast %swap3A_151 : i32 to index
    %swap3A_153 = arith.constant 0 : index
    %swap3A_154 = tpu.vector_load %arg9[%swap3A_152, %swap3A_153] {strides = array<i32>} : memref<16x16xf32, #tpu.memory_space<vmem>>, vector<1x16xf32>,
    %swap3A_155 = vector.shape_cast %swap3A_154 : vector<1x16xf32> to vector<16xf32>
    %swap3A_156 = vector.shape_cast %broadcast_in_dim3A_5 : vector<16xf32> to vector<1x16xf32>
    tpu.vector_store %arg9[%swap3A_152, %swap3A_153], %swap3A_156 {strides = array<i32>} : memref<16x16xf32, #tpu.memory_space<vmem>>, vector<1x16xf32>,
    %swap3A_157 = arith.constant 6 : i32
    %swap3A_158 = arith.index_cast %swap3A_157 : i32 to index
    %swap3A_159 = arith.constant 0 : index
    %swap3A_160 = tpu.vector_load %arg10[%swap3A_158, %swap3A_159] {strides = array<i32>} : memref<16x16xf32, #tpu.memory_space<vmem>>, vector<1x16xf32>,
    %swap3A_161 = vector.shape_cast %swap3A_160 : vector<1x16xf32> to vector<16xf32>
    %swap3A_162 = vector.shape_cast %broadcast_in_dim3A_5 : vector<16xf32> to vector<1x16xf32>
    tpu.vector_store %arg10[%swap3A_158, %swap3A_159], %swap3A_162 {strides = array<i32>} : memref<16x16xf32, #tpu.memory_space<vmem>>, vector<1x16xf32>,
    %swap3A_163 = arith.constant 6 : i32
    %swap3A_164 = arith.index_cast %swap3A_163 : i32 to index
    %swap3A_165 = arith.constant 0 : index
    %swap3A_166 = tpu.vector_load %arg11[%swap3A_164, %swap3A_165] {strides = array<i32>} : memref<16x16xf32, #tpu.memory_space<vmem>>, vector<1x16xf32>,
    %swap3A_167 = vector.shape_cast %swap3A_166 : vector<1x16xf32> to vector<16xf32>
    %swap3A_168 = vector.shape_cast %broadcast_in_dim3A_5 : vector<16xf32> to vector<1x16xf32>
    tpu.vector_store %arg11[%swap3A_164, %swap3A_165], %swap3A_168 {strides = array<i32>} : memref<16x16xf32, #tpu.memory_space<vmem>>, vector<1x16xf32>,
    %swap3A_169 = arith.constant 6 : i32
    %swap3A_170 = arith.index_cast %swap3A_169 : i32 to index
    %swap3A_171 = arith.constant 0 : index
    %swap3A_172 = tpu.vector_load %arg12[%swap3A_170, %swap3A_171] {strides = array<i32>} : memref<16x16xf32, #tpu.memory_space<vmem>>, vector<1x16xf32>,
    %swap3A_173 = vector.shape_cast %swap3A_172 : vector<1x16xf32> to vector<16xf32>
    %swap3A_174 = vector.shape_cast %broadcast_in_dim3A_5 : vector<16xf32> to vector<1x16xf32>
    tpu.vector_store %arg12[%swap3A_170, %swap3A_171], %swap3A_174 {strides = array<i32>} : memref<16x16xf32, #tpu.memory_space<vmem>>, vector<1x16xf32>,
    %swap3A_175 = arith.constant 7 : i32
    %swap3A_176 = arith.index_cast %swap3A_175 : i32 to index
    %swap3A_177 = arith.constant 0 : index
    %swap3A_178 = tpu.vector_load %arg9[%swap3A_176, %swap3A_177] {strides = array<i32>} : memref<16x16xf32, #tpu.memory_space<vmem>>, vector<1x16xf32>,
    %swap3A_179 = vector.shape_cast %swap3A_178 : vector<1x16xf32> to vector<16xf32>
    %swap3A_180 = vector.shape_cast %broadcast_in_dim3A_5 : vector<16xf32> to vector<1x16xf32>
    tpu.vector_store %arg9[%swap3A_176, %swap3A_177], %swap3A_180 {strides = array<i32>} : memref<16x16xf32, #tpu.memory_space<vmem>>, vector<1x16xf32>,
    %swap3A_181 = arith.constant 7 : i32
    %swap3A_182 = arith.index_cast %swap3A_181 : i32 to index
    %swap3A_183 = arith.constant 0 : index
    %swap3A_184 = tpu.vector_load %arg10[%swap3A_182, %swap3A_183] {strides = array<i32>} : memref<16x16xf32, #tpu.memory_space<vmem>>, vector<1x16xf32>,
    %swap3A_185 = vector.shape_cast %swap3A_184 : vector<1x16xf32> to vector<16xf32>
    %swap3A_186 = vector.shape_cast %broadcast_in_dim3A_5 : vector<16xf32> to vector<1x16xf32>
    tpu.vector_store %arg10[%swap3A_182, %swap3A_183], %swap3A_186 {strides = array<i32>} : memref<16x16xf32, #tpu.memory_space<vmem>>, vector<1x16xf32>,
    %swap3A_187 = arith.constant 7 : i32
    %swap3A_188 = arith.index_cast %swap3A_187 : i32 to index
    %swap3A_189 = arith.constant 0 : index
    %swap3A_190 = tpu.vector_load %arg11[%swap3A_188, %swap3A_189] {strides = array<i32>} : memref<16x16xf32, #tpu.memory_space<vmem>>, vector<1x16xf32>,
    %swap3A_191 = vector.shape_cast %swap3A_190 : vector<1x16xf32> to vector<16xf32>
    %swap3A_192 = vector.shape_cast %broadcast_in_dim3A_5 : vector<16xf32> to vector<1x16xf32>
    tpu.vector_store %arg11[%swap3A_188, %swap3A_189], %swap3A_192 {strides = array<i32>} : memref<16x16xf32, #tpu.memory_space<vmem>>, vector<1x16xf32>,
    %swap3A_193 = arith.constant 7 : i32
    %swap3A_194 = arith.index_cast %swap3A_193 : i32 to index
    %swap3A_195 = arith.constant 0 : index
    %swap3A_196 = tpu.vector_load %arg12[%swap3A_194, %swap3A_195] {strides = array<i32>} : memref<16x16xf32, #tpu.memory_space<vmem>>, vector<1x16xf32>,
    %swap3A_197 = vector.shape_cast %swap3A_196 : vector<1x16xf32> to vector<16xf32>
    %swap3A_198 = vector.shape_cast %broadcast_in_dim3A_5 : vector<16xf32> to vector<1x16xf32>
    tpu.vector_store %arg12[%swap3A_194, %swap3A_195], %swap3A_198 {strides = array<i32>} : memref<16x16xf32, #tpu.memory_space<vmem>>, vector<1x16xf32>,
    %swap3A_199 = arith.constant 8 : i32
    %swap3A_200 = arith.index_cast %swap3A_199 : i32 to index
    %swap3A_201 = arith.constant 0 : index
    %swap3A_202 = tpu.vector_load %arg9[%swap3A_200, %swap3A_201] {strides = array<i32>} : memref<16x16xf32, #tpu.memory_space<vmem>>, vector<1x16xf32>,
    %swap3A_203 = vector.shape_cast %swap3A_202 : vector<1x16xf32> to vector<16xf32>
    %swap3A_204 = vector.shape_cast %broadcast_in_dim3A_5 : vector<16xf32> to vector<1x16xf32>
    tpu.vector_store %arg9[%swap3A_200, %swap3A_201], %swap3A_204 {strides = array<i32>} : memref<16x16xf32, #tpu.memory_space<vmem>>, vector<1x16xf32>,
    %swap3A_205 = arith.constant 8 : i32
    %swap3A_206 = arith.index_cast %swap3A_205 : i32 to index
    %swap3A_207 = arith.constant 0 : index
    %swap3A_208 = tpu.vector_load %arg10[%swap3A_206, %swap3A_207] {strides = array<i32>} : memref<16x16xf32, #tpu.memory_space<vmem>>, vector<1x16xf32>,
    %swap3A_209 = vector.shape_cast %swap3A_208 : vector<1x16xf32> to vector<16xf32>
    %swap3A_210 = vector.shape_cast %broadcast_in_dim3A_5 : vector<16xf32> to vector<1x16xf32>
    tpu.vector_store %arg10[%swap3A_206, %swap3A_207], %swap3A_210 {strides = array<i32>} : memref<16x16xf32, #tpu.memory_space<vmem>>, vector<1x16xf32>,
    %swap3A_211 = arith.constant 8 : i32
    %swap3A_212 = arith.index_cast %swap3A_211 : i32 to index
    %swap3A_213 = arith.constant 0 : index
    %swap3A_214 = tpu.vector_load %arg11[%swap3A_212, %swap3A_213] {strides = array<i32>} : memref<16x16xf32, #tpu.memory_space<vmem>>, vector<1x16xf32>,
    %swap3A_215 = vector.shape_cast %swap3A_214 : vector<1x16xf32> to vector<16xf32>
    %swap3A_216 = vector.shape_cast %broadcast_in_dim3A_5 : vector<16xf32> to vector<1x16xf32>
    tpu.vector_store %arg11[%swap3A_212, %swap3A_213], %swap3A_216 {strides = array<i32>} : memref<16x16xf32, #tpu.memory_space<vmem>>, vector<1x16xf32>,
    %swap3A_217 = arith.constant 8 : i32
    %swap3A_218 = arith.index_cast %swap3A_217 : i32 to index
    %swap3A_219 = arith.constant 0 : index
    %swap3A_220 = tpu.vector_load %arg12[%swap3A_218, %swap3A_219] {strides = array<i32>} : memref<16x16xf32, #tpu.memory_space<vmem>>, vector<1x16xf32>,
    %swap3A_221 = vector.shape_cast %swap3A_220 : vector<1x16xf32> to vector<16xf32>
    %swap3A_222 = vector.shape_cast %broadcast_in_dim3A_5 : vector<16xf32> to vector<1x16xf32>
    tpu.vector_store %arg12[%swap3A_218, %swap3A_219], %swap3A_222 {strides = array<i32>} : memref<16x16xf32, #tpu.memory_space<vmem>>, vector<1x16xf32>,
    %swap3A_223 = arith.constant 9 : i32
    %swap3A_224 = arith.index_cast %swap3A_223 : i32 to index
    %swap3A_225 = arith.constant 0 : index
    %swap3A_226 = tpu.vector_load %arg9[%swap3A_224, %swap3A_225] {strides = array<i32>} : memref<16x16xf32, #tpu.memory_space<vmem>>, vector<1x16xf32>,
    %swap3A_227 = vector.shape_cast %swap3A_226 : vector<1x16xf32> to vector<16xf32>
    %swap3A_228 = vector.shape_cast %broadcast_in_dim3A_5 : vector<16xf32> to vector<1x16xf32>
    tpu.vector_store %arg9[%swap3A_224, %swap3A_225], %swap3A_228 {strides = array<i32>} : memref<16x16xf32, #tpu.memory_space<vmem>>, vector<1x16xf32>,
    %swap3A_229 = arith.constant 9 : i32
    %swap3A_230 = arith.index_cast %swap3A_229 : i32 to index
    %swap3A_231 = arith.constant 0 : index
    %swap3A_232 = tpu.vector_load %arg10[%swap3A_230, %swap3A_231] {strides = array<i32>} : memref<16x16xf32, #tpu.memory_space<vmem>>, vector<1x16xf32>,
    %swap3A_233 = vector.shape_cast %swap3A_232 : vector<1x16xf32> to vector<16xf32>
    %swap3A_234 = vector.shape_cast %broadcast_in_dim3A_5 : vector<16xf32> to vector<1x16xf32>
    tpu.vector_store %arg10[%swap3A_230, %swap3A_231], %swap3A_234 {strides = array<i32>} : memref<16x16xf32, #tpu.memory_space<vmem>>, vector<1x16xf32>,
    %swap3A_235 = arith.constant 9 : i32
    %swap3A_236 = arith.index_cast %swap3A_235 : i32 to index
    %swap3A_237 = arith.constant 0 : index
    %swap3A_238 = tpu.vector_load %arg11[%swap3A_236, %swap3A_237] {strides = array<i32>} : memref<16x16xf32, #tpu.memory_space<vmem>>, vector<1x16xf32>,
    %swap3A_239 = vector.shape_cast %swap3A_238 : vector<1x16xf32> to vector<16xf32>
    %swap3A_240 = vector.shape_cast %broadcast_in_dim3A_5 : vector<16xf32> to vector<1x16xf32>
    tpu.vector_store %arg11[%swap3A_236, %swap3A_237], %swap3A_240 {strides = array<i32>} : memref<16x16xf32, #tpu.memory_space<vmem>>, vector<1x16xf32>,
    %swap3A_241 = arith.constant 9 : i32
    %swap3A_242 = arith.index_cast %swap3A_241 : i32 to index
    %swap3A_243 = arith.constant 0 : index
    %swap3A_244 = tpu.vector_load %arg12[%swap3A_242, %swap3A_243] {strides = array<i32>} : memref<16x16xf32, #tpu.memory_space<vmem>>, vector<1x16xf32>,
    %swap3A_245 = vector.shape_cast %swap3A_244 : vector<1x16xf32> to vector<16xf32>
    %swap3A_246 = vector.shape_cast %broadcast_in_dim3A_5 : vector<16xf32> to vector<1x16xf32>
    tpu.vector_store %arg12[%swap3A_242, %swap3A_243], %swap3A_246 {strides = array<i32>} : memref<16x16xf32, #tpu.memory_space<vmem>>, vector<1x16xf32>,
    %swap3A_247 = arith.constant 10 : i32
    %swap3A_248 = arith.index_cast %swap3A_247 : i32 to index
    %swap3A_249 = arith.constant 0 : index
    %swap3A_250 = tpu.vector_load %arg9[%swap3A_248, %swap3A_249] {strides = array<i32>} : memref<16x16xf32, #tpu.memory_space<vmem>>, vector<1x16xf32>,
    %swap3A_251 = vector.shape_cast %swap3A_250 : vector<1x16xf32> to vector<16xf32>
    %swap3A_252 = vector.shape_cast %broadcast_in_dim3A_5 : vector<16xf32> to vector<1x16xf32>
    tpu.vector_store %arg9[%swap3A_248, %swap3A_249], %swap3A_252 {strides = array<i32>} : memref<16x16xf32, #tpu.memory_space<vmem>>, vector<1x16xf32>,
    %swap3A_253 = arith.constant 10 : i32
    %swap3A_254 = arith.index_cast %swap3A_253 : i32 to index
    %swap3A_255 = arith.constant 0 : index
    %swap3A_256 = tpu.vector_load %arg10[%swap3A_254, %swap3A_255] {strides = array<i32>} : memref<16x16xf32, #tpu.memory_space<vmem>>, vector<1x16xf32>,
    %swap3A_257 = vector.shape_cast %swap3A_256 : vector<1x16xf32> to vector<16xf32>
    %swap3A_258 = vector.shape_cast %broadcast_in_dim3A_5 : vector<16xf32> to vector<1x16xf32>
    tpu.vector_store %arg10[%swap3A_254, %swap3A_255], %swap3A_258 {strides = array<i32>} : memref<16x16xf32, #tpu.memory_space<vmem>>, vector<1x16xf32>,
    %swap3A_259 = arith.constant 10 : i32
    %swap3A_260 = arith.index_cast %swap3A_259 : i32 to index
    %swap3A_261 = arith.constant 0 : index
    %swap3A_262 = tpu.vector_load %arg11[%swap3A_260, %swap3A_261] {strides = array<i32>} : memref<16x16xf32, #tpu.memory_space<vmem>>, vector<1x16xf32>,
    %swap3A_263 = vector.shape_cast %swap3A_262 : vector<1x16xf32> to vector<16xf32>
    %swap3A_264 = vector.shape_cast %broadcast_in_dim3A_5 : vector<16xf32> to vector<1x16xf32>
    tpu.vector_store %arg11[%swap3A_260, %swap3A_261], %swap3A_264 {strides = array<i32>} : memref<16x16xf32, #tpu.memory_space<vmem>>, vector<1x16xf32>,
    %swap3A_265 = arith.constant 10 : i32
    %swap3A_266 = arith.index_cast %swap3A_265 : i32 to index
    %swap3A_267 = arith.constant 0 : index
    %swap3A_268 = tpu.vector_load %arg12[%swap3A_266, %swap3A_267] {strides = array<i32>} : memref<16x16xf32, #tpu.memory_space<vmem>>, vector<1x16xf32>,
    %swap3A_269 = vector.shape_cast %swap3A_268 : vector<1x16xf32> to vector<16xf32>
    %swap3A_270 = vector.shape_cast %broadcast_in_dim3A_5 : vector<16xf32> to vector<1x16xf32>
    tpu.vector_store %arg12[%swap3A_266, %swap3A_267], %swap3A_270 {strides = array<i32>} : memref<16x16xf32, #tpu.memory_space<vmem>>, vector<1x16xf32>,
    %swap3A_271 = arith.constant 11 : i32
    %swap3A_272 = arith.index_cast %swap3A_271 : i32 to index
    %swap3A_273 = arith.constant 0 : index
    %swap3A_274 = tpu.vector_load %arg9[%swap3A_272, %swap3A_273] {strides = array<i32>} : memref<16x16xf32, #tpu.memory_space<vmem>>, vector<1x16xf32>,
    %swap3A_275 = vector.shape_cast %swap3A_274 : vector<1x16xf32> to vector<16xf32>
    %swap3A_276 = vector.shape_cast %broadcast_in_dim3A_5 : vector<16xf32> to vector<1x16xf32>
    tpu.vector_store %arg9[%swap3A_272, %swap3A_273], %swap3A_276 {strides = array<i32>} : memref<16x16xf32, #tpu.memory_space<vmem>>, vector<1x16xf32>,
    %swap3A_277 = arith.constant 11 : i32
    %swap3A_278 = arith.index_cast %swap3A_277 : i32 to index
    %swap3A_279 = arith.constant 0 : index
    %swap3A_280 = tpu.vector_load %arg10[%swap3A_278, %swap3A_279] {strides = array<i32>} : memref<16x16xf32, #tpu.memory_space<vmem>>, vector<1x16xf32>,
    %swap3A_281 = vector.shape_cast %swap3A_280 : vector<1x16xf32> to vector<16xf32>
    %swap3A_282 = vector.shape_cast %broadcast_in_dim3A_5 : vector<16xf32> to vector<1x16xf32>
    tpu.vector_store %arg10[%swap3A_278, %swap3A_279], %swap3A_282 {strides = array<i32>} : memref<16x16xf32, #tpu.memory_space<vmem>>, vector<1x16xf32>,
    %swap3A_283 = arith.constant 11 : i32
    %swap3A_284 = arith.index_cast %swap3A_283 : i32 to index
    %swap3A_285 = arith.constant 0 : index
    %swap3A_286 = tpu.vector_load %arg11[%swap3A_284, %swap3A_285] {strides = array<i32>} : memref<16x16xf32, #tpu.memory_space<vmem>>, vector<1x16xf32>,
    %swap3A_287 = vector.shape_cast %swap3A_286 : vector<1x16xf32> to vector<16xf32>
    %swap3A_288 = vector.shape_cast %broadcast_in_dim3A_5 : vector<16xf32> to vector<1x16xf32>
    tpu.vector_store %arg11[%swap3A_284, %swap3A_285], %swap3A_288 {strides = array<i32>} : memref<16x16xf32, #tpu.memory_space<vmem>>, vector<1x16xf32>,
    %swap3A_289 = arith.constant 11 : i32
    %swap3A_290 = arith.index_cast %swap3A_289 : i32 to index
    %swap3A_291 = arith.constant 0 : index
    %swap3A_292 = tpu.vector_load %arg12[%swap3A_290, %swap3A_291] {strides = array<i32>} : memref<16x16xf32, #tpu.memory_space<vmem>>, vector<1x16xf32>,
    %swap3A_293 = vector.shape_cast %swap3A_292 : vector<1x16xf32> to vector<16xf32>
    %swap3A_294 = vector.shape_cast %broadcast_in_dim3A_5 : vector<16xf32> to vector<1x16xf32>
    tpu.vector_store %arg12[%swap3A_290, %swap3A_291], %swap3A_294 {strides = array<i32>} : memref<16x16xf32, #tpu.memory_space<vmem>>, vector<1x16xf32>,
    %swap3A_295 = arith.constant 12 : i32
    %swap3A_296 = arith.index_cast %swap3A_295 : i32 to index
    %swap3A_297 = arith.constant 0 : index
    %swap3A_298 = tpu.vector_load %arg9[%swap3A_296, %swap3A_297] {strides = array<i32>} : memref<16x16xf32, #tpu.memory_space<vmem>>, vector<1x16xf32>,
    %swap3A_299 = vector.shape_cast %swap3A_298 : vector<1x16xf32> to vector<16xf32>
    %swap3A_300 = vector.shape_cast %broadcast_in_dim3A_5 : vector<16xf32> to vector<1x16xf32>
    tpu.vector_store %arg9[%swap3A_296, %swap3A_297], %swap3A_300 {strides = array<i32>} : memref<16x16xf32, #tpu.memory_space<vmem>>, vector<1x16xf32>,
    %swap3A_301 = arith.constant 12 : i32
    %swap3A_302 = arith.index_cast %swap3A_301 : i32 to index
    %swap3A_303 = arith.constant 0 : index
    %swap3A_304 = tpu.vector_load %arg10[%swap3A_302, %swap3A_303] {strides = array<i32>} : memref<16x16xf32, #tpu.memory_space<vmem>>, vector<1x16xf32>,
    %swap3A_305 = vector.shape_cast %swap3A_304 : vector<1x16xf32> to vector<16xf32>
    %swap3A_306 = vector.shape_cast %broadcast_in_dim3A_5 : vector<16xf32> to vector<1x16xf32>
    tpu.vector_store %arg10[%swap3A_302, %swap3A_303], %swap3A_306 {strides = array<i32>} : memref<16x16xf32, #tpu.memory_space<vmem>>, vector<1x16xf32>,
    %swap3A_307 = arith.constant 12 : i32
    %swap3A_308 = arith.index_cast %swap3A_307 : i32 to index
    %swap3A_309 = arith.constant 0 : index
    %swap3A_310 = tpu.vector_load %arg11[%swap3A_308, %swap3A_309] {strides = array<i32>} : memref<16x16xf32, #tpu.memory_space<vmem>>, vector<1x16xf32>,
    %swap3A_311 = vector.shape_cast %swap3A_310 : vector<1x16xf32> to vector<16xf32>
    %swap3A_312 = vector.shape_cast %broadcast_in_dim3A_5 : vector<16xf32> to vector<1x16xf32>
    tpu.vector_store %arg11[%swap3A_308, %swap3A_309], %swap3A_312 {strides = array<i32>} : memref<16x16xf32, #tpu.memory_space<vmem>>, vector<1x16xf32>,
    %swap3A_313 = arith.constant 12 : i32
    %swap3A_314 = arith.index_cast %swap3A_313 : i32 to index
    %swap3A_315 = arith.constant 0 : index
    %swap3A_316 = tpu.vector_load %arg12[%swap3A_314, %swap3A_315] {strides = array<i32>} : memref<16x16xf32, #tpu.memory_space<vmem>>, vector<1x16xf32>,
    %swap3A_317 = vector.shape_cast %swap3A_316 : vector<1x16xf32> to vector<16xf32>
    %swap3A_318 = vector.shape_cast %broadcast_in_dim3A_5 : vector<16xf32> to vector<1x16xf32>
    tpu.vector_store %arg12[%swap3A_314, %swap3A_315], %swap3A_318 {strides = array<i32>} : memref<16x16xf32, #tpu.memory_space<vmem>>, vector<1x16xf32>,
    %swap3A_319 = arith.constant 13 : i32
    %swap3A_320 = arith.index_cast %swap3A_319 : i32 to index
    %swap3A_321 = arith.constant 0 : index
    %swap3A_322 = tpu.vector_load %arg9[%swap3A_320, %swap3A_321] {strides = array<i32>} : memref<16x16xf32, #tpu.memory_space<vmem>>, vector<1x16xf32>,
    %swap3A_323 = vector.shape_cast %swap3A_322 : vector<1x16xf32> to vector<16xf32>
    %swap3A_324 = vector.shape_cast %broadcast_in_dim3A_5 : vector<16xf32> to vector<1x16xf32>
    tpu.vector_store %arg9[%swap3A_320, %swap3A_321], %swap3A_324 {strides = array<i32>} : memref<16x16xf32, #tpu.memory_space<vmem>>, vector<1x16xf32>,
    %swap3A_325 = arith.constant 13 : i32
    %swap3A_326 = arith.index_cast %swap3A_325 : i32 to index
    %swap3A_327 = arith.constant 0 : index
    %swap3A_328 = tpu.vector_load %arg10[%swap3A_326, %swap3A_327] {strides = array<i32>} : memref<16x16xf32, #tpu.memory_space<vmem>>, vector<1x16xf32>,
    %swap3A_329 = vector.shape_cast %swap3A_328 : vector<1x16xf32> to vector<16xf32>
    %swap3A_330 = vector.shape_cast %broadcast_in_dim3A_5 : vector<16xf32> to vector<1x16xf32>
    tpu.vector_store %arg10[%swap3A_326, %swap3A_327], %swap3A_330 {strides = array<i32>} : memref<16x16xf32, #tpu.memory_space<vmem>>, vector<1x16xf32>,
    %swap3A_331 = arith.constant 13 : i32
    %swap3A_332 = arith.index_cast %swap3A_331 : i32 to index
    %swap3A_333 = arith.constant 0 : index
    %swap3A_334 = tpu.vector_load %arg11[%swap3A_332, %swap3A_333] {strides = array<i32>} : memref<16x16xf32, #tpu.memory_space<vmem>>, vector<1x16xf32>,
    %swap3A_335 = vector.shape_cast %swap3A_334 : vector<1x16xf32> to vector<16xf32>
    %swap3A_336 = vector.shape_cast %broadcast_in_dim3A_5 : vector<16xf32> to vector<1x16xf32>
    tpu.vector_store %arg11[%swap3A_332, %swap3A_333], %swap3A_336 {strides = array<i32>} : memref<16x16xf32, #tpu.memory_space<vmem>>, vector<1x16xf32>,
    %swap3A_337 = arith.constant 13 : i32
    %swap3A_338 = arith.index_cast %swap3A_337 : i32 to index
    %swap3A_339 = arith.constant 0 : index
    %swap3A_340 = tpu.vector_load %arg12[%swap3A_338, %swap3A_339] {strides = array<i32>} : memref<16x16xf32, #tpu.memory_space<vmem>>, vector<1x16xf32>,
    %swap3A_341 = vector.shape_cast %swap3A_340 : vector<1x16xf32> to vector<16xf32>
    %swap3A_342 = vector.shape_cast %broadcast_in_dim3A_5 : vector<16xf32> to vector<1x16xf32>
    tpu.vector_store %arg12[%swap3A_338, %swap3A_339], %swap3A_342 {strides = array<i32>} : memref<16x16xf32, #tpu.memory_space<vmem>>, vector<1x16xf32>,
    %swap3A_343 = arith.constant 14 : i32
    %swap3A_344 = arith.index_cast %swap3A_343 : i32 to index
    %swap3A_345 = arith.constant 0 : index
    %swap3A_346 = tpu.vector_load %arg9[%swap3A_344, %swap3A_345] {strides = array<i32>} : memref<16x16xf32, #tpu.memory_space<vmem>>, vector<1x16xf32>,
    %swap3A_347 = vector.shape_cast %swap3A_346 : vector<1x16xf32> to vector<16xf32>
    %swap3A_348 = vector.shape_cast %broadcast_in_dim3A_5 : vector<16xf32> to vector<1x16xf32>
    tpu.vector_store %arg9[%swap3A_344, %swap3A_345], %swap3A_348 {strides = array<i32>} : memref<16x16xf32, #tpu.memory_space<vmem>>, vector<1x16xf32>,
    %swap3A_349 = arith.constant 14 : i32
    %swap3A_350 = arith.index_cast %swap3A_349 : i32 to index
    %swap3A_351 = arith.constant 0 : index
    %swap3A_352 = tpu.vector_load %arg10[%swap3A_350, %swap3A_351] {strides = array<i32>} : memref<16x16xf32, #tpu.memory_space<vmem>>, vector<1x16xf32>,
    %swap3A_353 = vector.shape_cast %swap3A_352 : vector<1x16xf32> to vector<16xf32>
    %swap3A_354 = vector.shape_cast %broadcast_in_dim3A_5 : vector<16xf32> to vector<1x16xf32>
    tpu.vector_store %arg10[%swap3A_350, %swap3A_351], %swap3A_354 {strides = array<i32>} : memref<16x16xf32, #tpu.memory_space<vmem>>, vector<1x16xf32>,
    %swap3A_355 = arith.constant 14 : i32
    %swap3A_356 = arith.index_cast %swap3A_355 : i32 to index
    %swap3A_357 = arith.constant 0 : index
    %swap3A_358 = tpu.vector_load %arg11[%swap3A_356, %swap3A_357] {strides = array<i32>} : memref<16x16xf32, #tpu.memory_space<vmem>>, vector<1x16xf32>,
    %swap3A_359 = vector.shape_cast %swap3A_358 : vector<1x16xf32> to vector<16xf32>
    %swap3A_360 = vector.shape_cast %broadcast_in_dim3A_5 : vector<16xf32> to vector<1x16xf32>
    tpu.vector_store %arg11[%swap3A_356, %swap3A_357], %swap3A_360 {strides = array<i32>} : memref<16x16xf32, #tpu.memory_space<vmem>>, vector<1x16xf32>,
    %swap3A_361 = arith.constant 14 : i32
    %swap3A_362 = arith.index_cast %swap3A_361 : i32 to index
    %swap3A_363 = arith.constant 0 : index
    %swap3A_364 = tpu.vector_load %arg12[%swap3A_362, %swap3A_363] {strides = array<i32>} : memref<16x16xf32, #tpu.memory_space<vmem>>, vector<1x16xf32>,
    %swap3A_365 = vector.shape_cast %swap3A_364 : vector<1x16xf32> to vector<16xf32>
    %swap3A_366 = vector.shape_cast %broadcast_in_dim3A_5 : vector<16xf32> to vector<1x16xf32>
    tpu.vector_store %arg12[%swap3A_362, %swap3A_363], %swap3A_366 {strides = array<i32>} : memref<16x16xf32, #tpu.memory_space<vmem>>, vector<1x16xf32>,
    %swap3A_367 = arith.constant 15 : i32
    %swap3A_368 = arith.index_cast %swap3A_367 : i32 to index
    %swap3A_369 = arith.constant 0 : index
    %swap3A_370 = tpu.vector_load %arg9[%swap3A_368, %swap3A_369] {strides = array<i32>} : memref<16x16xf32, #tpu.memory_space<vmem>>, vector<1x16xf32>,
    %swap3A_371 = vector.shape_cast %swap3A_370 : vector<1x16xf32> to vector<16xf32>
    %swap3A_372 = vector.shape_cast %broadcast_in_dim3A_5 : vector<16xf32> to vector<1x16xf32>
    tpu.vector_store %arg9[%swap3A_368, %swap3A_369], %swap3A_372 {strides = array<i32>} : memref<16x16xf32, #tpu.memory_space<vmem>>, vector<1x16xf32>,
    %swap3A_373 = arith.constant 15 : i32
    %swap3A_374 = arith.index_cast %swap3A_373 : i32 to index
    %swap3A_375 = arith.constant 0 : index
    %swap3A_376 = tpu.vector_load %arg10[%swap3A_374, %swap3A_375] {strides = array<i32>} : memref<16x16xf32, #tpu.memory_space<vmem>>, vector<1x16xf32>,
    %swap3A_377 = vector.shape_cast %swap3A_376 : vector<1x16xf32> to vector<16xf32>
    %swap3A_378 = vector.shape_cast %broadcast_in_dim3A_5 : vector<16xf32> to vector<1x16xf32>
    tpu.vector_store %arg10[%swap3A_374, %swap3A_375], %swap3A_378 {strides = array<i32>} : memref<16x16xf32, #tpu.memory_space<vmem>>, vector<1x16xf32>,
    %swap3A_379 = arith.constant 15 : i32
    %swap3A_380 = arith.index_cast %swap3A_379 : i32 to index
    %swap3A_381 = arith.constant 0 : index
    %swap3A_382 = tpu.vector_load %arg11[%swap3A_380, %swap3A_381] {strides = array<i32>} : memref<16x16xf32, #tpu.memory_space<vmem>>, vector<1x16xf32>,
    %swap3A_383 = vector.shape_cast %swap3A_382 : vector<1x16xf32> to vector<16xf32>
    %swap3A_384 = vector.shape_cast %broadcast_in_dim3A_5 : vector<16xf32> to vector<1x16xf32>
    tpu.vector_store %arg11[%swap3A_380, %swap3A_381], %swap3A_384 {strides = array<i32>} : memref<16x16xf32, #tpu.memory_space<vmem>>, vector<1x16xf32>,
    %swap3A_385 = arith.constant 15 : i32
    %swap3A_386 = arith.index_cast %swap3A_385 : i32 to index
    %swap3A_387 = arith.constant 0 : index
    %swap3A_388 = tpu.vector_load %arg12[%swap3A_386, %swap3A_387] {strides = array<i32>} : memref<16x16xf32, #tpu.memory_space<vmem>>, vector<1x16xf32>,
    %swap3A_389 = vector.shape_cast %swap3A_388 : vector<1x16xf32> to vector<16xf32>
    %swap3A_390 = vector.shape_cast %broadcast_in_dim3A_5 : vector<16xf32> to vector<1x16xf32>
    tpu.vector_store %arg12[%swap3A_386, %swap3A_387], %swap3A_390 {strides = array<i32>} : memref<16x16xf32, #tpu.memory_space<vmem>>, vector<1x16xf32>,
    %scan3A = arith.constant 0 : i32
    %scan3A_391 = arith.constant 0 : i32
    %scan3A_392 = arith.constant 32 : i32
    %scan3A_393 = arith.addi %scan3A_391, %scan3A_392 : i32
    %scan3A_394 = arith.constant 1 : i32
    scf.for %scan3A_400 = %scan3A_391 to %scan3A_393 step %scan3A_394  : i32 {
      %mul3A_401 = arith.constant 16 : i32
      %mul3A_402 = arith.muli %scan3A_400, %mul3A_401 : i32
      %get3A = arith.index_cast %mul3A_402 : i32 to index
      %get3A_403 = tpu.vector_load %arg8[%get3A] {strides = array<i32>} : memref<512xi32, #tpu.memory_space<vmem>>, vector<16xi32>,
      %get3A_404 = vector.shape_cast %get3A_403 : vector<16xi32> to vector<16xi32>
      %get3A_405 = arith.index_cast %mul3A_402 : i32 to index
      %get3A_406 = tpu.vector_load %arg5[%get3A_405] {strides = array<i32>} : memref<512xf32, #tpu.memory_space<vmem>>, vector<16xf32>,
      %get3A_407 = vector.shape_cast %get3A_406 : vector<16xf32> to vector<16xf32>
      %get3A_408 = arith.index_cast %mul3A_402 : i32 to index
      %get3A_409 = tpu.vector_load %arg6[%get3A_408] {strides = array<i32>} : memref<512xf32, #tpu.memory_space<vmem>>, vector<16xf32>,
      %get3A_410 = vector.shape_cast %get3A_409 : vector<16xf32> to vector<16xf32>
      %get3A_411 = arith.index_cast %mul3A_402 : i32 to index
      %get3A_412 = tpu.vector_load %arg7[%get3A_411] {strides = array<i32>} : memref<512xf32, #tpu.memory_space<vmem>>, vector<16xf32>,
      %get3A_413 = vector.shape_cast %get3A_412 : vector<16xf32> to vector<16xf32>
      %eq3A = arith.constant 0 : i32
      %eq3A_414 = vector.broadcast %eq3A : i32 to vector<16xi32>
      %eq3A_415 = arith.cmpi eq, %get3A_404, %eq3A_414 : vector<16xi32>
      %get3A_416 = arith.constant 0 : i32
      %get3A_417 = arith.index_cast %get3A_416 : i32 to index
      %get3A_418 = arith.constant 0 : index
      %get3A_419 = tpu.vector_load %arg9[%get3A_417, %get3A_418] {strides = array<i32>} : memref<16x16xf32, #tpu.memory_space<vmem>>, vector<1x16xf32>,
      %get3A_420 = vector.shape_cast %get3A_419 : vector<1x16xf32> to vector<16xf32>
      %select_n3A = arith.select %eq3A_415, %get3A_407, %broadcast_in_dim3A_5 : vector<16xi1>, vector<16xf32>
      %add3A_421 = arith.addf %get3A_420, %select_n3A : vector<16xf32>
      %swap3A_422 = arith.constant 0 : i32
      %swap3A_423 = arith.index_cast %swap3A_422 : i32 to index
      %swap3A_424 = arith.constant 0 : index
      %swap3A_425 = tpu.vector_load %arg9[%swap3A_423, %swap3A_424] {strides = array<i32>} : memref<16x16xf32, #tpu.memory_space<vmem>>, vector<1x16xf32>,
      %swap3A_426 = vector.shape_cast %swap3A_425 : vector<1x16xf32> to vector<16xf32>
      %swap3A_427 = vector.shape_cast %add3A_421 : vector<16xf32> to vector<1x16xf32>
      tpu.vector_store %arg9[%swap3A_423, %swap3A_424], %swap3A_427 {strides = array<i32>} : memref<16x16xf32, #tpu.memory_space<vmem>>, vector<1x16xf32>,
      %get3A_428 = arith.constant 0 : i32
      %get3A_429 = arith.index_cast %get3A_428 : i32 to index
      %get3A_430 = arith.constant 0 : index
      %get3A_431 = tpu.vector_load %arg10[%get3A_429, %get3A_430] {strides = array<i32>} : memref<16x16xf32, #tpu.memory_space<vmem>>, vector<1x16xf32>,
      %get3A_432 = vector.shape_cast %get3A_431 : vector<1x16xf32> to vector<16xf32>
      %select_n3A_433 = arith.select %eq3A_415, %get3A_410, %broadcast_in_dim3A_5 : vector<16xi1>, vector<16xf32>
      %add3A_434 = arith.addf %get3A_432, %select_n3A_433 : vector<16xf32>
      %swap3A_435 = arith.constant 0 : i32
      %swap3A_436 = arith.index_cast %swap3A_435 : i32 to index
      %swap3A_437 = arith.constant 0 : index
      %swap3A_438 = tpu.vector_load %arg10[%swap3A_436, %swap3A_437] {strides = array<i32>} : memref<16x16xf32, #tpu.memory_space<vmem>>, vector<1x16xf32>,
      %swap3A_439 = vector.shape_cast %swap3A_438 : vector<1x16xf32> to vector<16xf32>
      %swap3A_440 = vector.shape_cast %add3A_434 : vector<16xf32> to vector<1x16xf32>
      tpu.vector_store %arg10[%swap3A_436, %swap3A_437], %swap3A_440 {strides = array<i32>} : memref<16x16xf32, #tpu.memory_space<vmem>>, vector<1x16xf32>,
      %get3A_441 = arith.constant 0 : i32
      %get3A_442 = arith.index_cast %get3A_441 : i32 to index
      %get3A_443 = arith.constant 0 : index
      %get3A_444 = tpu.vector_load %arg11[%get3A_442, %get3A_443] {strides = array<i32>} : memref<16x16xf32, #tpu.memory_space<vmem>>, vector<1x16xf32>,
      %get3A_445 = vector.shape_cast %get3A_444 : vector<1x16xf32> to vector<16xf32>
      %select_n3A_446 = arith.select %eq3A_415, %get3A_413, %broadcast_in_dim3A_5 : vector<16xi1>, vector<16xf32>
      %add3A_447 = arith.addf %get3A_445, %select_n3A_446 : vector<16xf32>
      %swap3A_448 = arith.constant 0 : i32
      %swap3A_449 = arith.index_cast %swap3A_448 : i32 to index
      %swap3A_450 = arith.constant 0 : index
      %swap3A_451 = tpu.vector_load %arg11[%swap3A_449, %swap3A_450] {strides = array<i32>} : memref<16x16xf32, #tpu.memory_space<vmem>>, vector<1x16xf32>,
      %swap3A_452 = vector.shape_cast %swap3A_451 : vector<1x16xf32> to vector<16xf32>
      %swap3A_453 = vector.shape_cast %add3A_447 : vector<16xf32> to vector<1x16xf32>
      tpu.vector_store %arg11[%swap3A_449, %swap3A_450], %swap3A_453 {strides = array<i32>} : memref<16x16xf32, #tpu.memory_space<vmem>>, vector<1x16xf32>,
      %get3A_454 = arith.constant 0 : i32
      %get3A_455 = arith.index_cast %get3A_454 : i32 to index
      %get3A_456 = arith.constant 0 : index
      %get3A_457 = tpu.vector_load %arg12[%get3A_455, %get3A_456] {strides = array<i32>} : memref<16x16xf32, #tpu.memory_space<vmem>>, vector<1x16xf32>,
      %get3A_458 = vector.shape_cast %get3A_457 : vector<1x16xf32> to vector<16xf32>
      %select_n3A_459 = arith.select %eq3A_415, %broadcast_in_dim3A_7, %broadcast_in_dim3A_5 : vector<16xi1>, vector<16xf32>
      %add3A_460 = arith.addf %get3A_458, %select_n3A_459 : vector<16xf32>
      %swap3A_461 = arith.constant 0 : i32
      %swap3A_462 = arith.index_cast %swap3A_461 : i32 to index
      %swap3A_463 = arith.constant 0 : index
      %swap3A_464 = tpu.vector_load %arg12[%swap3A_462, %swap3A_463] {strides = array<i32>} : memref<16x16xf32, #tpu.memory_space<vmem>>, vector<1x16xf32>,
      %swap3A_465 = vector.shape_cast %swap3A_464 : vector<1x16xf32> to vector<16xf32>
      %swap3A_466 = vector.shape_cast %add3A_460 : vector<16xf32> to vector<1x16xf32>
      tpu.vector_store %arg12[%swap3A_462, %swap3A_463], %swap3A_466 {strides = array<i32>} : memref<16x16xf32, #tpu.memory_space<vmem>>, vector<1x16xf32>,
      %eq3A_467 = arith.constant 1 : i32
      %eq3A_468 = vector.broadcast %eq3A_467 : i32 to vector<16xi32>
      %eq3A_469 = arith.cmpi eq, %get3A_404, %eq3A_468 : vector<16xi32>
      %get3A_470 = arith.constant 1 : i32
      %get3A_471 = arith.index_cast %get3A_470 : i32 to index
      %get3A_472 = arith.constant 0 : index
      %get3A_473 = tpu.vector_load %arg9[%get3A_471, %get3A_472] {strides = array<i32>} : memref<16x16xf32, #tpu.memory_space<vmem>>, vector<1x16xf32>,
      %get3A_474 = vector.shape_cast %get3A_473 : vector<1x16xf32> to vector<16xf32>
      %select_n3A_475 = arith.select %eq3A_469, %get3A_407, %broadcast_in_dim3A_5 : vector<16xi1>, vector<16xf32>
      %add3A_476 = arith.addf %get3A_474, %select_n3A_475 : vector<16xf32>
      %swap3A_477 = arith.constant 1 : i32
      %swap3A_478 = arith.index_cast %swap3A_477 : i32 to index
      %swap3A_479 = arith.constant 0 : index
      %swap3A_480 = tpu.vector_load %arg9[%swap3A_478, %swap3A_479] {strides = array<i32>} : memref<16x16xf32, #tpu.memory_space<vmem>>, vector<1x16xf32>,
      %swap3A_481 = vector.shape_cast %swap3A_480 : vector<1x16xf32> to vector<16xf32>
      %swap3A_482 = vector.shape_cast %add3A_476 : vector<16xf32> to vector<1x16xf32>
      tpu.vector_store %arg9[%swap3A_478, %swap3A_479], %swap3A_482 {strides = array<i32>} : memref<16x16xf32, #tpu.memory_space<vmem>>, vector<1x16xf32>,
      %get3A_483 = arith.constant 1 : i32
      %get3A_484 = arith.index_cast %get3A_483 : i32 to index
      %get3A_485 = arith.constant 0 : index
      %get3A_486 = tpu.vector_load %arg10[%get3A_484, %get3A_485] {strides = array<i32>} : memref<16x16xf32, #tpu.memory_space<vmem>>, vector<1x16xf32>,
      %get3A_487 = vector.shape_cast %get3A_486 : vector<1x16xf32> to vector<16xf32>
      %select_n3A_488 = arith.select %eq3A_469, %get3A_410, %broadcast_in_dim3A_5 : vector<16xi1>, vector<16xf32>
      %add3A_489 = arith.addf %get3A_487, %select_n3A_488 : vector<16xf32>
      %swap3A_490 = arith.constant 1 : i32
      %swap3A_491 = arith.index_cast %swap3A_490 : i32 to index
      %swap3A_492 = arith.constant 0 : index
      %swap3A_493 = tpu.vector_load %arg10[%swap3A_491, %swap3A_492] {strides = array<i32>} : memref<16x16xf32, #tpu.memory_space<vmem>>, vector<1x16xf32>,
      %swap3A_494 = vector.shape_cast %swap3A_493 : vector<1x16xf32> to vector<16xf32>
      %swap3A_495 = vector.shape_cast %add3A_489 : vector<16xf32> to vector<1x16xf32>
      tpu.vector_store %arg10[%swap3A_491, %swap3A_492], %swap3A_495 {strides = array<i32>} : memref<16x16xf32, #tpu.memory_space<vmem>>, vector<1x16xf32>,
      %get3A_496 = arith.constant 1 : i32
      %get3A_497 = arith.index_cast %get3A_496 : i32 to index
      %get3A_498 = arith.constant 0 : index
      %get3A_499 = tpu.vector_load %arg11[%get3A_497, %get3A_498] {strides = array<i32>} : memref<16x16xf32, #tpu.memory_space<vmem>>, vector<1x16xf32>,
      %get3A_500 = vector.shape_cast %get3A_499 : vector<1x16xf32> to vector<16xf32>
      %select_n3A_501 = arith.select %eq3A_469, %get3A_413, %broadcast_in_dim3A_5 : vector<16xi1>, vector<16xf32>
      %add3A_502 = arith.addf %get3A_500, %select_n3A_501 : vector<16xf32>
      %swap3A_503 = arith.constant 1 : i32
      %swap3A_504 = arith.index_cast %swap3A_503 : i32 to index
      %swap3A_505 = arith.constant 0 : index
      %swap3A_506 = tpu.vector_load %arg11[%swap3A_504, %swap3A_505] {strides = array<i32>} : memref<16x16xf32, #tpu.memory_space<vmem>>, vector<1x16xf32>,
      %swap3A_507 = vector.shape_cast %swap3A_506 : vector<1x16xf32> to vector<16xf32>
      %swap3A_508 = vector.shape_cast %add3A_502 : vector<16xf32> to vector<1x16xf32>
      tpu.vector_store %arg11[%swap3A_504, %swap3A_505], %swap3A_508 {strides = array<i32>} : memref<16x16xf32, #tpu.memory_space<vmem>>, vector<1x16xf32>,
      %get3A_509 = arith.constant 1 : i32
      %get3A_510 = arith.index_cast %get3A_509 : i32 to index
      %get3A_511 = arith.constant 0 : index
      %get3A_512 = tpu.vector_load %arg12[%get3A_510, %get3A_511] {strides = array<i32>} : memref<16x16xf32, #tpu.memory_space<vmem>>, vector<1x16xf32>,
      %get3A_513 = vector.shape_cast %get3A_512 : vector<1x16xf32> to vector<16xf32>
      %select_n3A_514 = arith.select %eq3A_469, %broadcast_in_dim3A_7, %broadcast_in_dim3A_5 : vector<16xi1>, vector<16xf32>
      %add3A_515 = arith.addf %get3A_513, %select_n3A_514 : vector<16xf32>
      %swap3A_516 = arith.constant 1 : i32
      %swap3A_517 = arith.index_cast %swap3A_516 : i32 to index
      %swap3A_518 = arith.constant 0 : index
      %swap3A_519 = tpu.vector_load %arg12[%swap3A_517, %swap3A_518] {strides = array<i32>} : memref<16x16xf32, #tpu.memory_space<vmem>>, vector<1x16xf32>,
      %swap3A_520 = vector.shape_cast %swap3A_519 : vector<1x16xf32> to vector<16xf32>
      %swap3A_521 = vector.shape_cast %add3A_515 : vector<16xf32> to vector<1x16xf32>
      tpu.vector_store %arg12[%swap3A_517, %swap3A_518], %swap3A_521 {strides = array<i32>} : memref<16x16xf32, #tpu.memory_space<vmem>>, vector<1x16xf32>,
      %eq3A_522 = arith.constant 2 : i32
      %eq3A_523 = vector.broadcast %eq3A_522 : i32 to vector<16xi32>
      %eq3A_524 = arith.cmpi eq, %get3A_404, %eq3A_523 : vector<16xi32>
      %get3A_525 = arith.constant 2 : i32
      %get3A_526 = arith.index_cast %get3A_525 : i32 to index
      %get3A_527 = arith.constant 0 : index
      %get3A_528 = tpu.vector_load %arg9[%get3A_526, %get3A_527] {strides = array<i32>} : memref<16x16xf32, #tpu.memory_space<vmem>>, vector<1x16xf32>,
      %get3A_529 = vector.shape_cast %get3A_528 : vector<1x16xf32> to vector<16xf32>
      %select_n3A_530 = arith.select %eq3A_524, %get3A_407, %broadcast_in_dim3A_5 : vector<16xi1>, vector<16xf32>
      %add3A_531 = arith.addf %get3A_529, %select_n3A_530 : vector<16xf32>
      %swap3A_532 = arith.constant 2 : i32
      %swap3A_533 = arith.index_cast %swap3A_532 : i32 to index
      %swap3A_534 = arith.constant 0 : index
      %swap3A_535 = tpu.vector_load %arg9[%swap3A_533, %swap3A_534] {strides = array<i32>} : memref<16x16xf32, #tpu.memory_space<vmem>>, vector<1x16xf32>,
      %swap3A_536 = vector.shape_cast %swap3A_535 : vector<1x16xf32> to vector<16xf32>
      %swap3A_537 = vector.shape_cast %add3A_531 : vector<16xf32> to vector<1x16xf32>
      tpu.vector_store %arg9[%swap3A_533, %swap3A_534], %swap3A_537 {strides = array<i32>} : memref<16x16xf32, #tpu.memory_space<vmem>>, vector<1x16xf32>,
      %get3A_538 = arith.constant 2 : i32
      %get3A_539 = arith.index_cast %get3A_538 : i32 to index
      %get3A_540 = arith.constant 0 : index
      %get3A_541 = tpu.vector_load %arg10[%get3A_539, %get3A_540] {strides = array<i32>} : memref<16x16xf32, #tpu.memory_space<vmem>>, vector<1x16xf32>,
      %get3A_542 = vector.shape_cast %get3A_541 : vector<1x16xf32> to vector<16xf32>
      %select_n3A_543 = arith.select %eq3A_524, %get3A_410, %broadcast_in_dim3A_5 : vector<16xi1>, vector<16xf32>
      %add3A_544 = arith.addf %get3A_542, %select_n3A_543 : vector<16xf32>
      %swap3A_545 = arith.constant 2 : i32
      %swap3A_546 = arith.index_cast %swap3A_545 : i32 to index
      %swap3A_547 = arith.constant 0 : index
      %swap3A_548 = tpu.vector_load %arg10[%swap3A_546, %swap3A_547] {strides = array<i32>} : memref<16x16xf32, #tpu.memory_space<vmem>>, vector<1x16xf32>,
      %swap3A_549 = vector.shape_cast %swap3A_548 : vector<1x16xf32> to vector<16xf32>
      %swap3A_550 = vector.shape_cast %add3A_544 : vector<16xf32> to vector<1x16xf32>
      tpu.vector_store %arg10[%swap3A_546, %swap3A_547], %swap3A_550 {strides = array<i32>} : memref<16x16xf32, #tpu.memory_space<vmem>>, vector<1x16xf32>,
      %get3A_551 = arith.constant 2 : i32
      %get3A_552 = arith.index_cast %get3A_551 : i32 to index
      %get3A_553 = arith.constant 0 : index
      %get3A_554 = tpu.vector_load %arg11[%get3A_552, %get3A_553] {strides = array<i32>} : memref<16x16xf32, #tpu.memory_space<vmem>>, vector<1x16xf32>,
      %get3A_555 = vector.shape_cast %get3A_554 : vector<1x16xf32> to vector<16xf32>
      %select_n3A_556 = arith.select %eq3A_524, %get3A_413, %broadcast_in_dim3A_5 : vector<16xi1>, vector<16xf32>
      %add3A_557 = arith.addf %get3A_555, %select_n3A_556 : vector<16xf32>
      %swap3A_558 = arith.constant 2 : i32
      %swap3A_559 = arith.index_cast %swap3A_558 : i32 to index
      %swap3A_560 = arith.constant 0 : index
      %swap3A_561 = tpu.vector_load %arg11[%swap3A_559, %swap3A_560] {strides = array<i32>} : memref<16x16xf32, #tpu.memory_space<vmem>>, vector<1x16xf32>,
      %swap3A_562 = vector.shape_cast %swap3A_561 : vector<1x16xf32> to vector<16xf32>
      %swap3A_563 = vector.shape_cast %add3A_557 : vector<16xf32> to vector<1x16xf32>
      tpu.vector_store %arg11[%swap3A_559, %swap3A_560], %swap3A_563 {strides = array<i32>} : memref<16x16xf32, #tpu.memory_space<vmem>>, vector<1x16xf32>,
      %get3A_564 = arith.constant 2 : i32
      %get3A_565 = arith.index_cast %get3A_564 : i32 to index
      %get3A_566 = arith.constant 0 : index
      %get3A_567 = tpu.vector_load %arg12[%get3A_565, %get3A_566] {strides = array<i32>} : memref<16x16xf32, #tpu.memory_space<vmem>>, vector<1x16xf32>,
      %get3A_568 = vector.shape_cast %get3A_567 : vector<1x16xf32> to vector<16xf32>
      %select_n3A_569 = arith.select %eq3A_524, %broadcast_in_dim3A_7, %broadcast_in_dim3A_5 : vector<16xi1>, vector<16xf32>
      %add3A_570 = arith.addf %get3A_568, %select_n3A_569 : vector<16xf32>
      %swap3A_571 = arith.constant 2 : i32
      %swap3A_572 = arith.index_cast %swap3A_571 : i32 to index
      %swap3A_573 = arith.constant 0 : index
      %swap3A_574 = tpu.vector_load %arg12[%swap3A_572, %swap3A_573] {strides = array<i32>} : memref<16x16xf32, #tpu.memory_space<vmem>>, vector<1x16xf32>,
      %swap3A_575 = vector.shape_cast %swap3A_574 : vector<1x16xf32> to vector<16xf32>
      %swap3A_576 = vector.shape_cast %add3A_570 : vector<16xf32> to vector<1x16xf32>
      tpu.vector_store %arg12[%swap3A_572, %swap3A_573], %swap3A_576 {strides = array<i32>} : memref<16x16xf32, #tpu.memory_space<vmem>>, vector<1x16xf32>,
      %eq3A_577 = arith.constant 3 : i32
      %eq3A_578 = vector.broadcast %eq3A_577 : i32 to vector<16xi32>
      %eq3A_579 = arith.cmpi eq, %get3A_404, %eq3A_578 : vector<16xi32>
      %get3A_580 = arith.constant 3 : i32
      %get3A_581 = arith.index_cast %get3A_580 : i32 to index
      %get3A_582 = arith.constant 0 : index
      %get3A_583 = tpu.vector_load %arg9[%get3A_581, %get3A_582] {strides = array<i32>} : memref<16x16xf32, #tpu.memory_space<vmem>>, vector<1x16xf32>,
      %get3A_584 = vector.shape_cast %get3A_583 : vector<1x16xf32> to vector<16xf32>
      %select_n3A_585 = arith.select %eq3A_579, %get3A_407, %broadcast_in_dim3A_5 : vector<16xi1>, vector<16xf32>
      %add3A_586 = arith.addf %get3A_584, %select_n3A_585 : vector<16xf32>
      %swap3A_587 = arith.constant 3 : i32
      %swap3A_588 = arith.index_cast %swap3A_587 : i32 to index
      %swap3A_589 = arith.constant 0 : index
      %swap3A_590 = tpu.vector_load %arg9[%swap3A_588, %swap3A_589] {strides = array<i32>} : memref<16x16xf32, #tpu.memory_space<vmem>>, vector<1x16xf32>,
      %swap3A_591 = vector.shape_cast %swap3A_590 : vector<1x16xf32> to vector<16xf32>
      %swap3A_592 = vector.shape_cast %add3A_586 : vector<16xf32> to vector<1x16xf32>
      tpu.vector_store %arg9[%swap3A_588, %swap3A_589], %swap3A_592 {strides = array<i32>} : memref<16x16xf32, #tpu.memory_space<vmem>>, vector<1x16xf32>,
      %get3A_593 = arith.constant 3 : i32
      %get3A_594 = arith.index_cast %get3A_593 : i32 to index
      %get3A_595 = arith.constant 0 : index
      %get3A_596 = tpu.vector_load %arg10[%get3A_594, %get3A_595] {strides = array<i32>} : memref<16x16xf32, #tpu.memory_space<vmem>>, vector<1x16xf32>,
      %get3A_597 = vector.shape_cast %get3A_596 : vector<1x16xf32> to vector<16xf32>
      %select_n3A_598 = arith.select %eq3A_579, %get3A_410, %broadcast_in_dim3A_5 : vector<16xi1>, vector<16xf32>
      %add3A_599 = arith.addf %get3A_597, %select_n3A_598 : vector<16xf32>
      %swap3A_600 = arith.constant 3 : i32
      %swap3A_601 = arith.index_cast %swap3A_600 : i32 to index
      %swap3A_602 = arith.constant 0 : index
      %swap3A_603 = tpu.vector_load %arg10[%swap3A_601, %swap3A_602] {strides = array<i32>} : memref<16x16xf32, #tpu.memory_space<vmem>>, vector<1x16xf32>,
      %swap3A_604 = vector.shape_cast %swap3A_603 : vector<1x16xf32> to vector<16xf32>
      %swap3A_605 = vector.shape_cast %add3A_599 : vector<16xf32> to vector<1x16xf32>
      tpu.vector_store %arg10[%swap3A_601, %swap3A_602], %swap3A_605 {strides = array<i32>} : memref<16x16xf32, #tpu.memory_space<vmem>>, vector<1x16xf32>,
      %get3A_606 = arith.constant 3 : i32
      %get3A_607 = arith.index_cast %get3A_606 : i32 to index
      %get3A_608 = arith.constant 0 : index
      %get3A_609 = tpu.vector_load %arg11[%get3A_607, %get3A_608] {strides = array<i32>} : memref<16x16xf32, #tpu.memory_space<vmem>>, vector<1x16xf32>,
      %get3A_610 = vector.shape_cast %get3A_609 : vector<1x16xf32> to vector<16xf32>
      %select_n3A_611 = arith.select %eq3A_579, %get3A_413, %broadcast_in_dim3A_5 : vector<16xi1>, vector<16xf32>
      %add3A_612 = arith.addf %get3A_610, %select_n3A_611 : vector<16xf32>
      %swap3A_613 = arith.constant 3 : i32
      %swap3A_614 = arith.index_cast %swap3A_613 : i32 to index
      %swap3A_615 = arith.constant 0 : index
      %swap3A_616 = tpu.vector_load %arg11[%swap3A_614, %swap3A_615] {strides = array<i32>} : memref<16x16xf32, #tpu.memory_space<vmem>>, vector<1x16xf32>,
      %swap3A_617 = vector.shape_cast %swap3A_616 : vector<1x16xf32> to vector<16xf32>
      %swap3A_618 = vector.shape_cast %add3A_612 : vector<16xf32> to vector<1x16xf32>
      tpu.vector_store %arg11[%swap3A_614, %swap3A_615], %swap3A_618 {strides = array<i32>} : memref<16x16xf32, #tpu.memory_space<vmem>>, vector<1x16xf32>,
      %get3A_619 = arith.constant 3 : i32
      %get3A_620 = arith.index_cast %get3A_619 : i32 to index
      %get3A_621 = arith.constant 0 : index
      %get3A_622 = tpu.vector_load %arg12[%get3A_620, %get3A_621] {strides = array<i32>} : memref<16x16xf32, #tpu.memory_space<vmem>>, vector<1x16xf32>,
      %get3A_623 = vector.shape_cast %get3A_622 : vector<1x16xf32> to vector<16xf32>
      %select_n3A_624 = arith.select %eq3A_579, %broadcast_in_dim3A_7, %broadcast_in_dim3A_5 : vector<16xi1>, vector<16xf32>
      %add3A_625 = arith.addf %get3A_623, %select_n3A_624 : vector<16xf32>
      %swap3A_626 = arith.constant 3 : i32
      %swap3A_627 = arith.index_cast %swap3A_626 : i32 to index
      %swap3A_628 = arith.constant 0 : index
      %swap3A_629 = tpu.vector_load %arg12[%swap3A_627, %swap3A_628] {strides = array<i32>} : memref<16x16xf32, #tpu.memory_space<vmem>>, vector<1x16xf32>,
      %swap3A_630 = vector.shape_cast %swap3A_629 : vector<1x16xf32> to vector<16xf32>
      %swap3A_631 = vector.shape_cast %add3A_625 : vector<16xf32> to vector<1x16xf32>
      tpu.vector_store %arg12[%swap3A_627, %swap3A_628], %swap3A_631 {strides = array<i32>} : memref<16x16xf32, #tpu.memory_space<vmem>>, vector<1x16xf32>,
      %eq3A_632 = arith.constant 4 : i32
      %eq3A_633 = vector.broadcast %eq3A_632 : i32 to vector<16xi32>
      %eq3A_634 = arith.cmpi eq, %get3A_404, %eq3A_633 : vector<16xi32>
      %get3A_635 = arith.constant 4 : i32
      %get3A_636 = arith.index_cast %get3A_635 : i32 to index
      %get3A_637 = arith.constant 0 : index
      %get3A_638 = tpu.vector_load %arg9[%get3A_636, %get3A_637] {strides = array<i32>} : memref<16x16xf32, #tpu.memory_space<vmem>>, vector<1x16xf32>,
      %get3A_639 = vector.shape_cast %get3A_638 : vector<1x16xf32> to vector<16xf32>
      %select_n3A_640 = arith.select %eq3A_634, %get3A_407, %broadcast_in_dim3A_5 : vector<16xi1>, vector<16xf32>
      %add3A_641 = arith.addf %get3A_639, %select_n3A_640 : vector<16xf32>
      %swap3A_642 = arith.constant 4 : i32
      %swap3A_643 = arith.index_cast %swap3A_642 : i32 to index
      %swap3A_644 = arith.constant 0 : index
      %swap3A_645 = tpu.vector_load %arg9[%swap3A_643, %swap3A_644] {strides = array<i32>} : memref<16x16xf32, #tpu.memory_space<vmem>>, vector<1x16xf32>,
      %swap3A_646 = vector.shape_cast %swap3A_645 : vector<1x16xf32> to vector<16xf32>
      %swap3A_647 = vector.shape_cast %add3A_641 : vector<16xf32> to vector<1x16xf32>
      tpu.vector_store %arg9[%swap3A_643, %swap3A_644], %swap3A_647 {strides = array<i32>} : memref<16x16xf32, #tpu.memory_space<vmem>>, vector<1x16xf32>,
      %get3A_648 = arith.constant 4 : i32
      %get3A_649 = arith.index_cast %get3A_648 : i32 to index
      %get3A_650 = arith.constant 0 : index
      %get3A_651 = tpu.vector_load %arg10[%get3A_649, %get3A_650] {strides = array<i32>} : memref<16x16xf32, #tpu.memory_space<vmem>>, vector<1x16xf32>,
      %get3A_652 = vector.shape_cast %get3A_651 : vector<1x16xf32> to vector<16xf32>
      %select_n3A_653 = arith.select %eq3A_634, %get3A_410, %broadcast_in_dim3A_5 : vector<16xi1>, vector<16xf32>
      %add3A_654 = arith.addf %get3A_652, %select_n3A_653 : vector<16xf32>
      %swap3A_655 = arith.constant 4 : i32
      %swap3A_656 = arith.index_cast %swap3A_655 : i32 to index
      %swap3A_657 = arith.constant 0 : index
      %swap3A_658 = tpu.vector_load %arg10[%swap3A_656, %swap3A_657] {strides = array<i32>} : memref<16x16xf32, #tpu.memory_space<vmem>>, vector<1x16xf32>,
      %swap3A_659 = vector.shape_cast %swap3A_658 : vector<1x16xf32> to vector<16xf32>
      %swap3A_660 = vector.shape_cast %add3A_654 : vector<16xf32> to vector<1x16xf32>
      tpu.vector_store %arg10[%swap3A_656, %swap3A_657], %swap3A_660 {strides = array<i32>} : memref<16x16xf32, #tpu.memory_space<vmem>>, vector<1x16xf32>,
      %get3A_661 = arith.constant 4 : i32
      %get3A_662 = arith.index_cast %get3A_661 : i32 to index
      %get3A_663 = arith.constant 0 : index
      %get3A_664 = tpu.vector_load %arg11[%get3A_662, %get3A_663] {strides = array<i32>} : memref<16x16xf32, #tpu.memory_space<vmem>>, vector<1x16xf32>,
      %get3A_665 = vector.shape_cast %get3A_664 : vector<1x16xf32> to vector<16xf32>
      %select_n3A_666 = arith.select %eq3A_634, %get3A_413, %broadcast_in_dim3A_5 : vector<16xi1>, vector<16xf32>
      %add3A_667 = arith.addf %get3A_665, %select_n3A_666 : vector<16xf32>
      %swap3A_668 = arith.constant 4 : i32
      %swap3A_669 = arith.index_cast %swap3A_668 : i32 to index
      %swap3A_670 = arith.constant 0 : index
      %swap3A_671 = tpu.vector_load %arg11[%swap3A_669, %swap3A_670] {strides = array<i32>} : memref<16x16xf32, #tpu.memory_space<vmem>>, vector<1x16xf32>,
      %swap3A_672 = vector.shape_cast %swap3A_671 : vector<1x16xf32> to vector<16xf32>
      %swap3A_673 = vector.shape_cast %add3A_667 : vector<16xf32> to vector<1x16xf32>
      tpu.vector_store %arg11[%swap3A_669, %swap3A_670], %swap3A_673 {strides = array<i32>} : memref<16x16xf32, #tpu.memory_space<vmem>>, vector<1x16xf32>,
      %get3A_674 = arith.constant 4 : i32
      %get3A_675 = arith.index_cast %get3A_674 : i32 to index
      %get3A_676 = arith.constant 0 : index
      %get3A_677 = tpu.vector_load %arg12[%get3A_675, %get3A_676] {strides = array<i32>} : memref<16x16xf32, #tpu.memory_space<vmem>>, vector<1x16xf32>,
      %get3A_678 = vector.shape_cast %get3A_677 : vector<1x16xf32> to vector<16xf32>
      %select_n3A_679 = arith.select %eq3A_634, %broadcast_in_dim3A_7, %broadcast_in_dim3A_5 : vector<16xi1>, vector<16xf32>
      %add3A_680 = arith.addf %get3A_678, %select_n3A_679 : vector<16xf32>
      %swap3A_681 = arith.constant 4 : i32
      %swap3A_682 = arith.index_cast %swap3A_681 : i32 to index
      %swap3A_683 = arith.constant 0 : index
      %swap3A_684 = tpu.vector_load %arg12[%swap3A_682, %swap3A_683] {strides = array<i32>} : memref<16x16xf32, #tpu.memory_space<vmem>>, vector<1x16xf32>,
      %swap3A_685 = vector.shape_cast %swap3A_684 : vector<1x16xf32> to vector<16xf32>
      %swap3A_686 = vector.shape_cast %add3A_680 : vector<16xf32> to vector<1x16xf32>
      tpu.vector_store %arg12[%swap3A_682, %swap3A_683], %swap3A_686 {strides = array<i32>} : memref<16x16xf32, #tpu.memory_space<vmem>>, vector<1x16xf32>,
      %eq3A_687 = arith.constant 5 : i32
      %eq3A_688 = vector.broadcast %eq3A_687 : i32 to vector<16xi32>
      %eq3A_689 = arith.cmpi eq, %get3A_404, %eq3A_688 : vector<16xi32>
      %get3A_690 = arith.constant 5 : i32
      %get3A_691 = arith.index_cast %get3A_690 : i32 to index
      %get3A_692 = arith.constant 0 : index
      %get3A_693 = tpu.vector_load %arg9[%get3A_691, %get3A_692] {strides = array<i32>} : memref<16x16xf32, #tpu.memory_space<vmem>>, vector<1x16xf32>,
      %get3A_694 = vector.shape_cast %get3A_693 : vector<1x16xf32> to vector<16xf32>
      %select_n3A_695 = arith.select %eq3A_689, %get3A_407, %broadcast_in_dim3A_5 : vector<16xi1>, vector<16xf32>
      %add3A_696 = arith.addf %get3A_694, %select_n3A_695 : vector<16xf32>
      %swap3A_697 = arith.constant 5 : i32
      %swap3A_698 = arith.index_cast %swap3A_697 : i32 to index
      %swap3A_699 = arith.constant 0 : index
      %swap3A_700 = tpu.vector_load %arg9[%swap3A_698, %swap3A_699] {strides = array<i32>} : memref<16x16xf32, #tpu.memory_space<vmem>>, vector<1x16xf32>,
      %swap3A_701 = vector.shape_cast %swap3A_700 : vector<1x16xf32> to vector<16xf32>
      %swap3A_702 = vector.shape_cast %add3A_696 : vector<16xf32> to vector<1x16xf32>
      tpu.vector_store %arg9[%swap3A_698, %swap3A_699], %swap3A_702 {strides = array<i32>} : memref<16x16xf32, #tpu.memory_space<vmem>>, vector<1x16xf32>,
      %get3A_703 = arith.constant 5 : i32
      %get3A_704 = arith.index_cast %get3A_703 : i32 to index
      %get3A_705 = arith.constant 0 : index
      %get3A_706 = tpu.vector_load %arg10[%get3A_704, %get3A_705] {strides = array<i32>} : memref<16x16xf32, #tpu.memory_space<vmem>>, vector<1x16xf32>,
      %get3A_707 = vector.shape_cast %get3A_706 : vector<1x16xf32> to vector<16xf32>
      %select_n3A_708 = arith.select %eq3A_689, %get3A_410, %broadcast_in_dim3A_5 : vector<16xi1>, vector<16xf32>
      %add3A_709 = arith.addf %get3A_707, %select_n3A_708 : vector<16xf32>
      %swap3A_710 = arith.constant 5 : i32
      %swap3A_711 = arith.index_cast %swap3A_710 : i32 to index
      %swap3A_712 = arith.constant 0 : index
      %swap3A_713 = tpu.vector_load %arg10[%swap3A_711, %swap3A_712] {strides = array<i32>} : memref<16x16xf32, #tpu.memory_space<vmem>>, vector<1x16xf32>,
      %swap3A_714 = vector.shape_cast %swap3A_713 : vector<1x16xf32> to vector<16xf32>
      %swap3A_715 = vector.shape_cast %add3A_709 : vector<16xf32> to vector<1x16xf32>
      tpu.vector_store %arg10[%swap3A_711, %swap3A_712], %swap3A_715 {strides = array<i32>} : memref<16x16xf32, #tpu.memory_space<vmem>>, vector<1x16xf32>,
      %get3A_716 = arith.constant 5 : i32
      %get3A_717 = arith.index_cast %get3A_716 : i32 to index
      %get3A_718 = arith.constant 0 : index
      %get3A_719 = tpu.vector_load %arg11[%get3A_717, %get3A_718] {strides = array<i32>} : memref<16x16xf32, #tpu.memory_space<vmem>>, vector<1x16xf32>,
      %get3A_720 = vector.shape_cast %get3A_719 : vector<1x16xf32> to vector<16xf32>
      %select_n3A_721 = arith.select %eq3A_689, %get3A_413, %broadcast_in_dim3A_5 : vector<16xi1>, vector<16xf32>
      %add3A_722 = arith.addf %get3A_720, %select_n3A_721 : vector<16xf32>
      %swap3A_723 = arith.constant 5 : i32
      %swap3A_724 = arith.index_cast %swap3A_723 : i32 to index
      %swap3A_725 = arith.constant 0 : index
      %swap3A_726 = tpu.vector_load %arg11[%swap3A_724, %swap3A_725] {strides = array<i32>} : memref<16x16xf32, #tpu.memory_space<vmem>>, vector<1x16xf32>,
      %swap3A_727 = vector.shape_cast %swap3A_726 : vector<1x16xf32> to vector<16xf32>
      %swap3A_728 = vector.shape_cast %add3A_722 : vector<16xf32> to vector<1x16xf32>
      tpu.vector_store %arg11[%swap3A_724, %swap3A_725], %swap3A_728 {strides = array<i32>} : memref<16x16xf32, #tpu.memory_space<vmem>>, vector<1x16xf32>,
      %get3A_729 = arith.constant 5 : i32
      %get3A_730 = arith.index_cast %get3A_729 : i32 to index
      %get3A_731 = arith.constant 0 : index
      %get3A_732 = tpu.vector_load %arg12[%get3A_730, %get3A_731] {strides = array<i32>} : memref<16x16xf32, #tpu.memory_space<vmem>>, vector<1x16xf32>,
      %get3A_733 = vector.shape_cast %get3A_732 : vector<1x16xf32> to vector<16xf32>
      %select_n3A_734 = arith.select %eq3A_689, %broadcast_in_dim3A_7, %broadcast_in_dim3A_5 : vector<16xi1>, vector<16xf32>
      %add3A_735 = arith.addf %get3A_733, %select_n3A_734 : vector<16xf32>
      %swap3A_736 = arith.constant 5 : i32
      %swap3A_737 = arith.index_cast %swap3A_736 : i32 to index
      %swap3A_738 = arith.constant 0 : index
      %swap3A_739 = tpu.vector_load %arg12[%swap3A_737, %swap3A_738] {strides = array<i32>} : memref<16x16xf32, #tpu.memory_space<vmem>>, vector<1x16xf32>,
      %swap3A_740 = vector.shape_cast %swap3A_739 : vector<1x16xf32> to vector<16xf32>
      %swap3A_741 = vector.shape_cast %add3A_735 : vector<16xf32> to vector<1x16xf32>
      tpu.vector_store %arg12[%swap3A_737, %swap3A_738], %swap3A_741 {strides = array<i32>} : memref<16x16xf32, #tpu.memory_space<vmem>>, vector<1x16xf32>,
      %eq3A_742 = arith.constant 6 : i32
      %eq3A_743 = vector.broadcast %eq3A_742 : i32 to vector<16xi32>
      %eq3A_744 = arith.cmpi eq, %get3A_404, %eq3A_743 : vector<16xi32>
      %get3A_745 = arith.constant 6 : i32
      %get3A_746 = arith.index_cast %get3A_745 : i32 to index
      %get3A_747 = arith.constant 0 : index
      %get3A_748 = tpu.vector_load %arg9[%get3A_746, %get3A_747] {strides = array<i32>} : memref<16x16xf32, #tpu.memory_space<vmem>>, vector<1x16xf32>,
      %get3A_749 = vector.shape_cast %get3A_748 : vector<1x16xf32> to vector<16xf32>
      %select_n3A_750 = arith.select %eq3A_744, %get3A_407, %broadcast_in_dim3A_5 : vector<16xi1>, vector<16xf32>
      %add3A_751 = arith.addf %get3A_749, %select_n3A_750 : vector<16xf32>
      %swap3A_752 = arith.constant 6 : i32
      %swap3A_753 = arith.index_cast %swap3A_752 : i32 to index
      %swap3A_754 = arith.constant 0 : index
      %swap3A_755 = tpu.vector_load %arg9[%swap3A_753, %swap3A_754] {strides = array<i32>} : memref<16x16xf32, #tpu.memory_space<vmem>>, vector<1x16xf32>,
      %swap3A_756 = vector.shape_cast %swap3A_755 : vector<1x16xf32> to vector<16xf32>
      %swap3A_757 = vector.shape_cast %add3A_751 : vector<16xf32> to vector<1x16xf32>
      tpu.vector_store %arg9[%swap3A_753, %swap3A_754], %swap3A_757 {strides = array<i32>} : memref<16x16xf32, #tpu.memory_space<vmem>>, vector<1x16xf32>,
      %get3A_758 = arith.constant 6 : i32
      %get3A_759 = arith.index_cast %get3A_758 : i32 to index
      %get3A_760 = arith.constant 0 : index
      %get3A_761 = tpu.vector_load %arg10[%get3A_759, %get3A_760] {strides = array<i32>} : memref<16x16xf32, #tpu.memory_space<vmem>>, vector<1x16xf32>,
      %get3A_762 = vector.shape_cast %get3A_761 : vector<1x16xf32> to vector<16xf32>
      %select_n3A_763 = arith.select %eq3A_744, %get3A_410, %broadcast_in_dim3A_5 : vector<16xi1>, vector<16xf32>
      %add3A_764 = arith.addf %get3A_762, %select_n3A_763 : vector<16xf32>
      %swap3A_765 = arith.constant 6 : i32
      %swap3A_766 = arith.index_cast %swap3A_765 : i32 to index
      %swap3A_767 = arith.constant 0 : index
      %swap3A_768 = tpu.vector_load %arg10[%swap3A_766, %swap3A_767] {strides = array<i32>} : memref<16x16xf32, #tpu.memory_space<vmem>>, vector<1x16xf32>,
      %swap3A_769 = vector.shape_cast %swap3A_768 : vector<1x16xf32> to vector<16xf32>
      %swap3A_770 = vector.shape_cast %add3A_764 : vector<16xf32> to vector<1x16xf32>
      tpu.vector_store %arg10[%swap3A_766, %swap3A_767], %swap3A_770 {strides = array<i32>} : memref<16x16xf32, #tpu.memory_space<vmem>>, vector<1x16xf32>,
      %get3A_771 = arith.constant 6 : i32
      %get3A_772 = arith.index_cast %get3A_771 : i32 to index
      %get3A_773 = arith.constant 0 : index
      %get3A_774 = tpu.vector_load %arg11[%get3A_772, %get3A_773] {strides = array<i32>} : memref<16x16xf32, #tpu.memory_space<vmem>>, vector<1x16xf32>,
      %get3A_775 = vector.shape_cast %get3A_774 : vector<1x16xf32> to vector<16xf32>
      %select_n3A_776 = arith.select %eq3A_744, %get3A_413, %broadcast_in_dim3A_5 : vector<16xi1>, vector<16xf32>
      %add3A_777 = arith.addf %get3A_775, %select_n3A_776 : vector<16xf32>
      %swap3A_778 = arith.constant 6 : i32
      %swap3A_779 = arith.index_cast %swap3A_778 : i32 to index
      %swap3A_780 = arith.constant 0 : index
      %swap3A_781 = tpu.vector_load %arg11[%swap3A_779, %swap3A_780] {strides = array<i32>} : memref<16x16xf32, #tpu.memory_space<vmem>>, vector<1x16xf32>,
      %swap3A_782 = vector.shape_cast %swap3A_781 : vector<1x16xf32> to vector<16xf32>
      %swap3A_783 = vector.shape_cast %add3A_777 : vector<16xf32> to vector<1x16xf32>
      tpu.vector_store %arg11[%swap3A_779, %swap3A_780], %swap3A_783 {strides = array<i32>} : memref<16x16xf32, #tpu.memory_space<vmem>>, vector<1x16xf32>,
      %get3A_784 = arith.constant 6 : i32
      %get3A_785 = arith.index_cast %get3A_784 : i32 to index
      %get3A_786 = arith.constant 0 : index
      %get3A_787 = tpu.vector_load %arg12[%get3A_785, %get3A_786] {strides = array<i32>} : memref<16x16xf32, #tpu.memory_space<vmem>>, vector<1x16xf32>,
      %get3A_788 = vector.shape_cast %get3A_787 : vector<1x16xf32> to vector<16xf32>
      %select_n3A_789 = arith.select %eq3A_744, %broadcast_in_dim3A_7, %broadcast_in_dim3A_5 : vector<16xi1>, vector<16xf32>
      %add3A_790 = arith.addf %get3A_788, %select_n3A_789 : vector<16xf32>
      %swap3A_791 = arith.constant 6 : i32
      %swap3A_792 = arith.index_cast %swap3A_791 : i32 to index
      %swap3A_793 = arith.constant 0 : index
      %swap3A_794 = tpu.vector_load %arg12[%swap3A_792, %swap3A_793] {strides = array<i32>} : memref<16x16xf32, #tpu.memory_space<vmem>>, vector<1x16xf32>,
      %swap3A_795 = vector.shape_cast %swap3A_794 : vector<1x16xf32> to vector<16xf32>
      %swap3A_796 = vector.shape_cast %add3A_790 : vector<16xf32> to vector<1x16xf32>
      tpu.vector_store %arg12[%swap3A_792, %swap3A_793], %swap3A_796 {strides = array<i32>} : memref<16x16xf32, #tpu.memory_space<vmem>>, vector<1x16xf32>,
      %eq3A_797 = arith.constant 7 : i32
      %eq3A_798 = vector.broadcast %eq3A_797 : i32 to vector<16xi32>
      %eq3A_799 = arith.cmpi eq, %get3A_404, %eq3A_798 : vector<16xi32>
      %get3A_800 = arith.constant 7 : i32
      %get3A_801 = arith.index_cast %get3A_800 : i32 to index
      %get3A_802 = arith.constant 0 : index
      %get3A_803 = tpu.vector_load %arg9[%get3A_801, %get3A_802] {strides = array<i32>} : memref<16x16xf32, #tpu.memory_space<vmem>>, vector<1x16xf32>,
      %get3A_804 = vector.shape_cast %get3A_803 : vector<1x16xf32> to vector<16xf32>
      %select_n3A_805 = arith.select %eq3A_799, %get3A_407, %broadcast_in_dim3A_5 : vector<16xi1>, vector<16xf32>
      %add3A_806 = arith.addf %get3A_804, %select_n3A_805 : vector<16xf32>
      %swap3A_807 = arith.constant 7 : i32
      %swap3A_808 = arith.index_cast %swap3A_807 : i32 to index
      %swap3A_809 = arith.constant 0 : index
      %swap3A_810 = tpu.vector_load %arg9[%swap3A_808, %swap3A_809] {strides = array<i32>} : memref<16x16xf32, #tpu.memory_space<vmem>>, vector<1x16xf32>,
      %swap3A_811 = vector.shape_cast %swap3A_810 : vector<1x16xf32> to vector<16xf32>
      %swap3A_812 = vector.shape_cast %add3A_806 : vector<16xf32> to vector<1x16xf32>
      tpu.vector_store %arg9[%swap3A_808, %swap3A_809], %swap3A_812 {strides = array<i32>} : memref<16x16xf32, #tpu.memory_space<vmem>>, vector<1x16xf32>,
      %get3A_813 = arith.constant 7 : i32
      %get3A_814 = arith.index_cast %get3A_813 : i32 to index
      %get3A_815 = arith.constant 0 : index
      %get3A_816 = tpu.vector_load %arg10[%get3A_814, %get3A_815] {strides = array<i32>} : memref<16x16xf32, #tpu.memory_space<vmem>>, vector<1x16xf32>,
      %get3A_817 = vector.shape_cast %get3A_816 : vector<1x16xf32> to vector<16xf32>
      %select_n3A_818 = arith.select %eq3A_799, %get3A_410, %broadcast_in_dim3A_5 : vector<16xi1>, vector<16xf32>
      %add3A_819 = arith.addf %get3A_817, %select_n3A_818 : vector<16xf32>
      %swap3A_820 = arith.constant 7 : i32
      %swap3A_821 = arith.index_cast %swap3A_820 : i32 to index
      %swap3A_822 = arith.constant 0 : index
      %swap3A_823 = tpu.vector_load %arg10[%swap3A_821, %swap3A_822] {strides = array<i32>} : memref<16x16xf32, #tpu.memory_space<vmem>>, vector<1x16xf32>,
      %swap3A_824 = vector.shape_cast %swap3A_823 : vector<1x16xf32> to vector<16xf32>
      %swap3A_825 = vector.shape_cast %add3A_819 : vector<16xf32> to vector<1x16xf32>
      tpu.vector_store %arg10[%swap3A_821, %swap3A_822], %swap3A_825 {strides = array<i32>} : memref<16x16xf32, #tpu.memory_space<vmem>>, vector<1x16xf32>,
      %get3A_826 = arith.constant 7 : i32
      %get3A_827 = arith.index_cast %get3A_826 : i32 to index
      %get3A_828 = arith.constant 0 : index
      %get3A_829 = tpu.vector_load %arg11[%get3A_827, %get3A_828] {strides = array<i32>} : memref<16x16xf32, #tpu.memory_space<vmem>>, vector<1x16xf32>,
      %get3A_830 = vector.shape_cast %get3A_829 : vector<1x16xf32> to vector<16xf32>
      %select_n3A_831 = arith.select %eq3A_799, %get3A_413, %broadcast_in_dim3A_5 : vector<16xi1>, vector<16xf32>
      %add3A_832 = arith.addf %get3A_830, %select_n3A_831 : vector<16xf32>
      %swap3A_833 = arith.constant 7 : i32
      %swap3A_834 = arith.index_cast %swap3A_833 : i32 to index
      %swap3A_835 = arith.constant 0 : index
      %swap3A_836 = tpu.vector_load %arg11[%swap3A_834, %swap3A_835] {strides = array<i32>} : memref<16x16xf32, #tpu.memory_space<vmem>>, vector<1x16xf32>,
      %swap3A_837 = vector.shape_cast %swap3A_836 : vector<1x16xf32> to vector<16xf32>
      %swap3A_838 = vector.shape_cast %add3A_832 : vector<16xf32> to vector<1x16xf32>
      tpu.vector_store %arg11[%swap3A_834, %swap3A_835], %swap3A_838 {strides = array<i32>} : memref<16x16xf32, #tpu.memory_space<vmem>>, vector<1x16xf32>,
      %get3A_839 = arith.constant 7 : i32
      %get3A_840 = arith.index_cast %get3A_839 : i32 to index
      %get3A_841 = arith.constant 0 : index
      %get3A_842 = tpu.vector_load %arg12[%get3A_840, %get3A_841] {strides = array<i32>} : memref<16x16xf32, #tpu.memory_space<vmem>>, vector<1x16xf32>,
      %get3A_843 = vector.shape_cast %get3A_842 : vector<1x16xf32> to vector<16xf32>
      %select_n3A_844 = arith.select %eq3A_799, %broadcast_in_dim3A_7, %broadcast_in_dim3A_5 : vector<16xi1>, vector<16xf32>
      %add3A_845 = arith.addf %get3A_843, %select_n3A_844 : vector<16xf32>
      %swap3A_846 = arith.constant 7 : i32
      %swap3A_847 = arith.index_cast %swap3A_846 : i32 to index
      %swap3A_848 = arith.constant 0 : index
      %swap3A_849 = tpu.vector_load %arg12[%swap3A_847, %swap3A_848] {strides = array<i32>} : memref<16x16xf32, #tpu.memory_space<vmem>>, vector<1x16xf32>,
      %swap3A_850 = vector.shape_cast %swap3A_849 : vector<1x16xf32> to vector<16xf32>
      %swap3A_851 = vector.shape_cast %add3A_845 : vector<16xf32> to vector<1x16xf32>
      tpu.vector_store %arg12[%swap3A_847, %swap3A_848], %swap3A_851 {strides = array<i32>} : memref<16x16xf32, #tpu.memory_space<vmem>>, vector<1x16xf32>,
      %eq3A_852 = arith.constant 8 : i32
      %eq3A_853 = vector.broadcast %eq3A_852 : i32 to vector<16xi32>
      %eq3A_854 = arith.cmpi eq, %get3A_404, %eq3A_853 : vector<16xi32>
      %get3A_855 = arith.constant 8 : i32
      %get3A_856 = arith.index_cast %get3A_855 : i32 to index
      %get3A_857 = arith.constant 0 : index
      %get3A_858 = tpu.vector_load %arg9[%get3A_856, %get3A_857] {strides = array<i32>} : memref<16x16xf32, #tpu.memory_space<vmem>>, vector<1x16xf32>,
      %get3A_859 = vector.shape_cast %get3A_858 : vector<1x16xf32> to vector<16xf32>
      %select_n3A_860 = arith.select %eq3A_854, %get3A_407, %broadcast_in_dim3A_5 : vector<16xi1>, vector<16xf32>
      %add3A_861 = arith.addf %get3A_859, %select_n3A_860 : vector<16xf32>
      %swap3A_862 = arith.constant 8 : i32
      %swap3A_863 = arith.index_cast %swap3A_862 : i32 to index
      %swap3A_864 = arith.constant 0 : index
      %swap3A_865 = tpu.vector_load %arg9[%swap3A_863, %swap3A_864] {strides = array<i32>} : memref<16x16xf32, #tpu.memory_space<vmem>>, vector<1x16xf32>,
      %swap3A_866 = vector.shape_cast %swap3A_865 : vector<1x16xf32> to vector<16xf32>
      %swap3A_867 = vector.shape_cast %add3A_861 : vector<16xf32> to vector<1x16xf32>
      tpu.vector_store %arg9[%swap3A_863, %swap3A_864], %swap3A_867 {strides = array<i32>} : memref<16x16xf32, #tpu.memory_space<vmem>>, vector<1x16xf32>,
      %get3A_868 = arith.constant 8 : i32
      %get3A_869 = arith.index_cast %get3A_868 : i32 to index
      %get3A_870 = arith.constant 0 : index
      %get3A_871 = tpu.vector_load %arg10[%get3A_869, %get3A_870] {strides = array<i32>} : memref<16x16xf32, #tpu.memory_space<vmem>>, vector<1x16xf32>,
      %get3A_872 = vector.shape_cast %get3A_871 : vector<1x16xf32> to vector<16xf32>
      %select_n3A_873 = arith.select %eq3A_854, %get3A_410, %broadcast_in_dim3A_5 : vector<16xi1>, vector<16xf32>
      %add3A_874 = arith.addf %get3A_872, %select_n3A_873 : vector<16xf32>
      %swap3A_875 = arith.constant 8 : i32
      %swap3A_876 = arith.index_cast %swap3A_875 : i32 to index
      %swap3A_877 = arith.constant 0 : index
      %swap3A_878 = tpu.vector_load %arg10[%swap3A_876, %swap3A_877] {strides = array<i32>} : memref<16x16xf32, #tpu.memory_space<vmem>>, vector<1x16xf32>,
      %swap3A_879 = vector.shape_cast %swap3A_878 : vector<1x16xf32> to vector<16xf32>
      %swap3A_880 = vector.shape_cast %add3A_874 : vector<16xf32> to vector<1x16xf32>
      tpu.vector_store %arg10[%swap3A_876, %swap3A_877], %swap3A_880 {strides = array<i32>} : memref<16x16xf32, #tpu.memory_space<vmem>>, vector<1x16xf32>,
      %get3A_881 = arith.constant 8 : i32
      %get3A_882 = arith.index_cast %get3A_881 : i32 to index
      %get3A_883 = arith.constant 0 : index
      %get3A_884 = tpu.vector_load %arg11[%get3A_882, %get3A_883] {strides = array<i32>} : memref<16x16xf32, #tpu.memory_space<vmem>>, vector<1x16xf32>,
      %get3A_885 = vector.shape_cast %get3A_884 : vector<1x16xf32> to vector<16xf32>
      %select_n3A_886 = arith.select %eq3A_854, %get3A_413, %broadcast_in_dim3A_5 : vector<16xi1>, vector<16xf32>
      %add3A_887 = arith.addf %get3A_885, %select_n3A_886 : vector<16xf32>
      %swap3A_888 = arith.constant 8 : i32
      %swap3A_889 = arith.index_cast %swap3A_888 : i32 to index
      %swap3A_890 = arith.constant 0 : index
      %swap3A_891 = tpu.vector_load %arg11[%swap3A_889, %swap3A_890] {strides = array<i32>} : memref<16x16xf32, #tpu.memory_space<vmem>>, vector<1x16xf32>,
      %swap3A_892 = vector.shape_cast %swap3A_891 : vector<1x16xf32> to vector<16xf32>
      %swap3A_893 = vector.shape_cast %add3A_887 : vector<16xf32> to vector<1x16xf32>
      tpu.vector_store %arg11[%swap3A_889, %swap3A_890], %swap3A_893 {strides = array<i32>} : memref<16x16xf32, #tpu.memory_space<vmem>>, vector<1x16xf32>,
      %get3A_894 = arith.constant 8 : i32
      %get3A_895 = arith.index_cast %get3A_894 : i32 to index
      %get3A_896 = arith.constant 0 : index
      %get3A_897 = tpu.vector_load %arg12[%get3A_895, %get3A_896] {strides = array<i32>} : memref<16x16xf32, #tpu.memory_space<vmem>>, vector<1x16xf32>,
      %get3A_898 = vector.shape_cast %get3A_897 : vector<1x16xf32> to vector<16xf32>
      %select_n3A_899 = arith.select %eq3A_854, %broadcast_in_dim3A_7, %broadcast_in_dim3A_5 : vector<16xi1>, vector<16xf32>
      %add3A_900 = arith.addf %get3A_898, %select_n3A_899 : vector<16xf32>
      %swap3A_901 = arith.constant 8 : i32
      %swap3A_902 = arith.index_cast %swap3A_901 : i32 to index
      %swap3A_903 = arith.constant 0 : index
      %swap3A_904 = tpu.vector_load %arg12[%swap3A_902, %swap3A_903] {strides = array<i32>} : memref<16x16xf32, #tpu.memory_space<vmem>>, vector<1x16xf32>,
      %swap3A_905 = vector.shape_cast %swap3A_904 : vector<1x16xf32> to vector<16xf32>
      %swap3A_906 = vector.shape_cast %add3A_900 : vector<16xf32> to vector<1x16xf32>
      tpu.vector_store %arg12[%swap3A_902, %swap3A_903], %swap3A_906 {strides = array<i32>} : memref<16x16xf32, #tpu.memory_space<vmem>>, vector<1x16xf32>,
      %eq3A_907 = arith.constant 9 : i32
      %eq3A_908 = vector.broadcast %eq3A_907 : i32 to vector<16xi32>
      %eq3A_909 = arith.cmpi eq, %get3A_404, %eq3A_908 : vector<16xi32>
      %get3A_910 = arith.constant 9 : i32
      %get3A_911 = arith.index_cast %get3A_910 : i32 to index
      %get3A_912 = arith.constant 0 : index
      %get3A_913 = tpu.vector_load %arg9[%get3A_911, %get3A_912] {strides = array<i32>} : memref<16x16xf32, #tpu.memory_space<vmem>>, vector<1x16xf32>,
      %get3A_914 = vector.shape_cast %get3A_913 : vector<1x16xf32> to vector<16xf32>
      %select_n3A_915 = arith.select %eq3A_909, %get3A_407, %broadcast_in_dim3A_5 : vector<16xi1>, vector<16xf32>
      %add3A_916 = arith.addf %get3A_914, %select_n3A_915 : vector<16xf32>
      %swap3A_917 = arith.constant 9 : i32
      %swap3A_918 = arith.index_cast %swap3A_917 : i32 to index
      %swap3A_919 = arith.constant 0 : index
      %swap3A_920 = tpu.vector_load %arg9[%swap3A_918, %swap3A_919] {strides = array<i32>} : memref<16x16xf32, #tpu.memory_space<vmem>>, vector<1x16xf32>,
      %swap3A_921 = vector.shape_cast %swap3A_920 : vector<1x16xf32> to vector<16xf32>
      %swap3A_922 = vector.shape_cast %add3A_916 : vector<16xf32> to vector<1x16xf32>
      tpu.vector_store %arg9[%swap3A_918, %swap3A_919], %swap3A_922 {strides = array<i32>} : memref<16x16xf32, #tpu.memory_space<vmem>>, vector<1x16xf32>,
      %get3A_923 = arith.constant 9 : i32
      %get3A_924 = arith.index_cast %get3A_923 : i32 to index
      %get3A_925 = arith.constant 0 : index
      %get3A_926 = tpu.vector_load %arg10[%get3A_924, %get3A_925] {strides = array<i32>} : memref<16x16xf32, #tpu.memory_space<vmem>>, vector<1x16xf32>,
      %get3A_927 = vector.shape_cast %get3A_926 : vector<1x16xf32> to vector<16xf32>
      %select_n3A_928 = arith.select %eq3A_909, %get3A_410, %broadcast_in_dim3A_5 : vector<16xi1>, vector<16xf32>
      %add3A_929 = arith.addf %get3A_927, %select_n3A_928 : vector<16xf32>
      %swap3A_930 = arith.constant 9 : i32
      %swap3A_931 = arith.index_cast %swap3A_930 : i32 to index
      %swap3A_932 = arith.constant 0 : index
      %swap3A_933 = tpu.vector_load %arg10[%swap3A_931, %swap3A_932] {strides = array<i32>} : memref<16x16xf32, #tpu.memory_space<vmem>>, vector<1x16xf32>,
      %swap3A_934 = vector.shape_cast %swap3A_933 : vector<1x16xf32> to vector<16xf32>
      %swap3A_935 = vector.shape_cast %add3A_929 : vector<16xf32> to vector<1x16xf32>
      tpu.vector_store %arg10[%swap3A_931, %swap3A_932], %swap3A_935 {strides = array<i32>} : memref<16x16xf32, #tpu.memory_space<vmem>>, vector<1x16xf32>,
      %get3A_936 = arith.constant 9 : i32
      %get3A_937 = arith.index_cast %get3A_936 : i32 to index
      %get3A_938 = arith.constant 0 : index
      %get3A_939 = tpu.vector_load %arg11[%get3A_937, %get3A_938] {strides = array<i32>} : memref<16x16xf32, #tpu.memory_space<vmem>>, vector<1x16xf32>,
      %get3A_940 = vector.shape_cast %get3A_939 : vector<1x16xf32> to vector<16xf32>
      %select_n3A_941 = arith.select %eq3A_909, %get3A_413, %broadcast_in_dim3A_5 : vector<16xi1>, vector<16xf32>
      %add3A_942 = arith.addf %get3A_940, %select_n3A_941 : vector<16xf32>
      %swap3A_943 = arith.constant 9 : i32
      %swap3A_944 = arith.index_cast %swap3A_943 : i32 to index
      %swap3A_945 = arith.constant 0 : index
      %swap3A_946 = tpu.vector_load %arg11[%swap3A_944, %swap3A_945] {strides = array<i32>} : memref<16x16xf32, #tpu.memory_space<vmem>>, vector<1x16xf32>,
      %swap3A_947 = vector.shape_cast %swap3A_946 : vector<1x16xf32> to vector<16xf32>
      %swap3A_948 = vector.shape_cast %add3A_942 : vector<16xf32> to vector<1x16xf32>
      tpu.vector_store %arg11[%swap3A_944, %swap3A_945], %swap3A_948 {strides = array<i32>} : memref<16x16xf32, #tpu.memory_space<vmem>>, vector<1x16xf32>,
      %get3A_949 = arith.constant 9 : i32
      %get3A_950 = arith.index_cast %get3A_949 : i32 to index
      %get3A_951 = arith.constant 0 : index
      %get3A_952 = tpu.vector_load %arg12[%get3A_950, %get3A_951] {strides = array<i32>} : memref<16x16xf32, #tpu.memory_space<vmem>>, vector<1x16xf32>,
      %get3A_953 = vector.shape_cast %get3A_952 : vector<1x16xf32> to vector<16xf32>
      %select_n3A_954 = arith.select %eq3A_909, %broadcast_in_dim3A_7, %broadcast_in_dim3A_5 : vector<16xi1>, vector<16xf32>
      %add3A_955 = arith.addf %get3A_953, %select_n3A_954 : vector<16xf32>
      %swap3A_956 = arith.constant 9 : i32
      %swap3A_957 = arith.index_cast %swap3A_956 : i32 to index
      %swap3A_958 = arith.constant 0 : index
      %swap3A_959 = tpu.vector_load %arg12[%swap3A_957, %swap3A_958] {strides = array<i32>} : memref<16x16xf32, #tpu.memory_space<vmem>>, vector<1x16xf32>,
      %swap3A_960 = vector.shape_cast %swap3A_959 : vector<1x16xf32> to vector<16xf32>
      %swap3A_961 = vector.shape_cast %add3A_955 : vector<16xf32> to vector<1x16xf32>
      tpu.vector_store %arg12[%swap3A_957, %swap3A_958], %swap3A_961 {strides = array<i32>} : memref<16x16xf32, #tpu.memory_space<vmem>>, vector<1x16xf32>,
      %eq3A_962 = arith.constant 10 : i32
      %eq3A_963 = vector.broadcast %eq3A_962 : i32 to vector<16xi32>
      %eq3A_964 = arith.cmpi eq, %get3A_404, %eq3A_963 : vector<16xi32>
      %get3A_965 = arith.constant 10 : i32
      %get3A_966 = arith.index_cast %get3A_965 : i32 to index
      %get3A_967 = arith.constant 0 : index
      %get3A_968 = tpu.vector_load %arg9[%get3A_966, %get3A_967] {strides = array<i32>} : memref<16x16xf32, #tpu.memory_space<vmem>>, vector<1x16xf32>,
      %get3A_969 = vector.shape_cast %get3A_968 : vector<1x16xf32> to vector<16xf32>
      %select_n3A_970 = arith.select %eq3A_964, %get3A_407, %broadcast_in_dim3A_5 : vector<16xi1>, vector<16xf32>
      %add3A_971 = arith.addf %get3A_969, %select_n3A_970 : vector<16xf32>
      %swap3A_972 = arith.constant 10 : i32
      %swap3A_973 = arith.index_cast %swap3A_972 : i32 to index
      %swap3A_974 = arith.constant 0 : index
      %swap3A_975 = tpu.vector_load %arg9[%swap3A_973, %swap3A_974] {strides = array<i32>} : memref<16x16xf32, #tpu.memory_space<vmem>>, vector<1x16xf32>,
      %swap3A_976 = vector.shape_cast %swap3A_975 : vector<1x16xf32> to vector<16xf32>
      %swap3A_977 = vector.shape_cast %add3A_971 : vector<16xf32> to vector<1x16xf32>
      tpu.vector_store %arg9[%swap3A_973, %swap3A_974], %swap3A_977 {strides = array<i32>} : memref<16x16xf32, #tpu.memory_space<vmem>>, vector<1x16xf32>,
      %get3A_978 = arith.constant 10 : i32
      %get3A_979 = arith.index_cast %get3A_978 : i32 to index
      %get3A_980 = arith.constant 0 : index
      %get3A_981 = tpu.vector_load %arg10[%get3A_979, %get3A_980] {strides = array<i32>} : memref<16x16xf32, #tpu.memory_space<vmem>>, vector<1x16xf32>,
      %get3A_982 = vector.shape_cast %get3A_981 : vector<1x16xf32> to vector<16xf32>
      %select_n3A_983 = arith.select %eq3A_964, %get3A_410, %broadcast_in_dim3A_5 : vector<16xi1>, vector<16xf32>
      %add3A_984 = arith.addf %get3A_982, %select_n3A_983 : vector<16xf32>
      %swap3A_985 = arith.constant 10 : i32
      %swap3A_986 = arith.index_cast %swap3A_985 : i32 to index
      %swap3A_987 = arith.constant 0 : index
      %swap3A_988 = tpu.vector_load %arg10[%swap3A_986, %swap3A_987] {strides = array<i32>} : memref<16x16xf32, #tpu.memory_space<vmem>>, vector<1x16xf32>,
      %swap3A_989 = vector.shape_cast %swap3A_988 : vector<1x16xf32> to vector<16xf32>
      %swap3A_990 = vector.shape_cast %add3A_984 : vector<16xf32> to vector<1x16xf32>
      tpu.vector_store %arg10[%swap3A_986, %swap3A_987], %swap3A_990 {strides = array<i32>} : memref<16x16xf32, #tpu.memory_space<vmem>>, vector<1x16xf32>,
      %get3A_991 = arith.constant 10 : i32
      %get3A_992 = arith.index_cast %get3A_991 : i32 to index
      %get3A_993 = arith.constant 0 : index
      %get3A_994 = tpu.vector_load %arg11[%get3A_992, %get3A_993] {strides = array<i32>} : memref<16x16xf32, #tpu.memory_space<vmem>>, vector<1x16xf32>,
      %get3A_995 = vector.shape_cast %get3A_994 : vector<1x16xf32> to vector<16xf32>
      %select_n3A_996 = arith.select %eq3A_964, %get3A_413, %broadcast_in_dim3A_5 : vector<16xi1>, vector<16xf32>
      %add3A_997 = arith.addf %get3A_995, %select_n3A_996 : vector<16xf32>
      %swap3A_998 = arith.constant 10 : i32
      %swap3A_999 = arith.index_cast %swap3A_998 : i32 to index
      %swap3A_1000 = arith.constant 0 : index
      %swap3A_1001 = tpu.vector_load %arg11[%swap3A_999, %swap3A_1000] {strides = array<i32>} : memref<16x16xf32, #tpu.memory_space<vmem>>, vector<1x16xf32>,
      %swap3A_1002 = vector.shape_cast %swap3A_1001 : vector<1x16xf32> to vector<16xf32>
      %swap3A_1003 = vector.shape_cast %add3A_997 : vector<16xf32> to vector<1x16xf32>
      tpu.vector_store %arg11[%swap3A_999, %swap3A_1000], %swap3A_1003 {strides = array<i32>} : memref<16x16xf32, #tpu.memory_space<vmem>>, vector<1x16xf32>,
      %get3A_1004 = arith.constant 10 : i32
      %get3A_1005 = arith.index_cast %get3A_1004 : i32 to index
      %get3A_1006 = arith.constant 0 : index
      %get3A_1007 = tpu.vector_load %arg12[%get3A_1005, %get3A_1006] {strides = array<i32>} : memref<16x16xf32, #tpu.memory_space<vmem>>, vector<1x16xf32>,
      %get3A_1008 = vector.shape_cast %get3A_1007 : vector<1x16xf32> to vector<16xf32>
      %select_n3A_1009 = arith.select %eq3A_964, %broadcast_in_dim3A_7, %broadcast_in_dim3A_5 : vector<16xi1>, vector<16xf32>
      %add3A_1010 = arith.addf %get3A_1008, %select_n3A_1009 : vector<16xf32>
      %swap3A_1011 = arith.constant 10 : i32
      %swap3A_1012 = arith.index_cast %swap3A_1011 : i32 to index
      %swap3A_1013 = arith.constant 0 : index
      %swap3A_1014 = tpu.vector_load %arg12[%swap3A_1012, %swap3A_1013] {strides = array<i32>} : memref<16x16xf32, #tpu.memory_space<vmem>>, vector<1x16xf32>,
      %swap3A_1015 = vector.shape_cast %swap3A_1014 : vector<1x16xf32> to vector<16xf32>
      %swap3A_1016 = vector.shape_cast %add3A_1010 : vector<16xf32> to vector<1x16xf32>
      tpu.vector_store %arg12[%swap3A_1012, %swap3A_1013], %swap3A_1016 {strides = array<i32>} : memref<16x16xf32, #tpu.memory_space<vmem>>, vector<1x16xf32>,
      %eq3A_1017 = arith.constant 11 : i32
      %eq3A_1018 = vector.broadcast %eq3A_1017 : i32 to vector<16xi32>
      %eq3A_1019 = arith.cmpi eq, %get3A_404, %eq3A_1018 : vector<16xi32>
      %get3A_1020 = arith.constant 11 : i32
      %get3A_1021 = arith.index_cast %get3A_1020 : i32 to index
      %get3A_1022 = arith.constant 0 : index
      %get3A_1023 = tpu.vector_load %arg9[%get3A_1021, %get3A_1022] {strides = array<i32>} : memref<16x16xf32, #tpu.memory_space<vmem>>, vector<1x16xf32>,
      %get3A_1024 = vector.shape_cast %get3A_1023 : vector<1x16xf32> to vector<16xf32>
      %select_n3A_1025 = arith.select %eq3A_1019, %get3A_407, %broadcast_in_dim3A_5 : vector<16xi1>, vector<16xf32>
      %add3A_1026 = arith.addf %get3A_1024, %select_n3A_1025 : vector<16xf32>
      %swap3A_1027 = arith.constant 11 : i32
      %swap3A_1028 = arith.index_cast %swap3A_1027 : i32 to index
      %swap3A_1029 = arith.constant 0 : index
      %swap3A_1030 = tpu.vector_load %arg9[%swap3A_1028, %swap3A_1029] {strides = array<i32>} : memref<16x16xf32, #tpu.memory_space<vmem>>, vector<1x16xf32>,
      %swap3A_1031 = vector.shape_cast %swap3A_1030 : vector<1x16xf32> to vector<16xf32>
      %swap3A_1032 = vector.shape_cast %add3A_1026 : vector<16xf32> to vector<1x16xf32>
      tpu.vector_store %arg9[%swap3A_1028, %swap3A_1029], %swap3A_1032 {strides = array<i32>} : memref<16x16xf32, #tpu.memory_space<vmem>>, vector<1x16xf32>,
      %get3A_1033 = arith.constant 11 : i32
      %get3A_1034 = arith.index_cast %get3A_1033 : i32 to index
      %get3A_1035 = arith.constant 0 : index
      %get3A_1036 = tpu.vector_load %arg10[%get3A_1034, %get3A_1035] {strides = array<i32>} : memref<16x16xf32, #tpu.memory_space<vmem>>, vector<1x16xf32>,
      %get3A_1037 = vector.shape_cast %get3A_1036 : vector<1x16xf32> to vector<16xf32>
      %select_n3A_1038 = arith.select %eq3A_1019, %get3A_410, %broadcast_in_dim3A_5 : vector<16xi1>, vector<16xf32>
      %add3A_1039 = arith.addf %get3A_1037, %select_n3A_1038 : vector<16xf32>
      %swap3A_1040 = arith.constant 11 : i32
      %swap3A_1041 = arith.index_cast %swap3A_1040 : i32 to index
      %swap3A_1042 = arith.constant 0 : index
      %swap3A_1043 = tpu.vector_load %arg10[%swap3A_1041, %swap3A_1042] {strides = array<i32>} : memref<16x16xf32, #tpu.memory_space<vmem>>, vector<1x16xf32>,
      %swap3A_1044 = vector.shape_cast %swap3A_1043 : vector<1x16xf32> to vector<16xf32>
      %swap3A_1045 = vector.shape_cast %add3A_1039 : vector<16xf32> to vector<1x16xf32>
      tpu.vector_store %arg10[%swap3A_1041, %swap3A_1042], %swap3A_1045 {strides = array<i32>} : memref<16x16xf32, #tpu.memory_space<vmem>>, vector<1x16xf32>,
      %get3A_1046 = arith.constant 11 : i32
      %get3A_1047 = arith.index_cast %get3A_1046 : i32 to index
      %get3A_1048 = arith.constant 0 : index
      %get3A_1049 = tpu.vector_load %arg11[%get3A_1047, %get3A_1048] {strides = array<i32>} : memref<16x16xf32, #tpu.memory_space<vmem>>, vector<1x16xf32>,
      %get3A_1050 = vector.shape_cast %get3A_1049 : vector<1x16xf32> to vector<16xf32>
      %select_n3A_1051 = arith.select %eq3A_1019, %get3A_413, %broadcast_in_dim3A_5 : vector<16xi1>, vector<16xf32>
      %add3A_1052 = arith.addf %get3A_1050, %select_n3A_1051 : vector<16xf32>
      %swap3A_1053 = arith.constant 11 : i32
      %swap3A_1054 = arith.index_cast %swap3A_1053 : i32 to index
      %swap3A_1055 = arith.constant 0 : index
      %swap3A_1056 = tpu.vector_load %arg11[%swap3A_1054, %swap3A_1055] {strides = array<i32>} : memref<16x16xf32, #tpu.memory_space<vmem>>, vector<1x16xf32>,
      %swap3A_1057 = vector.shape_cast %swap3A_1056 : vector<1x16xf32> to vector<16xf32>
      %swap3A_1058 = vector.shape_cast %add3A_1052 : vector<16xf32> to vector<1x16xf32>
      tpu.vector_store %arg11[%swap3A_1054, %swap3A_1055], %swap3A_1058 {strides = array<i32>} : memref<16x16xf32, #tpu.memory_space<vmem>>, vector<1x16xf32>,
      %get3A_1059 = arith.constant 11 : i32
      %get3A_1060 = arith.index_cast %get3A_1059 : i32 to index
      %get3A_1061 = arith.constant 0 : index
      %get3A_1062 = tpu.vector_load %arg12[%get3A_1060, %get3A_1061] {strides = array<i32>} : memref<16x16xf32, #tpu.memory_space<vmem>>, vector<1x16xf32>,
      %get3A_1063 = vector.shape_cast %get3A_1062 : vector<1x16xf32> to vector<16xf32>
      %select_n3A_1064 = arith.select %eq3A_1019, %broadcast_in_dim3A_7, %broadcast_in_dim3A_5 : vector<16xi1>, vector<16xf32>
      %add3A_1065 = arith.addf %get3A_1063, %select_n3A_1064 : vector<16xf32>
      %swap3A_1066 = arith.constant 11 : i32
      %swap3A_1067 = arith.index_cast %swap3A_1066 : i32 to index
      %swap3A_1068 = arith.constant 0 : index
      %swap3A_1069 = tpu.vector_load %arg12[%swap3A_1067, %swap3A_1068] {strides = array<i32>} : memref<16x16xf32, #tpu.memory_space<vmem>>, vector<1x16xf32>,
      %swap3A_1070 = vector.shape_cast %swap3A_1069 : vector<1x16xf32> to vector<16xf32>
      %swap3A_1071 = vector.shape_cast %add3A_1065 : vector<16xf32> to vector<1x16xf32>
      tpu.vector_store %arg12[%swap3A_1067, %swap3A_1068], %swap3A_1071 {strides = array<i32>} : memref<16x16xf32, #tpu.memory_space<vmem>>, vector<1x16xf32>,
      %eq3A_1072 = arith.constant 12 : i32
      %eq3A_1073 = vector.broadcast %eq3A_1072 : i32 to vector<16xi32>
      %eq3A_1074 = arith.cmpi eq, %get3A_404, %eq3A_1073 : vector<16xi32>
      %get3A_1075 = arith.constant 12 : i32
      %get3A_1076 = arith.index_cast %get3A_1075 : i32 to index
      %get3A_1077 = arith.constant 0 : index
      %get3A_1078 = tpu.vector_load %arg9[%get3A_1076, %get3A_1077] {strides = array<i32>} : memref<16x16xf32, #tpu.memory_space<vmem>>, vector<1x16xf32>,
      %get3A_1079 = vector.shape_cast %get3A_1078 : vector<1x16xf32> to vector<16xf32>
      %select_n3A_1080 = arith.select %eq3A_1074, %get3A_407, %broadcast_in_dim3A_5 : vector<16xi1>, vector<16xf32>
      %add3A_1081 = arith.addf %get3A_1079, %select_n3A_1080 : vector<16xf32>
      %swap3A_1082 = arith.constant 12 : i32
      %swap3A_1083 = arith.index_cast %swap3A_1082 : i32 to index
      %swap3A_1084 = arith.constant 0 : index
      %swap3A_1085 = tpu.vector_load %arg9[%swap3A_1083, %swap3A_1084] {strides = array<i32>} : memref<16x16xf32, #tpu.memory_space<vmem>>, vector<1x16xf32>,
      %swap3A_1086 = vector.shape_cast %swap3A_1085 : vector<1x16xf32> to vector<16xf32>
      %swap3A_1087 = vector.shape_cast %add3A_1081 : vector<16xf32> to vector<1x16xf32>
      tpu.vector_store %arg9[%swap3A_1083, %swap3A_1084], %swap3A_1087 {strides = array<i32>} : memref<16x16xf32, #tpu.memory_space<vmem>>, vector<1x16xf32>,
      %get3A_1088 = arith.constant 12 : i32
      %get3A_1089 = arith.index_cast %get3A_1088 : i32 to index
      %get3A_1090 = arith.constant 0 : index
      %get3A_1091 = tpu.vector_load %arg10[%get3A_1089, %get3A_1090] {strides = array<i32>} : memref<16x16xf32, #tpu.memory_space<vmem>>, vector<1x16xf32>,
      %get3A_1092 = vector.shape_cast %get3A_1091 : vector<1x16xf32> to vector<16xf32>
      %select_n3A_1093 = arith.select %eq3A_1074, %get3A_410, %broadcast_in_dim3A_5 : vector<16xi1>, vector<16xf32>
      %add3A_1094 = arith.addf %get3A_1092, %select_n3A_1093 : vector<16xf32>
      %swap3A_1095 = arith.constant 12 : i32
      %swap3A_1096 = arith.index_cast %swap3A_1095 : i32 to index
      %swap3A_1097 = arith.constant 0 : index
      %swap3A_1098 = tpu.vector_load %arg10[%swap3A_1096, %swap3A_1097] {strides = array<i32>} : memref<16x16xf32, #tpu.memory_space<vmem>>, vector<1x16xf32>,
      %swap3A_1099 = vector.shape_cast %swap3A_1098 : vector<1x16xf32> to vector<16xf32>
      %swap3A_1100 = vector.shape_cast %add3A_1094 : vector<16xf32> to vector<1x16xf32>
      tpu.vector_store %arg10[%swap3A_1096, %swap3A_1097], %swap3A_1100 {strides = array<i32>} : memref<16x16xf32, #tpu.memory_space<vmem>>, vector<1x16xf32>,
      %get3A_1101 = arith.constant 12 : i32
      %get3A_1102 = arith.index_cast %get3A_1101 : i32 to index
      %get3A_1103 = arith.constant 0 : index
      %get3A_1104 = tpu.vector_load %arg11[%get3A_1102, %get3A_1103] {strides = array<i32>} : memref<16x16xf32, #tpu.memory_space<vmem>>, vector<1x16xf32>,
      %get3A_1105 = vector.shape_cast %get3A_1104 : vector<1x16xf32> to vector<16xf32>
      %select_n3A_1106 = arith.select %eq3A_1074, %get3A_413, %broadcast_in_dim3A_5 : vector<16xi1>, vector<16xf32>
      %add3A_1107 = arith.addf %get3A_1105, %select_n3A_1106 : vector<16xf32>
      %swap3A_1108 = arith.constant 12 : i32
      %swap3A_1109 = arith.index_cast %swap3A_1108 : i32 to index
      %swap3A_1110 = arith.constant 0 : index
      %swap3A_1111 = tpu.vector_load %arg11[%swap3A_1109, %swap3A_1110] {strides = array<i32>} : memref<16x16xf32, #tpu.memory_space<vmem>>, vector<1x16xf32>,
      %swap3A_1112 = vector.shape_cast %swap3A_1111 : vector<1x16xf32> to vector<16xf32>
      %swap3A_1113 = vector.shape_cast %add3A_1107 : vector<16xf32> to vector<1x16xf32>
      tpu.vector_store %arg11[%swap3A_1109, %swap3A_1110], %swap3A_1113 {strides = array<i32>} : memref<16x16xf32, #tpu.memory_space<vmem>>, vector<1x16xf32>,
      %get3A_1114 = arith.constant 12 : i32
      %get3A_1115 = arith.index_cast %get3A_1114 : i32 to index
      %get3A_1116 = arith.constant 0 : index
      %get3A_1117 = tpu.vector_load %arg12[%get3A_1115, %get3A_1116] {strides = array<i32>} : memref<16x16xf32, #tpu.memory_space<vmem>>, vector<1x16xf32>,
      %get3A_1118 = vector.shape_cast %get3A_1117 : vector<1x16xf32> to vector<16xf32>
      %select_n3A_1119 = arith.select %eq3A_1074, %broadcast_in_dim3A_7, %broadcast_in_dim3A_5 : vector<16xi1>, vector<16xf32>
      %add3A_1120 = arith.addf %get3A_1118, %select_n3A_1119 : vector<16xf32>
      %swap3A_1121 = arith.constant 12 : i32
      %swap3A_1122 = arith.index_cast %swap3A_1121 : i32 to index
      %swap3A_1123 = arith.constant 0 : index
      %swap3A_1124 = tpu.vector_load %arg12[%swap3A_1122, %swap3A_1123] {strides = array<i32>} : memref<16x16xf32, #tpu.memory_space<vmem>>, vector<1x16xf32>,
      %swap3A_1125 = vector.shape_cast %swap3A_1124 : vector<1x16xf32> to vector<16xf32>
      %swap3A_1126 = vector.shape_cast %add3A_1120 : vector<16xf32> to vector<1x16xf32>
      tpu.vector_store %arg12[%swap3A_1122, %swap3A_1123], %swap3A_1126 {strides = array<i32>} : memref<16x16xf32, #tpu.memory_space<vmem>>, vector<1x16xf32>,
      %eq3A_1127 = arith.constant 13 : i32
      %eq3A_1128 = vector.broadcast %eq3A_1127 : i32 to vector<16xi32>
      %eq3A_1129 = arith.cmpi eq, %get3A_404, %eq3A_1128 : vector<16xi32>
      %get3A_1130 = arith.constant 13 : i32
      %get3A_1131 = arith.index_cast %get3A_1130 : i32 to index
      %get3A_1132 = arith.constant 0 : index
      %get3A_1133 = tpu.vector_load %arg9[%get3A_1131, %get3A_1132] {strides = array<i32>} : memref<16x16xf32, #tpu.memory_space<vmem>>, vector<1x16xf32>,
      %get3A_1134 = vector.shape_cast %get3A_1133 : vector<1x16xf32> to vector<16xf32>
      %select_n3A_1135 = arith.select %eq3A_1129, %get3A_407, %broadcast_in_dim3A_5 : vector<16xi1>, vector<16xf32>
      %add3A_1136 = arith.addf %get3A_1134, %select_n3A_1135 : vector<16xf32>
      %swap3A_1137 = arith.constant 13 : i32
      %swap3A_1138 = arith.index_cast %swap3A_1137 : i32 to index
      %swap3A_1139 = arith.constant 0 : index
      %swap3A_1140 = tpu.vector_load %arg9[%swap3A_1138, %swap3A_1139] {strides = array<i32>} : memref<16x16xf32, #tpu.memory_space<vmem>>, vector<1x16xf32>,
      %swap3A_1141 = vector.shape_cast %swap3A_1140 : vector<1x16xf32> to vector<16xf32>
      %swap3A_1142 = vector.shape_cast %add3A_1136 : vector<16xf32> to vector<1x16xf32>
      tpu.vector_store %arg9[%swap3A_1138, %swap3A_1139], %swap3A_1142 {strides = array<i32>} : memref<16x16xf32, #tpu.memory_space<vmem>>, vector<1x16xf32>,
      %get3A_1143 = arith.constant 13 : i32
      %get3A_1144 = arith.index_cast %get3A_1143 : i32 to index
      %get3A_1145 = arith.constant 0 : index
      %get3A_1146 = tpu.vector_load %arg10[%get3A_1144, %get3A_1145] {strides = array<i32>} : memref<16x16xf32, #tpu.memory_space<vmem>>, vector<1x16xf32>,
      %get3A_1147 = vector.shape_cast %get3A_1146 : vector<1x16xf32> to vector<16xf32>
      %select_n3A_1148 = arith.select %eq3A_1129, %get3A_410, %broadcast_in_dim3A_5 : vector<16xi1>, vector<16xf32>
      %add3A_1149 = arith.addf %get3A_1147, %select_n3A_1148 : vector<16xf32>
      %swap3A_1150 = arith.constant 13 : i32
      %swap3A_1151 = arith.index_cast %swap3A_1150 : i32 to index
      %swap3A_1152 = arith.constant 0 : index
      %swap3A_1153 = tpu.vector_load %arg10[%swap3A_1151, %swap3A_1152] {strides = array<i32>} : memref<16x16xf32, #tpu.memory_space<vmem>>, vector<1x16xf32>,
      %swap3A_1154 = vector.shape_cast %swap3A_1153 : vector<1x16xf32> to vector<16xf32>
      %swap3A_1155 = vector.shape_cast %add3A_1149 : vector<16xf32> to vector<1x16xf32>
      tpu.vector_store %arg10[%swap3A_1151, %swap3A_1152], %swap3A_1155 {strides = array<i32>} : memref<16x16xf32, #tpu.memory_space<vmem>>, vector<1x16xf32>,
      %get3A_1156 = arith.constant 13 : i32
      %get3A_1157 = arith.index_cast %get3A_1156 : i32 to index
      %get3A_1158 = arith.constant 0 : index
      %get3A_1159 = tpu.vector_load %arg11[%get3A_1157, %get3A_1158] {strides = array<i32>} : memref<16x16xf32, #tpu.memory_space<vmem>>, vector<1x16xf32>,
      %get3A_1160 = vector.shape_cast %get3A_1159 : vector<1x16xf32> to vector<16xf32>
      %select_n3A_1161 = arith.select %eq3A_1129, %get3A_413, %broadcast_in_dim3A_5 : vector<16xi1>, vector<16xf32>
      %add3A_1162 = arith.addf %get3A_1160, %select_n3A_1161 : vector<16xf32>
      %swap3A_1163 = arith.constant 13 : i32
      %swap3A_1164 = arith.index_cast %swap3A_1163 : i32 to index
      %swap3A_1165 = arith.constant 0 : index
      %swap3A_1166 = tpu.vector_load %arg11[%swap3A_1164, %swap3A_1165] {strides = array<i32>} : memref<16x16xf32, #tpu.memory_space<vmem>>, vector<1x16xf32>,
      %swap3A_1167 = vector.shape_cast %swap3A_1166 : vector<1x16xf32> to vector<16xf32>
      %swap3A_1168 = vector.shape_cast %add3A_1162 : vector<16xf32> to vector<1x16xf32>
      tpu.vector_store %arg11[%swap3A_1164, %swap3A_1165], %swap3A_1168 {strides = array<i32>} : memref<16x16xf32, #tpu.memory_space<vmem>>, vector<1x16xf32>,
      %get3A_1169 = arith.constant 13 : i32
      %get3A_1170 = arith.index_cast %get3A_1169 : i32 to index
      %get3A_1171 = arith.constant 0 : index
      %get3A_1172 = tpu.vector_load %arg12[%get3A_1170, %get3A_1171] {strides = array<i32>} : memref<16x16xf32, #tpu.memory_space<vmem>>, vector<1x16xf32>,
      %get3A_1173 = vector.shape_cast %get3A_1172 : vector<1x16xf32> to vector<16xf32>
      %select_n3A_1174 = arith.select %eq3A_1129, %broadcast_in_dim3A_7, %broadcast_in_dim3A_5 : vector<16xi1>, vector<16xf32>
      %add3A_1175 = arith.addf %get3A_1173, %select_n3A_1174 : vector<16xf32>
      %swap3A_1176 = arith.constant 13 : i32
      %swap3A_1177 = arith.index_cast %swap3A_1176 : i32 to index
      %swap3A_1178 = arith.constant 0 : index
      %swap3A_1179 = tpu.vector_load %arg12[%swap3A_1177, %swap3A_1178] {strides = array<i32>} : memref<16x16xf32, #tpu.memory_space<vmem>>, vector<1x16xf32>,
      %swap3A_1180 = vector.shape_cast %swap3A_1179 : vector<1x16xf32> to vector<16xf32>
      %swap3A_1181 = vector.shape_cast %add3A_1175 : vector<16xf32> to vector<1x16xf32>
      tpu.vector_store %arg12[%swap3A_1177, %swap3A_1178], %swap3A_1181 {strides = array<i32>} : memref<16x16xf32, #tpu.memory_space<vmem>>, vector<1x16xf32>,
      %eq3A_1182 = arith.constant 14 : i32
      %eq3A_1183 = vector.broadcast %eq3A_1182 : i32 to vector<16xi32>
      %eq3A_1184 = arith.cmpi eq, %get3A_404, %eq3A_1183 : vector<16xi32>
      %get3A_1185 = arith.constant 14 : i32
      %get3A_1186 = arith.index_cast %get3A_1185 : i32 to index
      %get3A_1187 = arith.constant 0 : index
      %get3A_1188 = tpu.vector_load %arg9[%get3A_1186, %get3A_1187] {strides = array<i32>} : memref<16x16xf32, #tpu.memory_space<vmem>>, vector<1x16xf32>,
      %get3A_1189 = vector.shape_cast %get3A_1188 : vector<1x16xf32> to vector<16xf32>
      %select_n3A_1190 = arith.select %eq3A_1184, %get3A_407, %broadcast_in_dim3A_5 : vector<16xi1>, vector<16xf32>
      %add3A_1191 = arith.addf %get3A_1189, %select_n3A_1190 : vector<16xf32>
      %swap3A_1192 = arith.constant 14 : i32
      %swap3A_1193 = arith.index_cast %swap3A_1192 : i32 to index
      %swap3A_1194 = arith.constant 0 : index
      %swap3A_1195 = tpu.vector_load %arg9[%swap3A_1193, %swap3A_1194] {strides = array<i32>} : memref<16x16xf32, #tpu.memory_space<vmem>>, vector<1x16xf32>,
      %swap3A_1196 = vector.shape_cast %swap3A_1195 : vector<1x16xf32> to vector<16xf32>
      %swap3A_1197 = vector.shape_cast %add3A_1191 : vector<16xf32> to vector<1x16xf32>
      tpu.vector_store %arg9[%swap3A_1193, %swap3A_1194], %swap3A_1197 {strides = array<i32>} : memref<16x16xf32, #tpu.memory_space<vmem>>, vector<1x16xf32>,
      %get3A_1198 = arith.constant 14 : i32
      %get3A_1199 = arith.index_cast %get3A_1198 : i32 to index
      %get3A_1200 = arith.constant 0 : index
      %get3A_1201 = tpu.vector_load %arg10[%get3A_1199, %get3A_1200] {strides = array<i32>} : memref<16x16xf32, #tpu.memory_space<vmem>>, vector<1x16xf32>,
      %get3A_1202 = vector.shape_cast %get3A_1201 : vector<1x16xf32> to vector<16xf32>
      %select_n3A_1203 = arith.select %eq3A_1184, %get3A_410, %broadcast_in_dim3A_5 : vector<16xi1>, vector<16xf32>
      %add3A_1204 = arith.addf %get3A_1202, %select_n3A_1203 : vector<16xf32>
      %swap3A_1205 = arith.constant 14 : i32
      %swap3A_1206 = arith.index_cast %swap3A_1205 : i32 to index
      %swap3A_1207 = arith.constant 0 : index
      %swap3A_1208 = tpu.vector_load %arg10[%swap3A_1206, %swap3A_1207] {strides = array<i32>} : memref<16x16xf32, #tpu.memory_space<vmem>>, vector<1x16xf32>,
      %swap3A_1209 = vector.shape_cast %swap3A_1208 : vector<1x16xf32> to vector<16xf32>
      %swap3A_1210 = vector.shape_cast %add3A_1204 : vector<16xf32> to vector<1x16xf32>
      tpu.vector_store %arg10[%swap3A_1206, %swap3A_1207], %swap3A_1210 {strides = array<i32>} : memref<16x16xf32, #tpu.memory_space<vmem>>, vector<1x16xf32>,
      %get3A_1211 = arith.constant 14 : i32
      %get3A_1212 = arith.index_cast %get3A_1211 : i32 to index
      %get3A_1213 = arith.constant 0 : index
      %get3A_1214 = tpu.vector_load %arg11[%get3A_1212, %get3A_1213] {strides = array<i32>} : memref<16x16xf32, #tpu.memory_space<vmem>>, vector<1x16xf32>,
      %get3A_1215 = vector.shape_cast %get3A_1214 : vector<1x16xf32> to vector<16xf32>
      %select_n3A_1216 = arith.select %eq3A_1184, %get3A_413, %broadcast_in_dim3A_5 : vector<16xi1>, vector<16xf32>
      %add3A_1217 = arith.addf %get3A_1215, %select_n3A_1216 : vector<16xf32>
      %swap3A_1218 = arith.constant 14 : i32
      %swap3A_1219 = arith.index_cast %swap3A_1218 : i32 to index
      %swap3A_1220 = arith.constant 0 : index
      %swap3A_1221 = tpu.vector_load %arg11[%swap3A_1219, %swap3A_1220] {strides = array<i32>} : memref<16x16xf32, #tpu.memory_space<vmem>>, vector<1x16xf32>,
      %swap3A_1222 = vector.shape_cast %swap3A_1221 : vector<1x16xf32> to vector<16xf32>
      %swap3A_1223 = vector.shape_cast %add3A_1217 : vector<16xf32> to vector<1x16xf32>
      tpu.vector_store %arg11[%swap3A_1219, %swap3A_1220], %swap3A_1223 {strides = array<i32>} : memref<16x16xf32, #tpu.memory_space<vmem>>, vector<1x16xf32>,
      %get3A_1224 = arith.constant 14 : i32
      %get3A_1225 = arith.index_cast %get3A_1224 : i32 to index
      %get3A_1226 = arith.constant 0 : index
      %get3A_1227 = tpu.vector_load %arg12[%get3A_1225, %get3A_1226] {strides = array<i32>} : memref<16x16xf32, #tpu.memory_space<vmem>>, vector<1x16xf32>,
      %get3A_1228 = vector.shape_cast %get3A_1227 : vector<1x16xf32> to vector<16xf32>
      %select_n3A_1229 = arith.select %eq3A_1184, %broadcast_in_dim3A_7, %broadcast_in_dim3A_5 : vector<16xi1>, vector<16xf32>
      %add3A_1230 = arith.addf %get3A_1228, %select_n3A_1229 : vector<16xf32>
      %swap3A_1231 = arith.constant 14 : i32
      %swap3A_1232 = arith.index_cast %swap3A_1231 : i32 to index
      %swap3A_1233 = arith.constant 0 : index
      %swap3A_1234 = tpu.vector_load %arg12[%swap3A_1232, %swap3A_1233] {strides = array<i32>} : memref<16x16xf32, #tpu.memory_space<vmem>>, vector<1x16xf32>,
      %swap3A_1235 = vector.shape_cast %swap3A_1234 : vector<1x16xf32> to vector<16xf32>
      %swap3A_1236 = vector.shape_cast %add3A_1230 : vector<16xf32> to vector<1x16xf32>
      tpu.vector_store %arg12[%swap3A_1232, %swap3A_1233], %swap3A_1236 {strides = array<i32>} : memref<16x16xf32, #tpu.memory_space<vmem>>, vector<1x16xf32>,
      %eq3A_1237 = arith.constant 15 : i32
      %eq3A_1238 = vector.broadcast %eq3A_1237 : i32 to vector<16xi32>
      %eq3A_1239 = arith.cmpi eq, %get3A_404, %eq3A_1238 : vector<16xi32>
      %get3A_1240 = arith.constant 15 : i32
      %get3A_1241 = arith.index_cast %get3A_1240 : i32 to index
      %get3A_1242 = arith.constant 0 : index
      %get3A_1243 = tpu.vector_load %arg9[%get3A_1241, %get3A_1242] {strides = array<i32>} : memref<16x16xf32, #tpu.memory_space<vmem>>, vector<1x16xf32>,
      %get3A_1244 = vector.shape_cast %get3A_1243 : vector<1x16xf32> to vector<16xf32>
      %select_n3A_1245 = arith.select %eq3A_1239, %get3A_407, %broadcast_in_dim3A_5 : vector<16xi1>, vector<16xf32>
      %add3A_1246 = arith.addf %get3A_1244, %select_n3A_1245 : vector<16xf32>
      %swap3A_1247 = arith.constant 15 : i32
      %swap3A_1248 = arith.index_cast %swap3A_1247 : i32 to index
      %swap3A_1249 = arith.constant 0 : index
      %swap3A_1250 = tpu.vector_load %arg9[%swap3A_1248, %swap3A_1249] {strides = array<i32>} : memref<16x16xf32, #tpu.memory_space<vmem>>, vector<1x16xf32>,
      %swap3A_1251 = vector.shape_cast %swap3A_1250 : vector<1x16xf32> to vector<16xf32>
      %swap3A_1252 = vector.shape_cast %add3A_1246 : vector<16xf32> to vector<1x16xf32>
      tpu.vector_store %arg9[%swap3A_1248, %swap3A_1249], %swap3A_1252 {strides = array<i32>} : memref<16x16xf32, #tpu.memory_space<vmem>>, vector<1x16xf32>,
      %get3A_1253 = arith.constant 15 : i32
      %get3A_1254 = arith.index_cast %get3A_1253 : i32 to index
      %get3A_1255 = arith.constant 0 : index
      %get3A_1256 = tpu.vector_load %arg10[%get3A_1254, %get3A_1255] {strides = array<i32>} : memref<16x16xf32, #tpu.memory_space<vmem>>, vector<1x16xf32>,
      %get3A_1257 = vector.shape_cast %get3A_1256 : vector<1x16xf32> to vector<16xf32>
      %select_n3A_1258 = arith.select %eq3A_1239, %get3A_410, %broadcast_in_dim3A_5 : vector<16xi1>, vector<16xf32>
      %add3A_1259 = arith.addf %get3A_1257, %select_n3A_1258 : vector<16xf32>
      %swap3A_1260 = arith.constant 15 : i32
      %swap3A_1261 = arith.index_cast %swap3A_1260 : i32 to index
      %swap3A_1262 = arith.constant 0 : index
      %swap3A_1263 = tpu.vector_load %arg10[%swap3A_1261, %swap3A_1262] {strides = array<i32>} : memref<16x16xf32, #tpu.memory_space<vmem>>, vector<1x16xf32>,
      %swap3A_1264 = vector.shape_cast %swap3A_1263 : vector<1x16xf32> to vector<16xf32>
      %swap3A_1265 = vector.shape_cast %add3A_1259 : vector<16xf32> to vector<1x16xf32>
      tpu.vector_store %arg10[%swap3A_1261, %swap3A_1262], %swap3A_1265 {strides = array<i32>} : memref<16x16xf32, #tpu.memory_space<vmem>>, vector<1x16xf32>,
      %get3A_1266 = arith.constant 15 : i32
      %get3A_1267 = arith.index_cast %get3A_1266 : i32 to index
      %get3A_1268 = arith.constant 0 : index
      %get3A_1269 = tpu.vector_load %arg11[%get3A_1267, %get3A_1268] {strides = array<i32>} : memref<16x16xf32, #tpu.memory_space<vmem>>, vector<1x16xf32>,
      %get3A_1270 = vector.shape_cast %get3A_1269 : vector<1x16xf32> to vector<16xf32>
      %select_n3A_1271 = arith.select %eq3A_1239, %get3A_413, %broadcast_in_dim3A_5 : vector<16xi1>, vector<16xf32>
      %add3A_1272 = arith.addf %get3A_1270, %select_n3A_1271 : vector<16xf32>
      %swap3A_1273 = arith.constant 15 : i32
      %swap3A_1274 = arith.index_cast %swap3A_1273 : i32 to index
      %swap3A_1275 = arith.constant 0 : index
      %swap3A_1276 = tpu.vector_load %arg11[%swap3A_1274, %swap3A_1275] {strides = array<i32>} : memref<16x16xf32, #tpu.memory_space<vmem>>, vector<1x16xf32>,
      %swap3A_1277 = vector.shape_cast %swap3A_1276 : vector<1x16xf32> to vector<16xf32>
      %swap3A_1278 = vector.shape_cast %add3A_1272 : vector<16xf32> to vector<1x16xf32>
      tpu.vector_store %arg11[%swap3A_1274, %swap3A_1275], %swap3A_1278 {strides = array<i32>} : memref<16x16xf32, #tpu.memory_space<vmem>>, vector<1x16xf32>,
      %get3A_1279 = arith.constant 15 : i32
      %get3A_1280 = arith.index_cast %get3A_1279 : i32 to index
      %get3A_1281 = arith.constant 0 : index
      %get3A_1282 = tpu.vector_load %arg12[%get3A_1280, %get3A_1281] {strides = array<i32>} : memref<16x16xf32, #tpu.memory_space<vmem>>, vector<1x16xf32>,
      %get3A_1283 = vector.shape_cast %get3A_1282 : vector<1x16xf32> to vector<16xf32>
      %select_n3A_1284 = arith.select %eq3A_1239, %broadcast_in_dim3A_7, %broadcast_in_dim3A_5 : vector<16xi1>, vector<16xf32>
      %add3A_1285 = arith.addf %get3A_1283, %select_n3A_1284 : vector<16xf32>
      %swap3A_1286 = arith.constant 15 : i32
      %swap3A_1287 = arith.index_cast %swap3A_1286 : i32 to index
      %swap3A_1288 = arith.constant 0 : index
      %swap3A_1289 = tpu.vector_load %arg12[%swap3A_1287, %swap3A_1288] {strides = array<i32>} : memref<16x16xf32, #tpu.memory_space<vmem>>, vector<1x16xf32>,
      %swap3A_1290 = vector.shape_cast %swap3A_1289 : vector<1x16xf32> to vector<16xf32>
      %swap3A_1291 = vector.shape_cast %add3A_1285 : vector<16xf32> to vector<1x16xf32>
      tpu.vector_store %arg12[%swap3A_1287, %swap3A_1288], %swap3A_1291 {strides = array<i32>} : memref<16x16xf32, #tpu.memory_space<vmem>>, vector<1x16xf32>,
    }
    %scan3A_395 = arith.constant 32 : i32
    %run_scoped3A_396 = arith.constant 0 : i32
    "tpu.region"() ({
      %run_scoped3A_400 = tpu.sem_alloc : memref<!tpu.dma_semaphore, #tpu.memory_space<semaphore_mem>>
      %dma_start3A = arith.constant 0 : i32
      %dma_start3A_401 = arith.constant 0 : i32
      %dma_start3A_402 = tpu.memref_slice %arg4[%add3A, %run_scoped3A_396, %dma_start3A, %dma_start3A_401] : memref<32x4x16x16xf32, #tpu.memory_space<hbm>> -> memref<1x1x16x16xf32, #tpu.memory_space<hbm>>
      %dma_start3A_403 = tpu.memref_squeeze %dma_start3A_402 : memref<1x1x16x16xf32, #tpu.memory_space<hbm>> -> memref<16x16xf32, #tpu.memory_space<hbm>>
      %dma_start3A_404 = arith.constant 0 : i32
      %dma_start3A_405 = arith.constant 0 : i32
      %dma_start3A_406 = tpu.memref_slice %arg4[%add3A, %run_scoped3A_396, %dma_start3A_404, %dma_start3A_405] : memref<32x4x16x16xf32, #tpu.memory_space<hbm>> -> memref<1x1x16x16xf32, #tpu.memory_space<hbm>>
      %dma_start3A_407 = tpu.memref_squeeze %dma_start3A_406 : memref<1x1x16x16xf32, #tpu.memory_space<hbm>> -> memref<16x16xf32, #tpu.memory_space<hbm>>
      tpu.enqueue_dma source(%arg9 : memref<16x16xf32, #tpu.memory_space<vmem>>) target(%dma_start3A_407 : memref<16x16xf32, #tpu.memory_space<hbm>>) target_semaphore(%run_scoped3A_400 : memref<!tpu.dma_semaphore, #tpu.memory_space<semaphore_mem>>)
      %dma_wait3A = arith.constant 0 : i32
      %dma_wait3A_408 = arith.constant 0 : i32
      %dma_wait3A_409 = tpu.memref_slice %arg4[%add3A, %run_scoped3A_396, %dma_wait3A, %dma_wait3A_408] : memref<32x4x16x16xf32, #tpu.memory_space<hbm>> -> memref<1x1x16x16xf32, #tpu.memory_space<hbm>>
      %dma_wait3A_410 = tpu.memref_squeeze %dma_wait3A_409 : memref<1x1x16x16xf32, #tpu.memory_space<hbm>> -> memref<16x16xf32, #tpu.memory_space<hbm>>
      %dma_wait3A_411 = arith.constant 0 : i32
      %dma_wait3A_412 = arith.constant 0 : i32
      %dma_wait3A_413 = tpu.memref_slice %arg4[%add3A, %run_scoped3A_396, %dma_wait3A_411, %dma_wait3A_412] : memref<32x4x16x16xf32, #tpu.memory_space<hbm>> -> memref<1x1x16x16xf32, #tpu.memory_space<hbm>>
      %dma_wait3A_414 = tpu.memref_squeeze %dma_wait3A_413 : memref<1x1x16x16xf32, #tpu.memory_space<hbm>> -> memref<16x16xf32, #tpu.memory_space<hbm>>
      tpu.wait_dma2 semaphore(%run_scoped3A_400 : memref<!tpu.dma_semaphore, #tpu.memory_space<semaphore_mem>>) src(%arg9 : memref<16x16xf32, #tpu.memory_space<vmem>>) dst(%dma_wait3A_414 : memref<16x16xf32, #tpu.memory_space<hbm>>)
      tpu.yield
    }) : () -> ()
    %run_scoped3A_397 = arith.constant 1 : i32
    "tpu.region"() ({
      %run_scoped3A_400 = tpu.sem_alloc : memref<!tpu.dma_semaphore, #tpu.memory_space<semaphore_mem>>
      %dma_start3A = arith.constant 0 : i32
      %dma_start3A_401 = arith.constant 0 : i32
      %dma_start3A_402 = tpu.memref_slice %arg4[%add3A, %run_scoped3A_397, %dma_start3A, %dma_start3A_401] : memref<32x4x16x16xf32, #tpu.memory_space<hbm>> -> memref<1x1x16x16xf32, #tpu.memory_space<hbm>>
      %dma_start3A_403 = tpu.memref_squeeze %dma_start3A_402 : memref<1x1x16x16xf32, #tpu.memory_space<hbm>> -> memref<16x16xf32, #tpu.memory_space<hbm>>
      %dma_start3A_404 = arith.constant 0 : i32
      %dma_start3A_405 = arith.constant 0 : i32
      %dma_start3A_406 = tpu.memref_slice %arg4[%add3A, %run_scoped3A_397, %dma_start3A_404, %dma_start3A_405] : memref<32x4x16x16xf32, #tpu.memory_space<hbm>> -> memref<1x1x16x16xf32, #tpu.memory_space<hbm>>
      %dma_start3A_407 = tpu.memref_squeeze %dma_start3A_406 : memref<1x1x16x16xf32, #tpu.memory_space<hbm>> -> memref<16x16xf32, #tpu.memory_space<hbm>>
      tpu.enqueue_dma source(%arg10 : memref<16x16xf32, #tpu.memory_space<vmem>>) target(%dma_start3A_407 : memref<16x16xf32, #tpu.memory_space<hbm>>) target_semaphore(%run_scoped3A_400 : memref<!tpu.dma_semaphore, #tpu.memory_space<semaphore_mem>>)
      %dma_wait3A = arith.constant 0 : i32
      %dma_wait3A_408 = arith.constant 0 : i32
      %dma_wait3A_409 = tpu.memref_slice %arg4[%add3A, %run_scoped3A_397, %dma_wait3A, %dma_wait3A_408] : memref<32x4x16x16xf32, #tpu.memory_space<hbm>> -> memref<1x1x16x16xf32, #tpu.memory_space<hbm>>
      %dma_wait3A_410 = tpu.memref_squeeze %dma_wait3A_409 : memref<1x1x16x16xf32, #tpu.memory_space<hbm>> -> memref<16x16xf32, #tpu.memory_space<hbm>>
      %dma_wait3A_411 = arith.constant 0 : i32
      %dma_wait3A_412 = arith.constant 0 : i32
      %dma_wait3A_413 = tpu.memref_slice %arg4[%add3A, %run_scoped3A_397, %dma_wait3A_411, %dma_wait3A_412] : memref<32x4x16x16xf32, #tpu.memory_space<hbm>> -> memref<1x1x16x16xf32, #tpu.memory_space<hbm>>
      %dma_wait3A_414 = tpu.memref_squeeze %dma_wait3A_413 : memref<1x1x16x16xf32, #tpu.memory_space<hbm>> -> memref<16x16xf32, #tpu.memory_space<hbm>>
      tpu.wait_dma2 semaphore(%run_scoped3A_400 : memref<!tpu.dma_semaphore, #tpu.memory_space<semaphore_mem>>) src(%arg10 : memref<16x16xf32, #tpu.memory_space<vmem>>) dst(%dma_wait3A_414 : memref<16x16xf32, #tpu.memory_space<hbm>>)
      tpu.yield
    }) : () -> ()
    %run_scoped3A_398 = arith.constant 2 : i32
    "tpu.region"() ({
      %run_scoped3A_400 = tpu.sem_alloc : memref<!tpu.dma_semaphore, #tpu.memory_space<semaphore_mem>>
      %dma_start3A = arith.constant 0 : i32
      %dma_start3A_401 = arith.constant 0 : i32
      %dma_start3A_402 = tpu.memref_slice %arg4[%add3A, %run_scoped3A_398, %dma_start3A, %dma_start3A_401] : memref<32x4x16x16xf32, #tpu.memory_space<hbm>> -> memref<1x1x16x16xf32, #tpu.memory_space<hbm>>
      %dma_start3A_403 = tpu.memref_squeeze %dma_start3A_402 : memref<1x1x16x16xf32, #tpu.memory_space<hbm>> -> memref<16x16xf32, #tpu.memory_space<hbm>>
      %dma_start3A_404 = arith.constant 0 : i32
      %dma_start3A_405 = arith.constant 0 : i32
      %dma_start3A_406 = tpu.memref_slice %arg4[%add3A, %run_scoped3A_398, %dma_start3A_404, %dma_start3A_405] : memref<32x4x16x16xf32, #tpu.memory_space<hbm>> -> memref<1x1x16x16xf32, #tpu.memory_space<hbm>>
      %dma_start3A_407 = tpu.memref_squeeze %dma_start3A_406 : memref<1x1x16x16xf32, #tpu.memory_space<hbm>> -> memref<16x16xf32, #tpu.memory_space<hbm>>
      tpu.enqueue_dma source(%arg11 : memref<16x16xf32, #tpu.memory_space<vmem>>) target(%dma_start3A_407 : memref<16x16xf32, #tpu.memory_space<hbm>>) target_semaphore(%run_scoped3A_400 : memref<!tpu.dma_semaphore, #tpu.memory_space<semaphore_mem>>)
      %dma_wait3A = arith.constant 0 : i32
      %dma_wait3A_408 = arith.constant 0 : i32
      %dma_wait3A_409 = tpu.memref_slice %arg4[%add3A, %run_scoped3A_398, %dma_wait3A, %dma_wait3A_408] : memref<32x4x16x16xf32, #tpu.memory_space<hbm>> -> memref<1x1x16x16xf32, #tpu.memory_space<hbm>>
      %dma_wait3A_410 = tpu.memref_squeeze %dma_wait3A_409 : memref<1x1x16x16xf32, #tpu.memory_space<hbm>> -> memref<16x16xf32, #tpu.memory_space<hbm>>
      %dma_wait3A_411 = arith.constant 0 : i32
      %dma_wait3A_412 = arith.constant 0 : i32
      %dma_wait3A_413 = tpu.memref_slice %arg4[%add3A, %run_scoped3A_398, %dma_wait3A_411, %dma_wait3A_412] : memref<32x4x16x16xf32, #tpu.memory_space<hbm>> -> memref<1x1x16x16xf32, #tpu.memory_space<hbm>>
      %dma_wait3A_414 = tpu.memref_squeeze %dma_wait3A_413 : memref<1x1x16x16xf32, #tpu.memory_space<hbm>> -> memref<16x16xf32, #tpu.memory_space<hbm>>
      tpu.wait_dma2 semaphore(%run_scoped3A_400 : memref<!tpu.dma_semaphore, #tpu.memory_space<semaphore_mem>>) src(%arg11 : memref<16x16xf32, #tpu.memory_space<vmem>>) dst(%dma_wait3A_414 : memref<16x16xf32, #tpu.memory_space<hbm>>)
      tpu.yield
    }) : () -> ()
    %run_scoped3A_399 = arith.constant 3 : i32
    "tpu.region"() ({
      %run_scoped3A_400 = tpu.sem_alloc : memref<!tpu.dma_semaphore, #tpu.memory_space<semaphore_mem>>
      %dma_start3A = arith.constant 0 : i32
      %dma_start3A_401 = arith.constant 0 : i32
      %dma_start3A_402 = tpu.memref_slice %arg4[%add3A, %run_scoped3A_399, %dma_start3A, %dma_start3A_401] : memref<32x4x16x16xf32, #tpu.memory_space<hbm>> -> memref<1x1x16x16xf32, #tpu.memory_space<hbm>>
      %dma_start3A_403 = tpu.memref_squeeze %dma_start3A_402 : memref<1x1x16x16xf32, #tpu.memory_space<hbm>> -> memref<16x16xf32, #tpu.memory_space<hbm>>
      %dma_start3A_404 = arith.constant 0 : i32
      %dma_start3A_405 = arith.constant 0 : i32
      %dma_start3A_406 = tpu.memref_slice %arg4[%add3A, %run_scoped3A_399, %dma_start3A_404, %dma_start3A_405] : memref<32x4x16x16xf32, #tpu.memory_space<hbm>> -> memref<1x1x16x16xf32, #tpu.memory_space<hbm>>
      %dma_start3A_407 = tpu.memref_squeeze %dma_start3A_406 : memref<1x1x16x16xf32, #tpu.memory_space<hbm>> -> memref<16x16xf32, #tpu.memory_space<hbm>>
      tpu.enqueue_dma source(%arg12 : memref<16x16xf32, #tpu.memory_space<vmem>>) target(%dma_start3A_407 : memref<16x16xf32, #tpu.memory_space<hbm>>) target_semaphore(%run_scoped3A_400 : memref<!tpu.dma_semaphore, #tpu.memory_space<semaphore_mem>>)
      %dma_wait3A = arith.constant 0 : i32
      %dma_wait3A_408 = arith.constant 0 : i32
      %dma_wait3A_409 = tpu.memref_slice %arg4[%add3A, %run_scoped3A_399, %dma_wait3A, %dma_wait3A_408] : memref<32x4x16x16xf32, #tpu.memory_space<hbm>> -> memref<1x1x16x16xf32, #tpu.memory_space<hbm>>
      %dma_wait3A_410 = tpu.memref_squeeze %dma_wait3A_409 : memref<1x1x16x16xf32, #tpu.memory_space<hbm>> -> memref<16x16xf32, #tpu.memory_space<hbm>>
      %dma_wait3A_411 = arith.constant 0 : i32
      %dma_wait3A_412 = arith.constant 0 : i32
      %dma_wait3A_413 = tpu.memref_slice %arg4[%add3A, %run_scoped3A_399, %dma_wait3A_411, %dma_wait3A_412] : memref<32x4x16x16xf32, #tpu.memory_space<hbm>> -> memref<1x1x16x16xf32, #tpu.memory_space<hbm>>
      %dma_wait3A_414 = tpu.memref_squeeze %dma_wait3A_413 : memref<1x1x16x16xf32, #tpu.memory_space<hbm>> -> memref<16x16xf32, #tpu.memory_space<hbm>>
      tpu.wait_dma2 semaphore(%run_scoped3A_400 : memref<!tpu.dma_semaphore, #tpu.memory_space<semaphore_mem>>) src(%arg12 : memref<16x16xf32, #tpu.memory_space<vmem>>) dst(%dma_wait3A_414 : memref<16x16xf32, #tpu.memory_space<hbm>>)
      tpu.yield
    }) : () -> ()
    return
  }
}

module attributes {stable_mosaic.version = 14 : i64} {
  func.func @_fused_kernel(%arg0: i32, %arg1: memref<128x8xf32, #tpu.memory_space<vmem>>, %arg2: memref<2048x16xf32, #tpu.memory_space<vmem>>, %arg3: memref<4x16384xf32, #tpu.memory_space<vmem>>, %arg4: memref<1x16384xf32, #tpu.memory_space<vmem>>, %arg5: memref<8192x64xf32, #tpu.memory_space<vmem>>, %arg6: memref<128x3xf32, #tpu.memory_space<vmem>>, %arg7: memref<128x16xf32, #tpu.memory_space<vmem>>) attributes {dimension_semantics = [#tpu.dimension_semantics<arbitrary>], iteration_bounds = array<i64: 2>, scalar_prefetch = 0 : i64, scratch_operands = 0 : i64, tpu.core_type = #tpu.core_type<tc>, window_params = [{pipeline_mode = #tpu.pipeline_mode<synchronous>, transform_indices = @transform_0, window_bounds = array<i64: 128, 8>}, {pipeline_mode = #tpu.pipeline_mode<synchronous>, transform_indices = @transform_1, window_bounds = array<i64: 2048, 16>}, {pipeline_mode = #tpu.pipeline_mode<synchronous>, transform_indices = @transform_2, window_bounds = array<i64: 4, 16384>}, {pipeline_mode = #tpu.pipeline_mode<synchronous>, transform_indices = @transform_3, window_bounds = array<i64: 1, 16384>}, {transform_indices = @transform_4, window_bounds = array<i64: 8192, 64>}, {pipeline_mode = #tpu.pipeline_mode<synchronous>, transform_indices = @transform_5, window_bounds = array<i64: 128, 3>}, {pipeline_mode = #tpu.pipeline_mode<synchronous>, transform_indices = @transform_6, window_bounds = array<i64: 128, 16>}]} {
    %mul3A = arith.constant 8192 : i32
    %mul3A_0 = arith.muli %arg0, %mul3A : i32
    %get3A = arith.constant 0 : index
    %get3A_1 = arith.index_cast %mul3A_0 : i32 to index
    %get3A_2 = vector.load %arg3[%get3A, %get3A_1] : memref<4x16384xf32, #tpu.memory_space<vmem>>, vector<4x8192xf32>
    %mul3A_3 = arith.constant 8192 : i32
    %mul3A_4 = arith.muli %arg0, %mul3A_3 : i32
    %get3A_5 = arith.constant 0 : index
    %get3A_6 = arith.index_cast %mul3A_4 : i32 to index
    %get3A_7 = vector.load %arg4[%get3A_5, %get3A_6] : memref<1x16384xf32, #tpu.memory_space<vmem>>, vector<1x8192xf32>
    %iota3A = tpu.iota {dimensions = array<i32: 0>} : vector<16x8192xi32>
    %convert_element_type3A = arith.sitofp %iota3A : vector<16x8192xi32> to vector<16x8192xf32>
    %eq3A = vector.broadcast %get3A_7 : vector<1x8192xf32> to vector<16x8192xf32>
    %eq3A_8 = arith.cmpf oeq, %convert_element_type3A, %eq3A : vector<16x8192xf32>
    %convert_element_type3A_9 = arith.extui %eq3A_8 : vector<16x8192xi1> to vector<16x8192xi32>
    %convert_element_type3A_10 = arith.sitofp %convert_element_type3A_9 : vector<16x8192xi32> to vector<16x8192xf32>
    %get3A_11 = arith.constant 0 : index
    %get3A_12 = arith.constant 0 : index
    %get3A_13 = vector.load %arg2[%get3A_11, %get3A_12] : memref<2048x16xf32, #tpu.memory_space<vmem>>, vector<2048x16xf32>
    %broadcast_in_dim3A = arith.constant 1.000000e+00 : f32
    %broadcast_in_dim3A_14 = vector.broadcast %broadcast_in_dim3A : f32 to vector<16x16xf32>
    %dot_general3A = arith.constant dense<0.000000e+00> : vector<2048x16xf32>
    %dot_general3A_15 = tpu.matmul %get3A_13, %broadcast_in_dim3A_14, %dot_general3A {dimension_numbers = #tpu.dot_dimension_numbers<[1], [0], [0], [1], [0, 0, 1, 1], [], []>, precision = #tpu.contract_precision<fp32>, transpose_lhs_hint = false} : vector<2048x16xf32>, vector<16x16xf32>, vector<2048x16xf32> -> vector<2048x16xf32>
    %iota3A_16 = tpu.iota {dimensions = array<i32: 0>} : vector<2048x16xi32>
    %jit3A = arith.constant 16 : i32
    %eq3A_17 = arith.constant 0 : i32
    %eq3A_18 = arith.cmpi eq, %jit3A, %eq3A_17 : i32
    %jit3A_19 = arith.constant 1 : i32
    %select_n3A = arith.select %eq3A_18, %jit3A_19, %jit3A : i32
    %rem3A = vector.broadcast %select_n3A : i32 to vector<2048x16xi32>
    %rem3A_20 = arith.remsi %iota3A_16, %rem3A : vector<2048x16xi32>
    %ne3A = arith.constant 0 : i32
    %ne3A_21 = vector.broadcast %ne3A : i32 to vector<2048x16xi32>
    %ne3A_22 = arith.cmpi ne, %rem3A_20, %ne3A_21 : vector<2048x16xi32>
    %lt3A = arith.constant 0 : i32
    %lt3A_23 = vector.broadcast %lt3A : i32 to vector<2048x16xi32>
    %lt3A_24 = arith.cmpi slt, %rem3A_20, %lt3A_23 : vector<2048x16xi32>
    %lt3A_25 = arith.constant 0 : i32
    %lt3A_26 = arith.cmpi slt, %select_n3A, %lt3A_25 : i32
    %ne3A_27 = vector.broadcast %lt3A_26 : i1 to vector<2048x16xi1>
    %ne3A_28 = vector.broadcast %ne3A_27 : vector<2048x16xi1> to vector<2048x16xi1>
    %ne3A_29 = arith.xori %lt3A_24, %ne3A_28 : vector<2048x16xi1>
    %and3A = arith.andi %ne3A_29, %ne3A_22 : vector<2048x16xi1>
    %add3A = vector.broadcast %select_n3A : i32 to vector<2048x16xi32>
    %add3A_30 = arith.addi %rem3A_20, %add3A : vector<2048x16xi32>
    %select_n3A_31 = arith.select %and3A, %add3A_30, %rem3A_20 : vector<2048x16xi1>, vector<2048x16xi32>
    %iota3A_32 = tpu.iota {dimensions = array<i32: 1>} : vector<2048x16xi32>
    %eq3A_33 = arith.cmpi eq, %select_n3A_31, %iota3A_32 : vector<2048x16xi32>
    %convert_element_type3A_34 = arith.extui %eq3A_33 : vector<2048x16xi1> to vector<2048x16xi32>
    %convert_element_type3A_35 = arith.sitofp %convert_element_type3A_34 : vector<2048x16xi32> to vector<2048x16xf32>
    %iota3A_36 = tpu.iota {dimensions = array<i32: 1>} : vector<4x2048xi32>
    %jit3A_37 = arith.constant 16 : i32
    %div3A = vector.broadcast %jit3A_37 : i32 to vector<4x2048xi32>
    %div3A_38 = arith.divsi %iota3A_36, %div3A : vector<4x2048xi32>
    %sign3A = arith.constant 0 : i32
    %sign3A_39 = vector.broadcast %sign3A : i32 to vector<4x2048xi32>
    %sign3A_40 = arith.cmpi sgt, %iota3A_36, %sign3A_39 : vector<4x2048xi32>
    %sign3A_41 = arith.extui %sign3A_40 : vector<4x2048xi1> to vector<4x2048xi32>
    %sign3A_42 = arith.constant 0 : i32
    %sign3A_43 = vector.broadcast %sign3A_42 : i32 to vector<4x2048xi32>
    %sign3A_44 = arith.cmpi slt, %iota3A_36, %sign3A_43 : vector<4x2048xi32>
    %sign3A_45 = arith.extui %sign3A_44 : vector<4x2048xi1> to vector<4x2048xi32>
    %sign3A_46 = arith.subi %sign3A_41, %sign3A_45 : vector<4x2048xi32>
    %sign3A_47 = arith.constant 0 : i32
    %sign3A_48 = arith.cmpi sgt, %jit3A_37, %sign3A_47 : i32
    %sign3A_49 = arith.extui %sign3A_48 : i1 to i32
    %sign3A_50 = arith.constant 0 : i32
    %sign3A_51 = arith.cmpi slt, %jit3A_37, %sign3A_50 : i32
    %sign3A_52 = arith.extui %sign3A_51 : i1 to i32
    %sign3A_53 = arith.subi %sign3A_49, %sign3A_52 : i32
    %ne3A_54 = vector.broadcast %sign3A_53 : i32 to vector<4x2048xi32>
    %ne3A_55 = arith.cmpi ne, %sign3A_46, %ne3A_54 : vector<4x2048xi32>
    %rem3A_56 = vector.broadcast %jit3A_37 : i32 to vector<4x2048xi32>
    %rem3A_57 = arith.remsi %iota3A_36, %rem3A_56 : vector<4x2048xi32>
    %ne3A_58 = arith.constant 0 : i32
    %ne3A_59 = vector.broadcast %ne3A_58 : i32 to vector<4x2048xi32>
    %ne3A_60 = arith.cmpi ne, %rem3A_57, %ne3A_59 : vector<4x2048xi32>
    %and3A_61 = arith.andi %ne3A_55, %ne3A_60 : vector<4x2048xi1>
    %sub3A = arith.constant 1 : i32
    %sub3A_62 = vector.broadcast %sub3A : i32 to vector<4x2048xi32>
    %sub3A_63 = arith.subi %div3A_38, %sub3A_62 : vector<4x2048xi32>
    %select_n3A_64 = arith.select %and3A_61, %sub3A_63, %div3A_38 : vector<4x2048xi1>, vector<4x2048xi32>
    %jit3A_65 = arith.constant 4 : i32
    %eq3A_66 = arith.constant 0 : i32
    %eq3A_67 = arith.cmpi eq, %jit3A_65, %eq3A_66 : i32
    %jit3A_68 = arith.constant 1 : i32
    %select_n3A_69 = arith.select %eq3A_67, %jit3A_68, %jit3A_65 : i32
    %rem3A_70 = vector.broadcast %select_n3A_69 : i32 to vector<4x2048xi32>
    %rem3A_71 = arith.remsi %select_n3A_64, %rem3A_70 : vector<4x2048xi32>
    %ne3A_72 = arith.constant 0 : i32
    %ne3A_73 = vector.broadcast %ne3A_72 : i32 to vector<4x2048xi32>
    %ne3A_74 = arith.cmpi ne, %rem3A_71, %ne3A_73 : vector<4x2048xi32>
    %lt3A_75 = arith.constant 0 : i32
    %lt3A_76 = vector.broadcast %lt3A_75 : i32 to vector<4x2048xi32>
    %lt3A_77 = arith.cmpi slt, %rem3A_71, %lt3A_76 : vector<4x2048xi32>
    %lt3A_78 = arith.constant 0 : i32
    %lt3A_79 = arith.cmpi slt, %select_n3A_69, %lt3A_78 : i32
    %ne3A_80 = vector.broadcast %lt3A_79 : i1 to vector<4x2048xi1>
    %ne3A_81 = vector.broadcast %ne3A_80 : vector<4x2048xi1> to vector<4x2048xi1>
    %ne3A_82 = arith.xori %lt3A_77, %ne3A_81 : vector<4x2048xi1>
    %and3A_83 = arith.andi %ne3A_82, %ne3A_74 : vector<4x2048xi1>
    %add3A_84 = vector.broadcast %select_n3A_69 : i32 to vector<4x2048xi32>
    %add3A_85 = arith.addi %rem3A_71, %add3A_84 : vector<4x2048xi32>
    %select_n3A_86 = arith.select %and3A_83, %add3A_85, %rem3A_71 : vector<4x2048xi1>, vector<4x2048xi32>
    %iota3A_87 = tpu.iota {dimensions = array<i32: 0>} : vector<4x2048xi32>
    %eq3A_88 = arith.cmpi eq, %select_n3A_86, %iota3A_87 : vector<4x2048xi32>
    %convert_element_type3A_89 = arith.extui %eq3A_88 : vector<4x2048xi1> to vector<4x2048xi32>
    %convert_element_type3A_90 = arith.sitofp %convert_element_type3A_89 : vector<4x2048xi32> to vector<4x2048xf32>
    %mul3A_91 = arith.mulf %dot_general3A_15, %convert_element_type3A_35 : vector<2048x16xf32>
    %dot_general3A_92 = arith.constant dense<0.000000e+00> : vector<4x16xf32>
    %dot_general3A_93 = tpu.matmul %convert_element_type3A_90, %mul3A_91, %dot_general3A_92 {dimension_numbers = #tpu.dot_dimension_numbers<[1], [0], [0], [1], [0, 0, 1, 1], [], []>, precision = #tpu.contract_precision<fp32>, transpose_lhs_hint = false} : vector<4x2048xf32>, vector<2048x16xf32>, vector<4x16xf32> -> vector<4x16xf32>
    %slice3A = vector.extract_strided_slice %dot_general3A_93 {offsets = [3, 0], sizes = [1, 16], strides = [1, 1]} : vector<4x16xf32> to vector<1x16xf32>
    %max3A = arith.constant 1.000000e+00 : f32
    %max3A_94 = vector.broadcast %max3A : f32 to vector<1x16xf32>
    %max3A_95 = arith.maximumf %slice3A, %max3A_94 : vector<1x16xf32>
    %slice3A_96 = vector.extract_strided_slice %dot_general3A_93 {offsets = [0, 0], sizes = [3, 16], strides = [1, 1]} : vector<4x16xf32> to vector<3x16xf32>
    %div3A_97 = vector.broadcast %max3A_95 : vector<1x16xf32> to vector<3x16xf32>
    %div3A_98 = arith.divf %slice3A_96, %div3A_97 : vector<3x16xf32>
    %mul3A_99 = arith.mulf %div3A_98, %div3A_98 : vector<3x16xf32>
    %reduce_sum3A = arith.constant dense<0.000000e+00> : vector<16xf32>
    %reduce_sum3A_100 = vector.multi_reduction <add>, %mul3A_99, %reduce_sum3A [0] : vector<3x16xf32> to vector<16xf32>
    %broadcast_in_dim3A_101 = vector.shape_cast %reduce_sum3A_100 : vector<16xf32> to vector<1x16xf32>
    %reduce_sum3A_102 = arith.constant dense<0.000000e+00> : vector<16xf32>
    %reduce_sum3A_103 = vector.multi_reduction <add>, %div3A_98, %reduce_sum3A_102 [0] : vector<3x16xf32> to vector<16xf32>
    %broadcast_in_dim3A_104 = vector.shape_cast %reduce_sum3A_103 : vector<16xf32> to vector<1x16xf32>
    %concatenate3A = tpu.concatenate %div3A_98, %broadcast_in_dim3A_101, %broadcast_in_dim3A_104 in 0 : vector<3x16xf32>, vector<1x16xf32>, vector<1x16xf32> -> vector<5x16xf32>
    %dot_general3A_105 = arith.constant dense<0.000000e+00> : vector<5x8192xf32>
    %dot_general3A_106 = tpu.matmul %concatenate3A, %convert_element_type3A_10, %dot_general3A_105 {dimension_numbers = #tpu.dot_dimension_numbers<[1], [0], [0], [1], [0, 0, 1, 1], [], []>, precision = #tpu.contract_precision<fp32>, transpose_lhs_hint = false} : vector<5x16xf32>, vector<16x8192xf32>, vector<5x8192xf32> -> vector<5x8192xf32>
    %slice3A_107 = vector.extract_strided_slice %get3A_2 {offsets = [0, 0], sizes = [1, 8192], strides = [1, 1]} : vector<4x8192xf32> to vector<1x8192xf32>
    %slice3A_108 = vector.extract_strided_slice %get3A_2 {offsets = [1, 0], sizes = [1, 8192], strides = [1, 1]} : vector<4x8192xf32> to vector<1x8192xf32>
    %slice3A_109 = vector.extract_strided_slice %get3A_2 {offsets = [2, 0], sizes = [1, 8192], strides = [1, 1]} : vector<4x8192xf32> to vector<1x8192xf32>
    %mul3A_110 = arith.mulf %slice3A_107, %slice3A_107 : vector<1x8192xf32>
    %mul3A_111 = arith.mulf %slice3A_108, %slice3A_108 : vector<1x8192xf32>
    %add3A_112 = arith.addf %mul3A_110, %mul3A_111 : vector<1x8192xf32>
    %mul3A_113 = arith.mulf %slice3A_109, %slice3A_109 : vector<1x8192xf32>
    %add3A_114 = arith.addf %add3A_112, %mul3A_113 : vector<1x8192xf32>
    %slice3A_115 = vector.extract_strided_slice %dot_general3A_106 {offsets = [0, 0], sizes = [1, 8192], strides = [1, 1]} : vector<5x8192xf32> to vector<1x8192xf32>
    %mul3A_116 = arith.mulf %slice3A_107, %slice3A_115 : vector<1x8192xf32>
    %slice3A_117 = vector.extract_strided_slice %dot_general3A_106 {offsets = [1, 0], sizes = [1, 8192], strides = [1, 1]} : vector<5x8192xf32> to vector<1x8192xf32>
    %mul3A_118 = arith.mulf %slice3A_108, %slice3A_117 : vector<1x8192xf32>
    %add3A_119 = arith.addf %mul3A_116, %mul3A_118 : vector<1x8192xf32>
    %slice3A_120 = vector.extract_strided_slice %dot_general3A_106 {offsets = [2, 0], sizes = [1, 8192], strides = [1, 1]} : vector<5x8192xf32> to vector<1x8192xf32>
    %mul3A_121 = arith.mulf %slice3A_109, %slice3A_120 : vector<1x8192xf32>
    %add3A_122 = arith.addf %add3A_119, %mul3A_121 : vector<1x8192xf32>
    %mul3A_123 = arith.constant 2.000000e+00 : f32
    %mul3A_124 = vector.broadcast %mul3A_123 : f32 to vector<1x8192xf32>
    %mul3A_125 = arith.mulf %mul3A_124, %add3A_122 : vector<1x8192xf32>
    %sub3A_126 = arith.subf %add3A_114, %mul3A_125 : vector<1x8192xf32>
    %slice3A_127 = vector.extract_strided_slice %dot_general3A_106 {offsets = [3, 0], sizes = [1, 8192], strides = [1, 1]} : vector<5x8192xf32> to vector<1x8192xf32>
    %add3A_128 = arith.addf %sub3A_126, %slice3A_127 : vector<1x8192xf32>
    %max3A_129 = arith.constant 0.000000e+00 : f32
    %max3A_130 = vector.broadcast %max3A_129 : f32 to vector<1x8192xf32>
    %max3A_131 = arith.maximumf %add3A_128, %max3A_130 : vector<1x8192xf32>
    %add3A_132 = arith.addf %slice3A_107, %slice3A_108 : vector<1x8192xf32>
    %add3A_133 = arith.addf %add3A_132, %slice3A_109 : vector<1x8192xf32>
    %slice3A_134 = vector.extract_strided_slice %dot_general3A_106 {offsets = [4, 0], sizes = [1, 8192], strides = [1, 1]} : vector<5x8192xf32> to vector<1x8192xf32>
    %sub3A_135 = arith.subf %add3A_133, %slice3A_134 : vector<1x8192xf32>
    %mul3A_136 = arith.constant 14.7731972 : f32
    %mul3A_137 = vector.broadcast %mul3A_136 : f32 to vector<1x8192xf32>
    %mul3A_138 = arith.mulf %max3A_131, %mul3A_137 : vector<1x8192xf32>
    %sqrt3A = math.sqrt %mul3A_138 : vector<1x8192xf32>
    %get3A_139 = arith.constant 0 : index
    %get3A_140 = arith.constant 0 : index
    %get3A_141 = vector.load %arg1[%get3A_139, %get3A_140] : memref<128x8xf32, #tpu.memory_space<vmem>>, vector<64x1xf32>
    %sub3A_142 = vector.broadcast %sqrt3A : vector<1x8192xf32> to vector<64x8192xf32>
    %sub3A_143 = vector.broadcast %get3A_141 : vector<64x1xf32> to vector<64x8192xf32>
    %sub3A_144 = arith.subf %sub3A_142, %sub3A_143 : vector<64x8192xf32>
    %get3A_145 = arith.constant 0 : index
    %get3A_146 = arith.constant 0 : index
    %get3A_147 = vector.load %arg1[%get3A_145, %get3A_146] : memref<128x8xf32, #tpu.memory_space<vmem>>, vector<64x1xf32>
    %sub3A_148 = vector.broadcast %get3A_147 : vector<64x1xf32> to vector<64x8192xf32>
    %sub3A_149 = vector.broadcast %sqrt3A : vector<1x8192xf32> to vector<64x8192xf32>
    %sub3A_150 = arith.subf %sub3A_148, %sub3A_149 : vector<64x8192xf32>
    %mul3A_151 = arith.mulf %sub3A_144, %sub3A_150 : vector<64x8192xf32>
    %exp23A = math.exp2 %mul3A_151 : vector<64x8192xf32>
    %transpose3A = tpu.transpose %exp23A, [1, 0] : vector<64x8192xf32> -> vector<8192x64xf32>
    %swap3A = arith.constant 0 : index
    %swap3A_152 = arith.constant 0 : index
    %swap3A_153 = vector.load %arg5[%swap3A, %swap3A_152] : memref<8192x64xf32, #tpu.memory_space<vmem>>, vector<8192x64xf32>
    tpu.vector_store %arg5[%swap3A, %swap3A_152], %transpose3A {strides = array<i32>} : memref<8192x64xf32, #tpu.memory_space<vmem>>, vector<8192x64xf32>,
    %mul3A_154 = arith.constant 0.410366595 : f32
    %mul3A_155 = vector.broadcast %mul3A_154 : f32 to vector<1x8192xf32>
    %mul3A_156 = arith.mulf %max3A_131, %mul3A_155 : vector<1x8192xf32>
    %get3A_157 = arith.constant 0 : index
    %get3A_158 = arith.constant 1 : index
    %get3A_159 = vector.load %arg1[%get3A_157, %get3A_158] : memref<128x8xf32, #tpu.memory_space<vmem>>, vector<128x1xf32>
    %mul3A_160 = vector.broadcast %sub3A_135 : vector<1x8192xf32> to vector<128x8192xf32>
    %mul3A_161 = vector.broadcast %get3A_159 : vector<128x1xf32> to vector<128x8192xf32>
    %mul3A_162 = arith.mulf %mul3A_160, %mul3A_161 : vector<128x8192xf32>
    %sub3A_163 = vector.broadcast %mul3A_156 : vector<1x8192xf32> to vector<128x8192xf32>
    %sub3A_164 = arith.subf %sub3A_163, %mul3A_162 : vector<128x8192xf32>
    %get3A_165 = arith.constant 0 : index
    %get3A_166 = arith.constant 2 : index
    %get3A_167 = vector.load %arg1[%get3A_165, %get3A_166] : memref<128x8xf32, #tpu.memory_space<vmem>>, vector<128x1xf32>
    %add3A_168 = vector.broadcast %get3A_167 : vector<128x1xf32> to vector<128x8192xf32>
    %add3A_169 = arith.addf %sub3A_164, %add3A_168 : vector<128x8192xf32>
    %max3A_170 = arith.constant 0.000000e+00 : f32
    %max3A_171 = vector.broadcast %max3A_170 : f32 to vector<128x8192xf32>
    %max3A_172 = arith.maximumf %add3A_169, %max3A_171 : vector<128x8192xf32>
    %sqrt3A_173 = math.sqrt %max3A_172 : vector<128x8192xf32>
    %get3A_174 = arith.constant 0 : index
    %get3A_175 = arith.constant 3 : index
    %get3A_176 = vector.load %arg1[%get3A_174, %get3A_175] : memref<128x8xf32, #tpu.memory_space<vmem>>, vector<128x1xf32>
    %sub3A_177 = vector.broadcast %get3A_176 : vector<128x1xf32> to vector<128x8192xf32>
    %sub3A_178 = arith.subf %sqrt3A_173, %sub3A_177 : vector<128x8192xf32>
    %get3A_179 = arith.constant 0 : index
    %get3A_180 = arith.constant 3 : index
    %get3A_181 = vector.load %arg1[%get3A_179, %get3A_180] : memref<128x8xf32, #tpu.memory_space<vmem>>, vector<128x1xf32>
    %sub3A_182 = vector.broadcast %get3A_181 : vector<128x1xf32> to vector<128x8192xf32>
    %sub3A_183 = arith.subf %sub3A_182, %sqrt3A_173 : vector<128x8192xf32>
    %mul3A_184 = arith.mulf %sub3A_178, %sub3A_183 : vector<128x8192xf32>
    %exp23A_185 = math.exp2 %mul3A_184 : vector<128x8192xf32>
    %convert_element_type3A_186 = arith.truncf %exp23A_185 : vector<128x8192xf32> to vector<128x8192xbf16>
    %convert_element_type3A_187 = arith.truncf %convert_element_type3A_10 : vector<16x8192xf32> to vector<16x8192xbf16>
    %dot_general3A_188 = arith.constant dense<0.000000e+00> : vector<128x16xf32>
    %dot_general3A_189 = tpu.matmul %convert_element_type3A_186, %convert_element_type3A_187, %dot_general3A_188 {dimension_numbers = #tpu.dot_dimension_numbers<[1], [1], [0], [0], [0, 0, 1, 0], [], []>, transpose_lhs_hint = false} : vector<128x8192xbf16>, vector<16x8192xbf16>, vector<128x16xf32> -> vector<128x16xf32>
    %eq3A_190 = arith.constant 0 : i32
    %eq3A_191 = arith.cmpi eq, %arg0, %eq3A_190 : i32
    %convert_element_type3A_192 = arith.extui %eq3A_191 : i1 to i32
    %cond3A = arith.constant 0 : i32
    %cond3A_193 = arith.cmpi ne, %convert_element_type3A_192, %cond3A : i32
    scf.if %cond3A_193 {
      %broadcast_in_dim3A_206 = arith.constant 0.000000e+00 : f32
      %broadcast_in_dim3A_207 = vector.broadcast %broadcast_in_dim3A_206 : f32 to vector<128x16xf32>
      %swap3A_208 = arith.constant 0 : index
      %swap3A_209 = arith.constant 0 : index
      %swap3A_210 = vector.load %arg7[%swap3A_208, %swap3A_209] : memref<128x16xf32, #tpu.memory_space<vmem>>, vector<128x16xf32>
      tpu.vector_store %arg7[%swap3A_208, %swap3A_209], %broadcast_in_dim3A_207 {strides = array<i32>} : memref<128x16xf32, #tpu.memory_space<vmem>>, vector<128x16xf32>,
      %iota3A_211 = tpu.iota {dimensions = array<i32: 1>} : vector<16x128xi32>
      %iota3A_212 = tpu.iota {dimensions = array<i32: 0>} : vector<16x128xi32>
      %jit3A_213 = arith.constant 8 : i32
      %div3A_214 = vector.broadcast %jit3A_213 : i32 to vector<16x128xi32>
      %div3A_215 = arith.divsi %iota3A_211, %div3A_214 : vector<16x128xi32>
      %sign3A_216 = arith.constant 0 : i32
      %sign3A_217 = vector.broadcast %sign3A_216 : i32 to vector<16x128xi32>
      %sign3A_218 = arith.cmpi sgt, %iota3A_211, %sign3A_217 : vector<16x128xi32>
      %sign3A_219 = arith.extui %sign3A_218 : vector<16x128xi1> to vector<16x128xi32>
      %sign3A_220 = arith.constant 0 : i32
      %sign3A_221 = vector.broadcast %sign3A_220 : i32 to vector<16x128xi32>
      %sign3A_222 = arith.cmpi slt, %iota3A_211, %sign3A_221 : vector<16x128xi32>
      %sign3A_223 = arith.extui %sign3A_222 : vector<16x128xi1> to vector<16x128xi32>
      %sign3A_224 = arith.subi %sign3A_219, %sign3A_223 : vector<16x128xi32>
      %sign3A_225 = arith.constant 0 : i32
      %sign3A_226 = arith.cmpi sgt, %jit3A_213, %sign3A_225 : i32
      %sign3A_227 = arith.extui %sign3A_226 : i1 to i32
      %sign3A_228 = arith.constant 0 : i32
      %sign3A_229 = arith.cmpi slt, %jit3A_213, %sign3A_228 : i32
      %sign3A_230 = arith.extui %sign3A_229 : i1 to i32
      %sign3A_231 = arith.subi %sign3A_227, %sign3A_230 : i32
      %ne3A_232 = vector.broadcast %sign3A_231 : i32 to vector<16x128xi32>
      %ne3A_233 = arith.cmpi ne, %sign3A_224, %ne3A_232 : vector<16x128xi32>
      %rem3A_234 = vector.broadcast %jit3A_213 : i32 to vector<16x128xi32>
      %rem3A_235 = arith.remsi %iota3A_211, %rem3A_234 : vector<16x128xi32>
      %ne3A_236 = arith.constant 0 : i32
      %ne3A_237 = vector.broadcast %ne3A_236 : i32 to vector<16x128xi32>
      %ne3A_238 = arith.cmpi ne, %rem3A_235, %ne3A_237 : vector<16x128xi32>
      %and3A_239 = arith.andi %ne3A_233, %ne3A_238 : vector<16x128xi1>
      %sub3A_240 = arith.constant 1 : i32
      %sub3A_241 = vector.broadcast %sub3A_240 : i32 to vector<16x128xi32>
      %sub3A_242 = arith.subi %div3A_215, %sub3A_241 : vector<16x128xi32>
      %select_n3A_243 = arith.select %and3A_239, %sub3A_242, %div3A_215 : vector<16x128xi1>, vector<16x128xi32>
      %eq3A_244 = arith.cmpi eq, %select_n3A_243, %iota3A_212 : vector<16x128xi32>
      %convert_element_type3A_245 = arith.extui %eq3A_244 : vector<16x128xi1> to vector<16x128xi32>
      %convert_element_type3A_246 = arith.sitofp %convert_element_type3A_245 : vector<16x128xi32> to vector<16x128xf32>
      %dot_general3A_247 = arith.constant dense<0.000000e+00> : vector<3x128xf32>
      %dot_general3A_248 = tpu.matmul %div3A_98, %convert_element_type3A_246, %dot_general3A_247 {dimension_numbers = #tpu.dot_dimension_numbers<[1], [0], [0], [1], [0, 0, 1, 1], [], []>, precision = #tpu.contract_precision<fp32>, transpose_lhs_hint = false} : vector<3x16xf32>, vector<16x128xf32>, vector<3x128xf32> -> vector<3x128xf32>
      %get3A_249 = arith.constant 0 : index
      %get3A_250 = arith.constant 4 : index
      %get3A_251 = vector.load %arg1[%get3A_249, %get3A_250] : memref<128x8xf32, #tpu.memory_space<vmem>>, vector<128x1xf32>
      %transpose3A_252 = tpu.transpose %get3A_251, [1, 0] : vector<128x1xf32> -> vector<1x128xf32>
      %add3A_253 = vector.broadcast %transpose3A_252 : vector<1x128xf32> to vector<3x128xf32>
      %add3A_254 = arith.addf %dot_general3A_248, %add3A_253 : vector<3x128xf32>
      %transpose3A_255 = tpu.transpose %add3A_254, [1, 0] : vector<3x128xf32> -> vector<128x3xf32>
      %swap3A_256 = arith.constant 0 : index
      %swap3A_257 = arith.constant 0 : index
      %swap3A_258 = vector.load %arg6[%swap3A_256, %swap3A_257] : memref<128x3xf32, #tpu.memory_space<vmem>>, vector<128x3xf32>
      tpu.vector_store %arg6[%swap3A_256, %swap3A_257], %transpose3A_255 {strides = array<i32>} : memref<128x3xf32, #tpu.memory_space<vmem>>, vector<128x3xf32>,
    } else {
    }
    %get3A_194 = arith.constant 0 : index
    %get3A_195 = arith.constant 0 : index
    %get3A_196 = vector.load %arg7[%get3A_194, %get3A_195] : memref<128x16xf32, #tpu.memory_space<vmem>>, vector<128x16xf32>
    %add3A_197 = arith.addf %get3A_196, %dot_general3A_189 : vector<128x16xf32>
    %swap3A_198 = arith.constant 0 : index
    %swap3A_199 = arith.constant 0 : index
    %swap3A_200 = vector.load %arg7[%swap3A_198, %swap3A_199] : memref<128x16xf32, #tpu.memory_space<vmem>>, vector<128x16xf32>
    tpu.vector_store %arg7[%swap3A_198, %swap3A_199], %add3A_197 {strides = array<i32>} : memref<128x16xf32, #tpu.memory_space<vmem>>, vector<128x16xf32>,
    %eq3A_201 = arith.constant 1 : i32
    %eq3A_202 = arith.cmpi eq, %arg0, %eq3A_201 : i32
    %convert_element_type3A_203 = arith.extui %eq3A_202 : i1 to i32
    %cond3A_204 = arith.constant 0 : i32
    %cond3A_205 = arith.cmpi ne, %convert_element_type3A_203, %cond3A_204 : i32
    scf.if %cond3A_205 {
      %get3A_206 = arith.constant 0 : index
      %get3A_207 = arith.constant 0 : index
      %get3A_208 = vector.load %arg7[%get3A_206, %get3A_207] : memref<128x16xf32, #tpu.memory_space<vmem>>, vector<128x16xf32>
      %div3A_209 = vector.broadcast %max3A_95 : vector<1x16xf32> to vector<128x16xf32>
      %div3A_210 = arith.divf %get3A_208, %div3A_209 : vector<128x16xf32>
      %swap3A_211 = arith.constant 0 : index
      %swap3A_212 = arith.constant 0 : index
      %swap3A_213 = vector.load %arg7[%swap3A_211, %swap3A_212] : memref<128x16xf32, #tpu.memory_space<vmem>>, vector<128x16xf32>
      tpu.vector_store %arg7[%swap3A_211, %swap3A_212], %div3A_210 {strides = array<i32>} : memref<128x16xf32, #tpu.memory_space<vmem>>, vector<128x16xf32>,
    } else {
    }
    return
  }
  func.func @transform_0(%arg0: i32) -> (i32, i32) {
    %c0_i32 = arith.constant 0 : i32
    %c0_i32_0 = arith.constant 0 : i32
    %c0_i32_1 = arith.constant 0 : i32
    return %c0_i32, %c0_i32_0 : i32, i32
  }
  func.func @transform_1(%arg0: i32) -> (i32, i32) {
    %c0_i32 = arith.constant 0 : i32
    %c0_i32_0 = arith.constant 0 : i32
    %c0_i32_1 = arith.constant 0 : i32
    return %c0_i32, %c0_i32_0 : i32, i32
  }
  func.func @transform_2(%arg0: i32) -> (i32, i32) {
    %c0_i32 = arith.constant 0 : i32
    %c0_i32_0 = arith.constant 0 : i32
    %c0_i32_1 = arith.constant 0 : i32
    return %c0_i32, %c0_i32_0 : i32, i32
  }
  func.func @transform_3(%arg0: i32) -> (i32, i32) {
    %c0_i32 = arith.constant 0 : i32
    %c0_i32_0 = arith.constant 0 : i32
    %c0_i32_1 = arith.constant 0 : i32
    return %c0_i32, %c0_i32_0 : i32, i32
  }
  func.func @transform_4(%arg0: i32) -> (i32, i32) {
    %c0_i32 = arith.constant 0 : i32
    %c0_i32_0 = arith.constant 0 : i32
    return %arg0, %c0_i32 : i32, i32
  }
  func.func @transform_5(%arg0: i32) -> (i32, i32) {
    %c0_i32 = arith.constant 0 : i32
    %c0_i32_0 = arith.constant 0 : i32
    %c0_i32_1 = arith.constant 0 : i32
    return %c0_i32, %c0_i32_0 : i32, i32
  }
  func.func @transform_6(%arg0: i32) -> (i32, i32) {
    %c0_i32 = arith.constant 0 : i32
    %c0_i32_0 = arith.constant 0 : i32
    %c0_i32_1 = arith.constant 0 : i32
    return %c0_i32, %c0_i32_0 : i32, i32
  }
}

</mosaic_0001>

<sc_bundles>
// kernel: kernel.4.cloned.1.call-start
scs
__scs_entry_jumppad:
0x0: {  	(pc) =	sbr.rel $0x88, $3  }
0x1: {  	(tag) =	ssettag $0x0;
	lr =	simm.s32 $0x1  }
0x2: {  	[smem:$0x3F9F] =	sst lr;
	_ =	strace $0xD0000000  }
0x3: {  	_ = 	snop  }
0x4: {  	_ = 	snop  }
0x5: {  	_ = 	snop  }
0x6: {  	_ = 	snop  }
0x7: {  	_ = 	snop  }
__scs_overlays_trampoline_lowered:
0x8: {  	[smem:$0x3FAE] =	sst s0  }
0x9: {  	[smem:$0x3FAF] =	sst s1  }
0xa: {  	[smem:$0x3FB0] =	sst s2  }
0xb: {  	[smem:$0x3FB1] =	sst s3  }
0xc: {  	[smem:$0x3FB2] =	sst s4  }
0xd: {  	[smem:$0x3FB3] =	sst s5  }
0xe: {  	[smem:$0x3FB4] =	sst s6  }
0xf: {  	[smem:$0x3FB5] =	sst s7  }
0x10: {  	[smem:$0x3FB6] =	sst s8  }
0x11: {  	[smem:$0x3FB7] =	sst s9;
	s0 =	simm.s32 @!p0 $0x0  }
0x12: {  	s1 =	sld [smem:$0x3F9D];
	s0 =	simm.s32 @p0 $0x1  }
0x13: {  	[smem:$0x3FB8] =	sst s0;
	s0 =	simm.s32 @!p1 $0x0  }
0x14: {  	s2 =	sld [smem:$0x3F9C];
	s0 =	simm.s32 @p1 $0x1  }
0x15: {  	[smem:$0x3FB9] =	sst s0;
	s0 =	simm.s32 @!p2 $0x0  }
0x16: {  	s3 =	sld [smem:$0x3FDB];
	s0 =	simm.s32 @p2 $0x1  }
0x17: {  	s4 =	simm.s32 $0x1BF5;
	[smem:$0x3FBB] =	sst s0  }
0x18: {  	s0 =	sld [smem:$0x3F9E];
	_ =	swait.ge [sflag:s4], $0x0  }
0x19: {  	s7 =	sld [smem:$0x3F9F]  }
0x1a: {  	s8 =	sadd.s32 $0xFFFFE003, lr  }
0x1b: {  	s9 =	sadd.s32 $0xFFFFFEF7, lr;
	s5 =	simm.s32 $0xFFFFFFFF;
	p2 =	slt.u32 s8, $0xFFFFF086  }
0x1c: {  	p1 =	slt.u32 s9, $0xF7A;
	s5 =	simm.s32 @!p2 $0x0  }
0x1d: {  	s5 =	simm.s32 @p1 $0x1;
	p0 =	seq.s32 s7, s2  }
0x1e: {  	s7 =	smul.u32 @!p0 $0xF7A, s2;
	p2 =	seq.s32 @!p0 s5, $0x0  }
0x1f: {  	s9 =	smul.u32 $0xF7A, s1;
	s8 =	simm.s32 @!p0 $0x1BF5;
	p2 =	por !p2, p0  }
0x20: {  	[sflag:s8] =	ssyncset.s32 @!p0 $0xFFFFF086;
	s6 =	sadd.s32 @!p0 s3, s7;
	s7 =	simm.s32 @!p0 $0x108  }
0x21: {  	s3 =	sadd.s32 s3, s9;
	s6 =	sadd.s32 @!p0 $0x88, s6;
	s7 =	simm.s32 @p2 $0x1082  }
0x22: {  	[simem:s7], [sflag:s8] =	dma.local @!p0 [hbm:s6], $0xF7A  }
0x23: {  	s9 =	sor.u32 $0xD0000000, s2;
	s6 =	simm.s32 $0x108;
	_ =	swait.ge @!p0 [sflag:s8], $0x0  }
0x24: {  	s3 =	sadd.s32 $0x88, s3;
	s6 =	simm.s32 @!p1 $0x1082;
	[sflag:s4] =	ssyncset.s32 $0xFFFFF086  }
0x25: {  	[simem:s6], [sflag:s4] =	dma.local [hbm:s3], $0xF7A  }
0x26: {  	[smem:$0x3F9F] =	sst s1;
	(tag) =	ssettag s2;
	_ =	strace s9  }
0x27: {  	s1 =	sld [smem:$0x3FAF]  }
0x28: {  	s2 =	sld [smem:$0x3FB0]  }
0x29: {  	s4 =	sld [smem:$0x3FB2]  }
0x2a: {  	p0 =	seq.s32 s5, $0x0;
	s5 =	sld [smem:$0x3FB3]  }
0x2b: {  	s6 =	sld [smem:$0x3FB4]  }
0x2c: {  	s7 =	sld [smem:$0x3FB5]  }
0x2d: {  	s3 =	simm.s32 $0x108;
	s8 =	sld [smem:$0x3FB6]  }
0x2e: {  	s3 =	simm.s32 @!p0 $0x1082;
	s9 =	sld [smem:$0x3FB7]  }
0x2f: {  	lr =	sadd.s32 s0, s3;
	s0 =	sld [smem:$0x3FAE]  }
0x30: {  	s3 =	sld [smem:$0x3FB1]  }
0x31: {  	[smem:$0x3FBA] =	sst s10  }
0x32: {  	s10 =	sld [smem:$0x3FB8];
	_ =	sdelay $0x3  }
0x33: {  	p0 =	seq.s32 s10, $0x1;
	s10 =	sld [smem:$0x3FBA];
	_ =	sdelay $0x3  }
0x34: {  	[smem:$0x3FBA] =	sst s10  }
0x35: {  	s10 =	sld [smem:$0x3FB9];
	_ =	sdelay $0x3  }
0x36: {  	p1 =	seq.s32 s10, $0x1;
	s10 =	sld [smem:$0x3FBA];
	_ =	sdelay $0x3  }
0x37: {  	[smem:$0x3FBA] =	sst s10  }
0x38: {  	s10 =	sld [smem:$0x3FBB]  }
0x39: {  	_ = 	snop;
	(pc) =	sbr.ind lr, $3  }
0x3a: {  	_ = 	snop  }
0x3b: {  	_ = 	snop  }
0x3c: {  	p2 =	seq.s32 s10, $0x1;
	s10 =	sld [smem:$0x3FBA]  }
0x3d: {  	_ =	shalt  }
0x3e: {  	_ =	shalt  }
0x3f: {  	_ =	shalt  }
0x40: {  	_ =	shalt  }
0x41: {  	_ =	shalt  }
0x42: {  	_ =	shalt  }
0x43: {  	_ =	shalt  }
0x44: {  	_ =	shalt  }
0x45: {  	_ =	shalt  }
0x46: {  	_ =	shalt  }
0x47: {  	_ =	shalt  }
0x48: {  	_ =	shalt  }
0x49: {  	_ =	shalt  }
0x4a: {  	_ =	shalt  }
0x4b: {  	_ =	shalt  }
0x4c: {  	_ =	shalt  }
0x4d: {  	_ =	shalt  }
0x4e: {  	_ =	shalt  }
0x4f: {  	_ =	shalt  }
0x50: {  	_ =	shalt  }
0x51: {  	_ =	shalt  }
0x52: {  	_ =	shalt  }
0x53: {  	_ =	shalt  }
0x54: {  	_ =	shalt  }
0x55: {  	_ =	shalt  }
0x56: {  	_ =	shalt  }
0x57: {  	_ =	shalt  }
0x58: {  	_ =	shalt  }
0x59: {  	_ =	shalt  }
0x5a: {  	_ =	shalt  }
0x5b: {  	_ =	shalt  }
0x5c: {  	_ =	shalt  }
0x5d: {  	_ =	shalt  }
0x5e: {  	_ =	shalt  }
0x5f: {  	_ =	shalt  }
0x60: {  	_ =	shalt  }
0x61: {  	_ =	shalt  }
0x62: {  	_ =	shalt  }
0x63: {  	_ =	shalt  }
0x64: {  	_ =	shalt  }
0x65: {  	_ =	shalt  }
0x66: {  	_ =	shalt  }
0x67: {  	_ =	shalt  }
0x68: {  	_ =	shalt  }
0x69: {  	_ =	shalt  }
0x6a: {  	_ =	shalt  }
0x6b: {  	_ =	shalt  }
0x6c: {  	_ =	shalt  }
0x6d: {  	_ =	shalt  }
0x6e: {  	_ =	shalt  }
0x6f: {  	_ =	shalt  }
0x70: {  	_ =	shalt  }
0x71: {  	_ =	shalt  }
0x72: {  	_ =	shalt  }
0x73: {  	_ =	shalt  }
0x74: {  	_ =	shalt  }
0x75: {  	_ =	shalt  }
0x76: {  	_ =	shalt  }
0x77: {  	_ =	shalt  }
0x78: {  	_ =	shalt  }
0x79: {  	_ =	shalt  }
0x7a: {  	_ =	shalt  }
0x7b: {  	_ =	shalt  }
0x7c: {  	_ =	shalt  }
0x7d: {  	_ =	shalt  }
0x7e: {  	_ =	shalt  }
0x7f: {  	_ =	shalt  }
0x80: {  	_ =	shalt  }
0x81: {  	_ =	shalt  }
0x82: {  	_ =	shalt  }
0x83: {  	_ =	shalt  }
0x84: {  	_ =	shalt  }
0x85: {  	_ =	shalt  }
0x86: {  	_ =	shalt  }
0x87: {  	_ =	shalt  }
.Lfunc_end0:
.L_simem_size_0:
called_computation_lowered:
.L_overlay_start_0:
0x88: {  	s2 =	sld [smem:$0x3FD9]  }
0x89: {  	s3 =	sld [smem:$0x3FFE];
	_ =	sdelay $0x1  }
0x8a: {  	s1 =	srdreg.scid  }
0x8b: {  	s0 =	sand.u32 $0x1, s1  }
0x8c: {  	s14 =	sshll.u32 s0, $0xA;
	s2 =	sadd.s32 s3, s2  }
0x8d: {  	s2 =	sadd.s32 s2, s14  }
0x8e: {  	[smem:$0x3FC6] =	sst s2  }
0x8f: {  	_ = 	snop  }
0x90: {  	s2 =	sld [smem:$0x3FD0];
	_ =	sdelay $0x2  }
0x91: {  	s4 =	simm.s32 $0xA;
	s5 =	simm.s32 $0x10;
	s15 =	sld [smem:$0x3FC8]  }
0x92: {  	[smem:s5], [sflag:s4] =	dma.local [hbm:s2], $0x1  }
0x93: {  	_ =	swait.eq [sflag:s4], $0x1  }
0x94: {  	[sflag:s4] =	ssyncset.done $0x0  }
0x95: {  	[sflag:s4] =	ssyncadd.s32 $0xFFFFFFFF  }
0x96: {  	s16 =	sld [smem:$0x12];
	(tm) =	ssettm $0x1  }
0x97: {  	s17 =	sld [smem:$0x3FFB];
	_ =	sdelay $0x3  }
0x98: {  	_ =	strace s17  }
0x99: {  	s4 =	sld [smem:$0x3FFC];
	_ =	sdelay $0x3  }
0x9a: {  	_ =	strace s4  }
0x9b: {  	s4 =	sld [smem:$0x3FFD];
	_ =	sdelay $0x3  }
0x9c: {  	_ =	strace s4  }
0x9d: {  	_ =	strace $0x8FFFFFFF  }
0x9e: {  	s18 =	sld [smem:$0x3FDB];
	_ =	sdelay $0x1  }
0x9f: {  	s19 =	simm.s32 $_scs_section_size  }
0xa0: {  	s6 =	simm.s32 $_size__tile_overlayer_lowered;
	s7 =	simm.s32 $_tile_overlayer_lowered  }
0xa1: {  	s22 =	simm.s32 $0x1BFF;
	s21 =	sshll.u32 s7, $0x1;
	s4 =	sadd.s32 s19, s18  }
0xa2: {  	s8 =	simm.s32 $0x0;
	s20 =	sshll.u32 s6, $0x1;
	s6 =	sadd.s32 s21, s4  }
0xa3: {  	[timem:s8], [sflag:s22] =	dma.local [hbm:s6], s20  }
0xa4: {  	_ =	swait.ge [sflag:s22], s20  }
0xa5: {  	s5 =	ssub.s32 $0x0, s20;
	[sflag:s22] =	ssyncset.done $0x0  }
0xa6: {  	[sflag:s22] =	ssyncadd.s32 s5;
	_ =	sdelay $0x1  }
0xa7: {  	s23 =	simm.s32 $0x1B8B  }
0xa8: {  	_ =	swait.ge [sflag:s23], $0x1  }
0xa9: {  	[sflag:s23] =	ssyncset.done $0x0  }
0xaa: {  	s25 =	simm.s32 $0x1B8E;
	s24 =	sld [smem:$0x3FFE];
	[sflag:s23] =	ssyncadd.s32 $0xFFFFFFFF  }
0xab: {  	s26 =	simm.s32 $execute0_lowered;
	[smem:$0x3FD2] =	sst s25  }
0xac: {  	s6 =	sshll.u32 s26, $0x1;
	_ =	strace $0x80000046;
	[dreg:$0x1] =	wrdreg $0xFFFFFFFF  }
0xad: {  	s28 =	simm.s32 $_size_execute0_lowered;
	s4 =	sadd.s32 s4, s6;
	[dreg:$0x0] =	wrdreg $0x0  }
0xae: {  	s6 =	sshll.u32 s28, $0x1;
	[dreg:$0x2] =	wrdreg s4  }
0xaf: {  	[dreg:$0x3] =	wrdreg s6  }
0xb0: {  	[dreg:$0x4] =	wrdreg $0xC0  }
0xb1: {  	_ =	task [dreg:s8], $0x5FFFF  }
0xb2: {  	[dreg:$0x1] =	wrdreg $0xFFFFFFFF  }
0xb3: {  	[dreg:$0x0] =	wrdreg $0x60  }
0xb4: {  	[dreg:$0x2] =	wrdreg s24  }
0xb5: {  	[dreg:$0x3] =	wrdreg s15  }
0xb6: {  	[dreg:$0x4] =	wrdreg s16  }
0xb7: {  	[dreg:$0x5] =	wrdreg $0x9  }
0xb8: {  	_ =	task.clear_ibuf [dreg:s8], $0x6FFFF;
	_ =	strace $0x90000046  }
0xb9: {  	s29 =	simm.s32 $0x9;
	_ =	strace $0x80000048  }
0xba: {  	_ =	swait.ge [sflag:s29], $0x1  }
0xbb: {  	[sflag:s29] =	ssyncadd.s32 $0xFFFFFFFF  }
0xbc: {  	_ =	strace $0x90000048  }
0xbd: {  	_ =	sfence  }
0xbe: {  	s30 =	sld [smem:$0x0];
	_ =	sdelay $0x2  }
0xbf: {  	s31 =	sshll.u32 s1, $0xD;
	s1 =	sshrl.u32 s1, $0x2  }
0xc0: {  	s3 =	sand.u32 $0x4000, s31;
	s1 =	sadd.s32 s1, s30  }
0xc1: {  	s0 =	sor.u32 s3, s0;
	s1 =	sshll.u32 s1, $0x11  }
0xc2: {  	s0 =	sor.u32 s1, s0  }
0xc3: {  	s0 =	sadd.s32 $0x8F2B, s0  }
0xc4: {  	[sflag:s0] =	ssyncadd.remote.s32 $0x1  }
0xc5: {  	_ =	sfence.sel $0xFFFF  }
0xc6: {  	[dreg:$0x0] =	wrdreg $0xFFFFFFFF;
	(pc) =	sbr.abs _section_cstart, $3  }
0xc7: {  	[dreg:$0x1] =	wrdreg $0xFFFFFFFF  }
0xc8: {  	_ =	task.clear_ibuf [dreg:s8], $0x2FFFF;
	_ =	strace $0x9FFFFFFF  }
0xc9: {  	(tm) =	ssettm $0x7FFFFFFF  }
tec
execute0_lowered:
.L_overlay_start_1:
0x0: {  	(tag) =	ssettag $0x1  }
0x1: {  	s3 =	rddreg [dreg:$0x0]  }
0x2: {  	s7 =	rddreg [dreg:$0x1]  }
0x3: {  	s6 =	rddreg [dreg:$0x2]  }
0x4: {  	s2 =	srdreg.scid;
	s1 =	stileid.u32  }
0x5: {  	s0 =	rddreg [dreg:$0x3];
	s12 =	simm.s32 $0x80;
	s13 =	simm.s32 $0x200  }
0x6: {  	s14 =	simm.s32 $0x1;
	s15 =	simm.s32 $0x400;
	s16 =	simm.s32 $0x600  }
0x7: {  	s17 =	simm.s32 $0x800;
	s18 =	simm.s32 $0x1000;
	s19 =	simm.s32 $0x1800  }
0x8: {  	s20 =	simm.s32 $0x2000;
	s4 =	sand.u32 $0x1, s2;
	s5 =	sshll.u32 s1, $0x1  }
0x9: {  	s21 =	simm.s32 $0x0;
	s2 =	simm.s32 $0x0;
	s8 =	sor.u32 s4, s5  }
0xa: {  	s4 =	ssub.s32 $0x2, s4;
	[smem:$0x7FF] =	sst s2;
	s5 =	sshll.u32 s8, $0x8  }
0xb: {  	s9 =	sshrl.u32 s4, $0x1;
	_ =	strace $0x80000047;
	s31 =	sshll.u32 s8, $0xA  }
0xc: {  	s8 =	sshll.u32 s8, $0x6;
	s5 =	sadd.s32 s5, s3;
	s11 =	ssub.s32 s4, s9  }
0xd: {  	s6 =	sadd.s32 s6, s31;
	s7 =	sadd.s32 s7, s8;
	s3 =	sadd.s32 $0xC00, s5  }
0xe: {  	s4 =	sadd.s32 $0xC10, s5;
	s5 =	sadd.s32 $0xC20, s5;
	s8 =	sadd.s32 $0x100, s6  }
0xf: {  	v0 =	vimm.f32 $0.0e+00;
	s9 =	sadd.s32 $0x200, s6;
	s10 =	sadd.s32 $0x300, s6;
	s11 =	smax.u32 s11, $0x1  }
.LBB2_1:
0x10: {  	[tilespmem:s2], [sflag:$0x1] =	stream.strided.gather [hbm4b:s3+s12], $0x200, s13, s12, $0x38;
	[tilespmem:$0x2800] =	vst v63  }
0x11: {  	_ =	swait.ge [sflag:s14], $0x200  }
0x12: {  	[sflag:s14] =	ssyncset.done $0x0  }
0x13: {  	[sflag:s14] =	ssyncadd.s32 $0xFFFFFE00  }
0x14: {  	[tilespmem:s13], [sflag:$0x1] =	stream.strided.gather [hbm4b:s4+s12], $0x200, s13, s12, $0x38;
	[tilespmem:$0x2800] =	vst v63  }
0x15: {  	_ =	swait.ge [sflag:s14], $0x200  }
0x16: {  	[sflag:s14] =	ssyncset.done $0x0  }
0x17: {  	[sflag:s14] =	ssyncadd.s32 $0xFFFFFE00  }
0x18: {  	[tilespmem:s15], [sflag:$0x1] =	stream.strided.gather [hbm4b:s5+s12], $0x200, s13, s12, $0x38;
	[tilespmem:$0x2800] =	vst v63  }
0x19: {  	_ =	swait.ge [sflag:s14], $0x200  }
0x1a: {  	[sflag:s14] =	ssyncset.done $0x0  }
0x1b: {  	[sflag:s14] =	ssyncadd.s32 $0xFFFFFE00  }
0x1c: {  	[tilespmem:s16], [sflag:$0x1] =	stream.linear.gather [hbm4b:s7+s2], $0x200, $0x38;
	[tilespmem:$0x2800] =	vst v63  }
0x1d: {  	_ =	swait.ge [sflag:s14], $0x200  }
0x1e: {  	[sflag:s14] =	ssyncset.done $0x0  }
0x1f: {  	[sflag:s14] =	ssyncadd.s32 $0xFFFFFE00  }
0x20: {  	[tilespmem:$0x800] =	vst v0  }
0x21: {  	[tilespmem:$0x1000] =	vst v0  }
0x22: {  	[tilespmem:$0x1800] =	vst v0  }
0x23: {  	[tilespmem:$0x2000] =	vst v0  }
0x24: {  	[tilespmem:$0x880] =	vst v0  }
0x25: {  	[tilespmem:$0x1080] =	vst v0  }
0x26: {  	[tilespmem:$0x1880] =	vst v0  }
0x27: {  	[tilespmem:$0x2080] =	vst v0  }
0x28: {  	[tilespmem:$0x900] =	vst v0  }
0x29: {  	[tilespmem:$0x1100] =	vst v0  }
0x2a: {  	[tilespmem:$0x1900] =	vst v0  }
0x2b: {  	[tilespmem:$0x2100] =	vst v0  }
0x2c: {  	[tilespmem:$0x980] =	vst v0  }
0x2d: {  	[tilespmem:$0x1180] =	vst v0  }
0x2e: {  	[tilespmem:$0x1980] =	vst v0  }
0x2f: {  	[tilespmem:$0x2180] =	vst v0  }
0x30: {  	[tilespmem:$0xA00] =	vst v0  }
0x31: {  	[tilespmem:$0x1200] =	vst v0  }
0x32: {  	[tilespmem:$0x1A00] =	vst v0  }
0x33: {  	[tilespmem:$0x2200] =	vst v0  }
0x34: {  	[tilespmem:$0xA80] =	vst v0  }
0x35: {  	[tilespmem:$0x1280] =	vst v0  }
0x36: {  	[tilespmem:$0x1A80] =	vst v0  }
0x37: {  	[tilespmem:$0x2280] =	vst v0  }
0x38: {  	[tilespmem:$0xB00] =	vst v0  }
0x39: {  	[tilespmem:$0x1300] =	vst v0  }
0x3a: {  	[tilespmem:$0x1B00] =	vst v0  }
0x3b: {  	[tilespmem:$0x2300] =	vst v0  }
0x3c: {  	[tilespmem:$0xB80] =	vst v0  }
0x3d: {  	[tilespmem:$0x1380] =	vst v0  }
0x3e: {  	[tilespmem:$0x1B80] =	vst v0  }
0x3f: {  	[tilespmem:$0x2380] =	vst v0  }
0x40: {  	[tilespmem:$0xC00] =	vst v0  }
0x41: {  	[tilespmem:$0x1400] =	vst v0  }
0x42: {  	[tilespmem:$0x1C00] =	vst v0  }
0x43: {  	[tilespmem:$0x2400] =	vst v0  }
0x44: {  	[tilespmem:$0xC80] =	vst v0  }
0x45: {  	[tilespmem:$0x1480] =	vst v0  }
0x46: {  	[tilespmem:$0x1C80] =	vst v0  }
0x47: {  	[tilespmem:$0x2480] =	vst v0  }
0x48: {  	[tilespmem:$0xD00] =	vst v0  }
0x49: {  	[tilespmem:$0x1500] =	vst v0  }
0x4a: {  	[tilespmem:$0x1D00] =	vst v0  }
0x4b: {  	[tilespmem:$0x2500] =	vst v0  }
0x4c: {  	[tilespmem:$0xD80] =	vst v0  }
0x4d: {  	[tilespmem:$0x1580] =	vst v0;
	v3 =	vld [tilespmem:$0x2000]  }
0x4e: {  	[tilespmem:$0x1D80] =	vst v0;
	v4 =	vld [tilespmem:$0x880]  }
0x4f: {  	[tilespmem:$0x2580] =	vst v0;
	v17 =	vld [tilespmem:$0x1080]  }
0x50: {  	[tilespmem:$0xE00] =	vst v0;
	v16 =	vld [tilespmem:$0x1880]  }
0x51: {  	[tilespmem:$0x1600] =	vst v0;
	v5 =	vld [tilespmem:$0x2080]  }
0x52: {  	[tilespmem:$0x1E00] =	vst v0;
	v6 =	vld [tilespmem:$0x900]  }
0x53: {  	[tilespmem:$0x2600] =	vst v0;
	v7 =	vld [tilespmem:$0x1100]  }
0x54: {  	[tilespmem:$0xE80] =	vst v0;
	v18 =	vld [tilespmem:$0x1900]  }
0x55: {  	[tilespmem:$0x1680] =	vst v0;
	v23 =	vld [tilespmem:$0x2100]  }
0x56: {  	[tilespmem:$0x1E80] =	vst v0;
	v8 =	vld [tilespmem:$0x980]  }
0x57: {  	[tilespmem:$0x2680] =	vst v0;
	v9 =	vld [tilespmem:$0x1180]  }
0x58: {  	[tilespmem:$0xF00] =	vst v0;
	v22 =	vld [tilespmem:$0x1980]  }
0x59: {  	[tilespmem:$0x1700] =	vst v0;
	v10 =	vld [tilespmem:$0x1200]  }
0x5a: {  	[tilespmem:$0x1F00] =	vst v0;
	v11 =	vld [tilespmem:$0x1A00]  }
0x5b: {  	[tilespmem:$0x2700] =	vst v0;
	v1 =	vld [tilespmem:$0x2200]  }
0x5c: {  	[tilespmem:$0xF80] =	vst v0;
	v12 =	vld [tilespmem:$0x1280]  }
0x5d: {  	[tilespmem:$0x1780] =	vst v0;
	v13 =	vld [tilespmem:$0x1A80]  }
0x5e: {  	[tilespmem:$0x1F80] =	vst v0;
	v2 =	vld [tilespmem:$0xB00]  }
0x5f: {  	s23 =	simm.s32 $0x0;
	s22 =	simm.s32 $0x40;
	[tilespmem:$0x2780] =	vst v0;
	v14 =	vld [tilespmem:$0x1380]  }
.LBB2_2:
0x60: {  	p0 =	sne.s32 s22, $0x7C0;
	v19 =	vld [tilespmem:s23+$0x600]  }
0x61: {  	v25 =	vld [tilespmem:$0x1C00]  }
0x62: {  	v20 =	vld [tilespmem:$0x2780]  }
0x63: {  	v26 =	vld [tilespmem:$0x1500]  }
0x64: {  	v27 =	vld [tilespmem:$0x1D80]  }
0x65: {  	vm13 =	veq.s32 v19, $0x1;
	vm14 =	veq.s32 v19, $0x2;
	v28 =	vld [tilespmem:$0x1680];
	vm12 =	veq.s32 v19, $0xF  }
0x66: {  	vm15 =	veq.s32 v19, $0x0;
	vm11 =	veq.s32 v19, $0xE;
	v29 =	vld [tilespmem:$0x800];
	v21 =	vsel vm12, $0x3F800000, v0  }
0x67: {  	vm9 =	veq.s32 v19, $0xC;
	vm10 =	veq.s32 v19, $0xD;
	v15 =	vld [tilespmem:s23+$0x0];
	v20 =	vadd.f32 v20, v21  }
0x68: {  	vm6 =	veq.s32 v19, $0x9;
	vm7 =	veq.s32 v19, $0xA;
	vm8 =	veq.s32 v19, $0xB;
	v21 =	vld [tilespmem:s23+$0x200]  }
0x69: {  	vm3 =	veq.s32 v19, $0x6;
	vm4 =	veq.s32 v19, $0x7;
	vm5 =	veq.s32 v19, $0x8;
	v24 =	vld [tilespmem:s23+$0x400];
	[tilespmem:$0x2780] =	vst v20  }
0x6a: {  	vm0 =	veq.s32 v19, $0x3;
	vm1 =	veq.s32 v19, $0x4;
	vm2 =	veq.s32 v19, $0x5;
	v30 =	vld [tilespmem:$0x1F00]  }
0x6b: {  	v19 =	vsel vm15, $0x3F800000, v0;
	v31 =	vsel vm14, $0x3F800000, v0;
	v20 =	vsel vm13, $0x3F800000, v0;
	v32 =	vld [tilespmem:$0x1F80]  }
0x6c: {  	v31 =	vadd.f32 v23, v31;
	v33 =	vnsel vm15, $0x0, v15;
	v34 =	vld [tilespmem:$0x1800];
	v23 =	vnsel vm0, $0x0, v15  }
0x6d: {  	v29 =	vadd.f32 v29, v33;
	v33 =	vnsel vm13, $0x0, v21;
	v35 =	vld [tilespmem:$0x1780];
	v36 =	vnsel vm12, $0x0, v21  }
0x6e: {  	v17 =	vadd.f32 v17, v33;
	v33 =	vnsel vm14, $0x0, v24;
	[tilespmem:$0x2100] =	vst v31;
	v31 =	vnsel vm0, $0x0, v24;
	v37 =	vld [tilespmem:$0x1700]  }
0x6f: {  	[tilespmem:$0x800] =	vst v29;
	v29 =	vnsel vm13, $0x0, v24;
	v18 =	vadd.f32 v18, v33;
	v22 =	vadd.f32 v22, v31;
	v31 =	vld [tilespmem:$0x1E80]  }
0x70: {  	v33 =	vnsel vm15, $0x0, v24;
	[tilespmem:$0x1080] =	vst v17;
	v16 =	vadd.f32 v16, v29;
	v17 =	vld [tilespmem:$0x1E00];
	v29 =	vnsel vm12, $0x0, v24  }
0x71: {  	v33 =	vadd.f32 v34, v33;
	[tilespmem:$0x1980] =	vst v22;
	v22 =	vld [tilespmem:$0x1600];
	v34 =	vnsel vm11, $0x0, v24;
	v29 =	vadd.f32 v32, v29  }
0x72: {  	v32 =	vnsel vm11, $0x0, v21;
	[tilespmem:$0x1900] =	vst v18;
	v18 =	vld [tilespmem:$0x1580];
	v30 =	vadd.f32 v30, v34;
	v34 =	vadd.f32 v35, v36  }
0x73: {  	v35 =	vnsel vm10, $0x0, v21;
	v36 =	vnsel vm10, $0x0, v24;
	[tilespmem:$0x1880] =	vst v16;
	v16 =	vld [tilespmem:$0x1D00];
	v32 =	vadd.f32 v37, v32  }
0x74: {  	v37 =	vnsel vm9, $0x0, v24;
	v28 =	vadd.f32 v28, v35;
	[tilespmem:$0x1800] =	vst v33;
	v33 =	vld [tilespmem:$0x1C80];
	v31 =	vadd.f32 v31, v36  }
0x75: {  	v38 =	vnsel vm9, $0x0, v21;
	v36 =	vnsel vm8, $0x0, v24;
	v35 =	vld [tilespmem:$0x1480];
	v17 =	vadd.f32 v17, v37;
	[tilespmem:$0x1F80] =	vst v29  }
0x76: {  	v37 =	vnsel vm8, $0x0, v21;
	v27 =	vadd.f32 v27, v36;
	v29 =	vld [tilespmem:$0x1400];
	v22 =	vadd.f32 v22, v38;
	[tilespmem:$0x1780] =	vst v34  }
0x77: {  	v36 =	vnsel vm7, $0x0, v21;
	v38 =	vnsel vm7, $0x0, v24;
	v34 =	vld [tilespmem:$0x1B80];
	v18 =	vadd.f32 v18, v37;
	[tilespmem:$0x1F00] =	vst v30  }
0x78: {  	v26 =	vadd.f32 v26, v36;
	v37 =	vnsel vm6, $0x0, v24;
	v30 =	vld [tilespmem:$0x1B00];
	v36 =	vadd.f32 v16, v38;
	[tilespmem:$0x1700] =	vst v32  }
0x79: {  	v39 =	vnsel vm6, $0x0, v21;
	v38 =	vnsel vm5, $0x0, v24;
	v32 =	vld [tilespmem:$0x1300];
	v33 =	vadd.f32 v33, v37;
	[tilespmem:$0x1E80] =	vst v31  }
0x7a: {  	v31 =	vnsel vm5, $0x0, v21;
	v25 =	vadd.f32 v25, v38;
	v16 =	vld [tilespmem:$0x2380];
	v35 =	vadd.f32 v35, v39;
	[tilespmem:$0x1680] =	vst v28  }
0x7b: {  	v37 =	vnsel vm4, $0x0, v24;
	v28 =	vnsel vm4, $0x0, v21;
	v29 =	vadd.f32 v29, v31;
	v31 =	vld [tilespmem:$0xC80];
	[tilespmem:$0x1E00] =	vst v17  }
0x7c: {  	v17 =	vnsel vm3, $0x0, v24;
	v14 =	vadd.f32 v14, v28;
	v28 =	vadd.f32 v34, v37;
	v34 =	vld [tilespmem:$0x2500];
	[tilespmem:$0x1600] =	vst v22  }
0x7d: {  	v38 =	vnsel vm3, $0x0, v21;
	v37 =	vnsel vm2, $0x0, v24;
	v22 =	vld [tilespmem:$0x1000];
	v17 =	vadd.f32 v30, v17;
	[tilespmem:$0x1D80] =	vst v27  }
0x7e: {  	v27 =	vnsel vm2, $0x0, v21;
	v13 =	vadd.f32 v13, v37;
	v30 =	vadd.f32 v32, v38;
	[tilespmem:$0x1580] =	vst v18;
	v18 =	vld [tilespmem:$0xE00]  }
0x7f: {  	v24 =	vnsel vm1, $0x0, v24;
	v32 =	vnsel vm1, $0x0, v21;
	v12 =	vadd.f32 v12, v27;
	[tilespmem:$0x1D00] =	vst v36;
	v27 =	vld [tilespmem:$0x2680]  }
0x80: {  	v11 =	vadd.f32 v11, v24;
	v36 =	vnsel vm0, $0x0, v21;
	v10 =	vadd.f32 v10, v32;
	[tilespmem:$0x1500] =	vst v26;
	v24 =	vld [tilespmem:$0xF80]  }
0x81: {  	v26 =	vnsel vm15, $0x0, v21;
	v21 =	vnsel vm14, $0x0, v21;
	v9 =	vadd.f32 v9, v36;
	[tilespmem:$0x1C80] =	vst v33;
	v32 =	vld [tilespmem:$0x2700]  }
0x82: {  	v7 =	vadd.f32 v7, v21;
	v22 =	vadd.f32 v22, v26;
	v26 =	vnsel vm14, $0x0, v15;
	[tilespmem:$0x1480] =	vst v35;
	v21 =	vld [tilespmem:$0xF00]  }
0x83: {  	v8 =	vadd.f32 v8, v23;
	v33 =	vnsel vm13, $0x0, v15;
	v6 =	vadd.f32 v6, v26;
	[tilespmem:$0x1C00] =	vst v25;
	v23 =	vld [tilespmem:$0xE80]  }
0x84: {  	v5 =	vadd.f32 v5, v20;
	v4 =	vadd.f32 v4, v33;
	v25 =	vnsel vm12, $0x0, v15;
	[tilespmem:$0x1400] =	vst v29;
	v20 =	vld [tilespmem:$0x2600]  }
0x85: {  	v3 =	vadd.f32 v3, v19;
	v26 =	vsel vm11, $0x3F800000, v0;
	[tilespmem:$0x1B80] =	vst v28;
	v19 =	vld [tilespmem:$0x2580];
	v24 =	vadd.f32 v24, v25  }
0x86: {  	v25 =	vsel vm10, $0x3F800000, v0;
	v28 =	vnsel vm11, $0x0, v15;
	[tilespmem:$0x1380] =	vst v14;
	v14 =	vld [tilespmem:$0xD80];
	v26 =	vadd.f32 v32, v26  }
0x87: {  	v29 =	vnsel vm10, $0x0, v15;
	v25 =	vadd.f32 v27, v25;
	[tilespmem:$0x1B00] =	vst v17;
	v17 =	vld [tilespmem:$0xD00];
	v21 =	vadd.f32 v21, v28  }
0x88: {  	v28 =	vnsel vm9, $0x0, v15;
	[tilespmem:$0x1300] =	vst v30;
	v27 =	vld [tilespmem:$0x2480];
	v30 =	vsel vm9, $0x3F800000, v0;
	v23 =	vadd.f32 v23, v29  }
0x89: {  	v29 =	vsel vm8, $0x3F800000, v0;
	v18 =	vadd.f32 v18, v28;
	[tilespmem:$0x1A80] =	vst v13;
	v13 =	vld [tilespmem:$0x2400];
	v20 =	vadd.f32 v20, v30  }
0x8a: {  	v28 =	vsel vm7, $0x3F800000, v0;
	v30 =	vnsel vm8, $0x0, v15;
	[tilespmem:$0x1280] =	vst v12;
	v12 =	vld [tilespmem:$0xC00];
	v19 =	vadd.f32 v19, v29  }
0x8b: {  	v28 =	vadd.f32 v34, v28;
	v29 =	vnsel vm7, $0x0, v15;
	[tilespmem:$0x1A00] =	vst v11;
	v11 =	vld [tilespmem:$0xB80];
	v14 =	vadd.f32 v14, v30  }
0x8c: {  	v32 =	vsel vm6, $0x3F800000, v0;
	v30 =	vnsel vm6, $0x0, v15;
	[tilespmem:$0x1200] =	vst v10;
	v10 =	vld [tilespmem:$0x2300];
	v29 =	vadd.f32 v17, v29  }
0x8d: {  	v17 =	vsel vm5, $0x3F800000, v0;
	v30 =	vadd.f32 v31, v30;
	[tilespmem:$0x1180] =	vst v9;
	v9 =	vld [tilespmem:$0x2280];
	v27 =	vadd.f32 v27, v32  }
0x8e: {  	v31 =	vsel vm4, $0x3F800000, v0;
	v32 =	vnsel vm5, $0x0, v15;
	[tilespmem:$0x1100] =	vst v7;
	v7 =	vld [tilespmem:$0xA80];
	v13 =	vadd.f32 v13, v17  }
0x8f: {  	v31 =	vadd.f32 v16, v31;
	[tilespmem:$0x1000] =	vst v22;
	v17 =	vld [tilespmem:$0xA00];
	v22 =	vnsel vm4, $0x0, v15;
	v12 =	vadd.f32 v12, v32  }
0x90: {  	v16 =	vnsel vm3, $0x0, v15;
	v32 =	vsel vm3, $0x3F800000, v0;
	[tilespmem:$0x980] =	vst v8;
	v8 =	vld [tilespmem:$0x2180];
	v11 =	vadd.f32 v11, v22  }
0x91: {  	v2 =	vadd.f32 v2, v16;
	[tilespmem:$0x900] =	vst v6;
	v6 =	vsel vm2, $0x3F800000, v0;
	v10 =	vadd.f32 v10, v32  }
0x92: {  	v16 =	vnsel vm2, $0x0, v15;
	[tilespmem:$0x2080] =	vst v5;
	v5 =	vsel vm1, $0x3F800000, v0;
	v32 =	vadd.f32 v9, v6  }
0x93: {  	[tilespmem:$0x880] =	vst v4;
	v4 =	vnsel vm1, $0x0, v15;
	v1 =	vadd.f32 v1, v5;
	v15 =	vadd.f32 v7, v16  }
0x94: {  	[tilespmem:$0x2000] =	vst v3;
	v3 =	vsel vm0, $0x3F800000, v0;
	v33 =	vadd.f32 v17, v4  }
0x95: {  	v34 =	vadd.f32 v8, v3;
	[tilespmem:$0xF80] =	vst v24  }
0x96: {  	[tilespmem:$0x2700] =	vst v26  }
0x97: {  	[tilespmem:$0xF00] =	vst v21  }
0x98: {  	[tilespmem:$0x2680] =	vst v25  }
0x99: {  	[tilespmem:$0xE80] =	vst v23  }
0x9a: {  	[tilespmem:$0x2600] =	vst v20  }
0x9b: {  	[tilespmem:$0xE00] =	vst v18  }
0x9c: {  	[tilespmem:$0x2580] =	vst v19  }
0x9d: {  	v3 =	vld [tilespmem:$0x2000];
	[tilespmem:$0xD80] =	vst v14  }
0x9e: {  	v4 =	vld [tilespmem:$0x880];
	[tilespmem:$0x2500] =	vst v28  }
0x9f: {  	v17 =	vld [tilespmem:$0x1080];
	[tilespmem:$0xD00] =	vst v29  }
0xa0: {  	v16 =	vld [tilespmem:$0x1880];
	[tilespmem:$0x2480] =	vst v27  }
0xa1: {  	v5 =	vld [tilespmem:$0x2080];
	[tilespmem:$0xC80] =	vst v30  }
0xa2: {  	v6 =	vld [tilespmem:$0x900];
	[tilespmem:$0x2400] =	vst v13  }
0xa3: {  	v7 =	vld [tilespmem:$0x1100];
	[tilespmem:$0xC00] =	vst v12  }
0xa4: {  	v18 =	vld [tilespmem:$0x1900];
	[tilespmem:$0x2380] =	vst v31  }
0xa5: {  	v23 =	vld [tilespmem:$0x2100];
	[tilespmem:$0xB80] =	vst v11  }
0xa6: {  	v8 =	vld [tilespmem:$0x980];
	[tilespmem:$0x2300] =	vst v10  }
0xa7: {  	v9 =	vld [tilespmem:$0x1180];
	[tilespmem:$0xB00] =	vst v2  }
0xa8: {  	v22 =	vld [tilespmem:$0x1980];
	[tilespmem:$0x2280] =	vst v32  }
0xa9: {  	v10 =	vld [tilespmem:$0x1200];
	[tilespmem:$0xA80] =	vst v15  }
0xaa: {  	v11 =	vld [tilespmem:$0x1A00];
	[tilespmem:$0x2200] =	vst v1  }
.Ltmp0:
0xab: {  	v1 =	vld [tilespmem:$0x2200];
	[tilespmem:$0xA00] =	vst v33;
	(pc) =	sbr.rel @p0 .LBB2_2-.Ltmp0, $4  }
0xac: {  	v12 =	vld [tilespmem:$0x1280];
	[tilespmem:$0x2180] =	vst v34  }
0xad: {  	v13 =	vld [tilespmem:$0x1A80]  }
0xae: {  	v2 =	vld [tilespmem:$0xB00]  }
0xaf: {  	s23 =	sshra.s32 s22, $0x2;
	s22 =	sadd.s32 $0x40, s22;
	v14 =	vld [tilespmem:$0x1380]  }
0xb0: {  	v20 =	vld [tilespmem:s23+$0x600];
	_ =	sdelay $0x1  }
0xb1: {  	v21 =	vld [tilespmem:$0x2780]  }
0xb2: {  	v24 =	vld [tilespmem:$0x800]  }
0xb3: {  	v15 =	vld [tilespmem:s23+$0x0]  }
0xb4: {  	v19 =	vld [tilespmem:s23+$0x200];
	vm1 =	veq.s32 v20, $0xF;
	vm4 =	veq.s32 v20, $0x2;
	vm2 =	veq.s32 v20, $0x0  }
0xb5: {  	v25 =	vld [tilespmem:s23+$0x400];
	vm3 =	veq.s32 v20, $0x1;
	vm0 =	veq.s32 v20, $0x3;
	vm5 =	veq.s32 v20, $0xE  }
0xb6: {  	vm6 =	veq.s32 v20, $0xD;
	vm7 =	veq.s32 v20, $0xC;
	v26 =	vsel vm1, $0x3F800000, v0  }
0xb7: {  	vm9 =	veq.s32 v20, $0xB;
	v44 =	vsel vm4, $0x3F800000, v0;
	v21 =	vadd.f32 v21, v26  }
0xb8: {  	vm8 =	veq.s32 v20, $0xA;
	v27 =	vnsel vm2, $0x0, v15;
	v23 =	vadd.f32 v23, v44  }
0xb9: {  	v49 =	vld [tilespmem:$0x1780];
	vm10 =	veq.s32 v20, $0x9;
	v46 =	vnsel vm3, $0x0, v19;
	v24 =	vadd.f32 v24, v27;
	[tilespmem:$0x2780] =	vst v21  }
0xba: {  	vm12 =	veq.s32 v20, $0x8;
	v48 =	vnsel vm0, $0x0, v25;
	v17 =	vadd.f32 v17, v46;
	[tilespmem:$0x2100] =	vst v23  }
0xbb: {  	vm11 =	veq.s32 v20, $0x7;
	v28 =	vnsel vm4, $0x0, v25;
	v22 =	vadd.f32 v22, v48;
	[tilespmem:$0x800] =	vst v24  }
0xbc: {  	v45 =	vld [tilespmem:$0x1800];
	vm13 =	veq.s32 v20, $0x6;
	v51 =	vnsel vm3, $0x0, v25;
	v18 =	vadd.f32 v18, v28;
	[tilespmem:$0x1080] =	vst v17  }
0xbd: {  	v47 =	vld [tilespmem:$0x1F80];
	vm14 =	veq.s32 v20, $0x5;
	v57 =	vnsel vm1, $0x0, v19;
	v16 =	vadd.f32 v16, v51;
	[tilespmem:$0x1980] =	vst v22  }
0xbe: {  	v50 =	vld [tilespmem:$0x1F00];
	vm15 =	veq.s32 v20, $0x4;
	v20 =	vsel vm3, $0x3F800000, v0;
	v26 =	vadd.f32 v49, v57;
	[tilespmem:$0x1900] =	vst v18  }
0xbf: {  	v52 =	vld [tilespmem:$0x1700];
	v57 =	vnsel vm14, $0x0, v25;
	v5 =	vadd.f32 v5, v20;
	[tilespmem:$0x1880] =	vst v16  }
0xc0: {  	v54 =	vld [tilespmem:$0x1E80];
	v53 =	vnsel vm2, $0x0, v25;
	v13 =	vadd.f32 v13, v57;
	[tilespmem:$0x1780] =	vst v26  }
0xc1: {  	v56 =	vld [tilespmem:$0x1680];
	v55 =	vnsel vm1, $0x0, v25;
	v21 =	vadd.f32 v45, v53;
	[tilespmem:$0x2080] =	vst v5  }
0xc2: {  	v58 =	vld [tilespmem:$0x1E00];
	v59 =	vnsel vm5, $0x0, v25;
	v24 =	vadd.f32 v47, v55;
	[tilespmem:$0x1A80] =	vst v13  }
0xc3: {  	v32 =	vld [tilespmem:$0x1580];
	v61 =	vnsel vm5, $0x0, v19;
	v23 =	vadd.f32 v50, v59;
	[tilespmem:$0x1800] =	vst v21  }
0xc4: {  	v63 =	vnsel vm6, $0x0, v25;
	v17 =	vadd.f32 v52, v61;
	[tilespmem:$0x1F80] =	vst v24  }
0xc5: {  	v33 =	vnsel vm6, $0x0, v19;
	v22 =	vadd.f32 v54, v63;
	[tilespmem:$0x1F00] =	vst v23  }
0xc6: {  	v35 =	vnsel vm7, $0x0, v25;
	v18 =	vadd.f32 v56, v33;
	[tilespmem:$0x1700] =	vst v17  }
0xc7: {  	v41 =	vnsel vm9, $0x0, v19;
	v16 =	vadd.f32 v58, v35;
	[tilespmem:$0x1E80] =	vst v22  }
0xc8: {  	v60 =	vld [tilespmem:$0x1600];
	v26 =	vadd.f32 v32, v41;
	v54 =	vnsel vm11, $0x0, v19;
	[tilespmem:$0x1680] =	vst v18  }
0xc9: {  	v62 =	vld [tilespmem:$0x1D80];
	v58 =	vnsel vm14, $0x0, v19;
	v14 =	vadd.f32 v14, v54;
	[tilespmem:$0x1E00] =	vst v16  }
0xca: {  	v34 =	vld [tilespmem:$0x1D00];
	v61 =	vnsel vm15, $0x0, v19;
	v12 =	vadd.f32 v12, v58;
	[tilespmem:$0x1580] =	vst v26  }
0xcb: {  	v36 =	vld [tilespmem:$0x1500];
	v63 =	vnsel vm4, $0x0, v19;
	v10 =	vadd.f32 v10, v61;
	[tilespmem:$0x1380] =	vst v14  }
0xcc: {  	v38 =	vld [tilespmem:$0x1C80];
	v37 =	vnsel vm7, $0x0, v19;
	v7 =	vadd.f32 v7, v63;
	[tilespmem:$0x1280] =	vst v12  }
0xcd: {  	v40 =	vld [tilespmem:$0x1480];
	v39 =	vnsel vm9, $0x0, v25;
	v21 =	vadd.f32 v60, v37;
	[tilespmem:$0x1200] =	vst v10  }
0xce: {  	v42 =	vld [tilespmem:$0x1C00];
	v43 =	vnsel vm8, $0x0, v25;
	v24 =	vadd.f32 v62, v39;
	[tilespmem:$0x1100] =	vst v7  }
0xcf: {  	v45 =	vnsel vm8, $0x0, v19;
	v23 =	vadd.f32 v34, v43;
	[tilespmem:$0x1600] =	vst v21  }
0xd0: {  	v47 =	vnsel vm10, $0x0, v25;
	v17 =	vadd.f32 v36, v45;
	[tilespmem:$0x1D80] =	vst v24  }
0xd1: {  	v48 =	vnsel vm10, $0x0, v19;
	v28 =	vld [tilespmem:$0x2600];
	v22 =	vadd.f32 v38, v47;
	[tilespmem:$0x1D00] =	vst v23  }
0xd2: {  	v44 =	vld [tilespmem:$0x1400];
	v50 =	vnsel vm12, $0x0, v25;
	v18 =	vadd.f32 v40, v48;
	[tilespmem:$0x1500] =	vst v17  }
0xd3: {  	v46 =	vld [tilespmem:$0x1B80];
	v16 =	vadd.f32 v42, v50;
	v60 =	vnsel vm15, $0x0, v25;
	[tilespmem:$0x1C80] =	vst v22  }
0xd4: {  	v49 =	vld [tilespmem:$0x1B00];
	v62 =	vnsel vm0, $0x0, v19;
	v11 =	vadd.f32 v11, v60;
	[tilespmem:$0x1480] =	vst v18  }
0xd5: {  	v51 =	vld [tilespmem:$0x1300];
	v36 =	vsel vm7, $0x3F800000, v0;
	v9 =	vadd.f32 v9, v62;
	[tilespmem:$0x1C00] =	vst v16  }
0xd6: {  	v52 =	vnsel vm12, $0x0, v19;
	v5 =	vadd.f32 v28, v36;
	[tilespmem:$0x1A00] =	vst v11  }
0xd7: {  	v53 =	vnsel vm11, $0x0, v25;
	v21 =	vadd.f32 v44, v52;
	[tilespmem:$0x1180] =	vst v9  }
0xd8: {  	v55 =	vnsel vm13, $0x0, v25;
	v59 =	vld [tilespmem:$0x1000];
	v22 =	vadd.f32 v46, v53;
	[tilespmem:$0x2600] =	vst v5  }
0xd9: {  	v56 =	vnsel vm13, $0x0, v19;
	v16 =	vadd.f32 v49, v55;
	[tilespmem:$0x1400] =	vst v21  }
0xda: {  	v14 =	vnsel vm2, $0x0, v19;
	v19 =	vnsel vm4, $0x0, v15;
	v17 =	vadd.f32 v51, v56;
	[tilespmem:$0x1B80] =	vst v22  }
0xdb: {  	v62 =	vsel vm15, $0x3F800000, v0;
	v6 =	vadd.f32 v6, v19;
	[tilespmem:$0x1B00] =	vst v16  }
0xdc: {  	v1 =	vadd.f32 v1, v62;
	[tilespmem:$0x1300] =	vst v17  }
0xdd: {  	v26 =	vld [tilespmem:$0xE80];
	v23 =	vnsel vm3, $0x0, v15;
	v11 =	vadd.f32 v59, v14;
	[tilespmem:$0x900] =	vst v6  }
0xde: {  	v30 =	vld [tilespmem:$0xE00];
	v24 =	vsel vm2, $0x3F800000, v0;
	v4 =	vadd.f32 v4, v23;
	[tilespmem:$0x2200] =	vst v1  }
0xdf: {  	v43 =	vld [tilespmem:$0x2400];
	v3 =	vadd.f32 v3, v24;
	v59 =	vnsel vm13, $0x0, v15;
	[tilespmem:$0x1000] =	vst v11  }
0xe0: {  	v18 =	vld [tilespmem:$0xF80];
	v17 =	vnsel vm0, $0x0, v15;
	v2 =	vadd.f32 v2, v59;
	[tilespmem:$0x880] =	vst v4  }
0xe1: {  	v25 =	vld [tilespmem:$0x2680];
	v34 =	vnsel vm6, $0x0, v15;
	v8 =	vadd.f32 v8, v17;
	[tilespmem:$0x2000] =	vst v3  }
0xe2: {  	v41 =	vld [tilespmem:$0xC80];
	v38 =	vnsel vm7, $0x0, v15;
	v6 =	vadd.f32 v26, v34;
	[tilespmem:$0xB00] =	vst v2  }
0xe3: {  	v51 =	vsel vm12, $0x3F800000, v0;
	v3 =	vld [tilespmem:$0x2580];
	v4 =	vadd.f32 v30, v38;
	[tilespmem:$0x980] =	vst v8  }
0xe4: {  	v27 =	vnsel vm1, $0x0, v15;
	v45 =	vld [tilespmem:$0xC00];
	v5 =	vadd.f32 v43, v51;
	[tilespmem:$0xE80] =	vst v6  }
0xe5: {  	v32 =	vsel vm6, $0x3F800000, v0;
	v50 =	vld [tilespmem:$0x2300];
	v9 =	vadd.f32 v18, v27;
	[tilespmem:$0xE00] =	vst v4  }
0xe6: {  	v58 =	vld [tilespmem:$0xA00];
	v49 =	vnsel vm10, $0x0, v15;
	v8 =	vadd.f32 v25, v32;
	[tilespmem:$0x2400] =	vst v5  }
0xe7: {  	v40 =	vsel vm9, $0x3F800000, v0;
	v21 =	vld [tilespmem:$0x2700];
	v6 =	vadd.f32 v41, v49;
	[tilespmem:$0xF80] =	vst v9  }
0xe8: {  	v52 =	vnsel vm12, $0x0, v15;
	v22 =	vld [tilespmem:$0xF00];
	[tilespmem:$0x2680] =	vst v8;
	v3 =	vadd.f32 v3, v40  }
0xe9: {  	v57 =	vsel vm13, $0x3F800000, v0;
	v33 =	vld [tilespmem:$0xD80];
	v4 =	vadd.f32 v45, v52;
	[tilespmem:$0xC80] =	vst v6  }
0xea: {  	v2 =	vnsel vm15, $0x0, v15;
	v5 =	vadd.f32 v50, v57;
	[tilespmem:$0x2580] =	vst v3;
	v3 =	vld [tilespmem:$0x2380]  }
0xeb: {  	v29 =	vsel vm5, $0x3F800000, v0;
	v39 =	vld [tilespmem:$0x2480];
	v2 =	vadd.f32 v58, v2;
	[tilespmem:$0xC00] =	vst v4  }
0xec: {  	v31 =	vnsel vm5, $0x0, v15;
	v55 =	vld [tilespmem:$0xA80];
	v7 =	vadd.f32 v21, v29;
	[tilespmem:$0x2300] =	vst v5  }
0xed: {  	v35 =	vld [tilespmem:$0x2500];
	v42 =	vnsel vm9, $0x0, v15;
	v11 =	vadd.f32 v22, v31;
	[tilespmem:$0xA00] =	vst v2  }
0xee: {  	v54 =	vsel vm11, $0x3F800000, v0;
	v37 =	vld [tilespmem:$0xD00];
	v9 =	vadd.f32 v33, v42;
	[tilespmem:$0x2700] =	vst v7  }
0xef: {  	v47 =	vsel vm10, $0x3F800000, v0;
	v48 =	vld [tilespmem:$0xB80];
	[tilespmem:$0xF00] =	vst v11;
	v3 =	vadd.f32 v3, v54  }
0xf0: {  	v61 =	vnsel vm14, $0x0, v15;
	v53 =	vld [tilespmem:$0x2280];
	v8 =	vadd.f32 v39, v47;
	[tilespmem:$0xD80] =	vst v9  }
0xf1: {  	v44 =	vsel vm8, $0x3F800000, v0;
	v6 =	vadd.f32 v55, v61;
	[tilespmem:$0x2380] =	vst v3;
	v3 =	vld [tilespmem:$0x2180]  }
0xf2: {  	v46 =	vnsel vm8, $0x0, v15;
	v7 =	vadd.f32 v35, v44;
	[tilespmem:$0x2480] =	vst v8  }
0xf3: {  	v56 =	vnsel vm11, $0x0, v15;
	v11 =	vadd.f32 v37, v46;
	[tilespmem:$0xA80] =	vst v6  }
0xf4: {  	v60 =	vsel vm14, $0x3F800000, v0;
	v9 =	vadd.f32 v48, v56;
	[tilespmem:$0x2500] =	vst v7  }
0xf5: {  	v63 =	vsel vm0, $0x3F800000, v0;
	[tilespmem:$0xD00] =	vst v11;
	v7 =	vadd.f32 v53, v60  }
0xf6: {  	[tilespmem:$0xB80] =	vst v9;
	v3 =	vadd.f32 v3, v63  }
0xf7: {  	[tilespmem:$0x2280] =	vst v7  }
0xf8: {  	[tilespmem:$0x2180] =	vst v3  }
0xf9: {  	[hbm4b:s6+s2] =	stream.linear.scatter [tilespmem:s17], [sflag:$0x1], $0x800, $0x38;
	[tilespmem:$0x2800] =	vst v63  }
0xfa: {  	_ =	swait.ge [sflag:s14], $0x800  }
0xfb: {  	[sflag:s14] =	ssyncset.done $0x0  }
0xfc: {  	[sflag:s14] =	ssyncadd.s32 $0xFFFFF800  }
0xfd: {  	[hbm4b:s8+s2] =	stream.linear.scatter [tilespmem:s18], [sflag:$0x1], $0x800, $0x38;
	[tilespmem:$0x2800] =	vst v63  }
0xfe: {  	_ =	swait.ge [sflag:s14], $0x800  }
0xff: {  	[sflag:s14] =	ssyncset.done $0x0  }
0x100: {  	[sflag:s14] =	ssyncadd.s32 $0xFFFFF800  }
0x101: {  	[hbm4b:s9+s2] =	stream.linear.scatter [tilespmem:s19], [sflag:$0x1], $0x800, $0x38;
	[tilespmem:$0x2800] =	vst v63  }
0x102: {  	s21 =	sadd.s32 $0x1, s21;
	_ =	swait.ge [sflag:s14], $0x800  }
0x103: {  	p0 =	sne.s32 s21, s11;
	[sflag:s14] =	ssyncset.done $0x0  }
.Ltmp1:
0x104: {  	[sflag:s14] =	ssyncadd.s32 $0xFFFFF800;
	(pc) =	sbr.rel @p0 .LBB2_1-.Ltmp1, $4  }
0x105: {  	[hbm4b:s10+s2] =	stream.linear.scatter [tilespmem:s20], [sflag:$0x1], $0x800, $0x38;
	[tilespmem:$0x2800] =	vst v63  }
0x106: {  	_ =	swait.ge [sflag:s14], $0x800  }
0x107: {  	[sflag:s14] =	ssyncset.done $0x0  }
0x108: {  	[sflag:s14] =	ssyncadd.s32 $0xFFFFF800  }
0x109: {  	_ =	sfence.sel $0x180000  }
0x10a: {  	[bflag:$0x0] =	sbarrier.arrive $0xFFFF  }
0x10b: {  	p0 =	sne.s32 s1, $0x0;
	_ =	strace $0x90000047  }
0x10c: {  	s0 =	sadd.s32 @!p0 $0x100000, s0;
	[bflag:$0x2] =	sbarrier.arrive $0xFFFF  }
0x10d: {  	[sflag:s0] =	ssyncadd.tile.s32 @!p0 $0x1;
	_ =	shalt  }
.Lfunc_end2:
_tile_overlayer_lowered:
.L_overlay_start_2:
0x10e: {  	(tag) =	ssettag $0x2  }
0x10f: {  	s0 =	rddreg [dreg:$0x0];
	s2 =	stileid.u32  }
0x110: {  	s1 =	rddreg [dreg:$0x1];
	p0 =	sne.s32 s2, $0x0  }
0x111: {  	s3 =	rddreg [dreg:$0x2];
	[bflag:$0x3] =	sbarrier.arrive $0xFFFF;
	s2 =	simm.s32 @!p0 $0x1C01  }
0x112: {  	[timem:s3], [sflag:s2] =	dma.local @!p0 [hbm:s0], s1  }
0x113: {  	s0 =	simm.s32 @!p0 $0x1  }
0x114: {  	_ =	swait.ge @!p0 [sflag:s0], s1  }
0x115: {  	s1 =	ssub.s32 @!p0 $0x0, s1;
	[sflag:s0] =	ssyncset.done @!p0 $0x0  }
0x116: {  	[sflag:s0] =	ssyncadd.s32 @!p0 s1  }
0x117: {  	[bflag:$0x3] =	sbarrier.arrive $0xFFFF  }
0x118: {  	_ =	shalt  }

</sc_bundles>
